<compile_context>
chip_gen: v7x
topology: tpu7x:2x2x1
jax: 0.10.2.dev20260603
libtpu: 0.0.44.dev20260713+nightly
codegen_flags: <defaults>
</compile_context>

<pallas_src>
import jax
import jax.numpy as jnp
from jax import lax
from jax.experimental import pallas as pl
from jax.experimental.pallas import tpu as pltpu
from jax.experimental.pallas import tpu_sc as plsc

N = 4096
MOL = 16
MH = 64
UH = 64
HEADS = 2
HU = HEADS * UH
CUTOFF = 0.25
CUT2 = CUTOFF * CUTOFF
SELF_DIM = 2 + MOL + 1 + 1
OUT_DIM = 2 + 1 + MOL + 1
K = 256
PAY = 32

NC = 2
NS = 16
NW = NC * NS
RW = N // NW
LANES = 16
GR = 32
NG = RW // GR
NFC = 20
PAYR = 24



def _nbr_body(xs_hbm, ys_hbm, ang_hbm, molt_hbm, gen_hbm, deg_hbm,
              sang_hbm, cang_hbm,
              nbr_hbm, dx_hbm, dy_hbm, da_hbm, pay_hbm,
              xs_v, ys_v, ang_v, nbr_g, dx_g, dy_g, da_g,
              idx_v, tbl_v, out_v):
    cid = lax.axis_index("c")
    sid = lax.axis_index("s")
    wid = sid * NC + cid
    base = wid * RW
    pltpu.sync_copy(xs_hbm, xs_v)
    pltpu.sync_copy(ys_hbm, ys_v)
    pltpu.sync_copy(ang_hbm, ang_v)

    zero16i = jnp.zeros((LANES,), jnp.int32)
    zero16f = jnp.zeros((LANES,), jnp.float32)
    lane_iota = lax.iota(jnp.int32, LANES)

    def group_body(g, carry0):
        def zb(t, carry):
            sl = pl.ds(t * LANES, LANES)
            nbr_g[sl] = zero16i
            dx_g[sl] = zero16f
            dy_g[sl] = zero16f
            da_g[sl] = zero16f
            return carry

        lax.fori_loop(0, GR * K // LANES, zb, 0)

        def row_body(rr, carry):
            r = g * GR + rr
            i = base + r
            iv = jnp.full((LANES,), i, jnp.int32)
            xi = plsc.load_gather(xs_v, [iv])
            yi = plsc.load_gather(ys_v, [iv])
            ai = plsc.load_gather(ang_v, [iv])
            rowbase = rr * K

            def cb(cc, cnt):
                off = cc * LANES
                jv = lane_iota + off
                xj = xs_v[pl.ds(off, LANES)]
                yj = ys_v[pl.ds(off, LANES)]
                dxv = xj - xi
                dyv = yj - yi
                d2 = dxv * dxv + dyv * dyv
                m = jnp.logical_and(d2 <= CUT2, jv != i)
                mi = m.astype(jnp.int32)
                pos = jnp.minimum(cnt + plsc.cumsum(mi) - 1, K - 1) + rowbase
                aj = ang_v[pl.ds(off, LANES)]
                plsc.store_scatter(nbr_g, [pos], jv, mask=m)
                plsc.store_scatter(dx_g, [pos], dxv, mask=m)
                plsc.store_scatter(dy_g, [pos], dyv, mask=m)
                plsc.store_scatter(da_g, [pos], aj - ai, mask=m)
                return cnt + jnp.sum(mi)

            lax.fori_loop(0, N // LANES, cb, jnp.int32(0), unroll=4)
            return carry

        lax.fori_loop(0, GR, row_body, 0)
        gbase = (base + g * GR) * K
        sl = pl.ds(gbase, GR * K)
        pltpu.sync_copy(nbr_g, nbr_hbm.at[sl])
        pltpu.sync_copy(dx_g, dx_hbm.at[sl])
        pltpu.sync_copy(dy_g, dy_hbm.at[sl])
        pltpu.sync_copy(da_g, da_hbm.at[sl])
        return carry0

    lax.fori_loop(0, NG, group_body, 0)

    ebase = base * K
    pltpu.sync_copy(nbr_hbm.at[pl.ds(ebase, RW * K)], idx_v)

    col_srcs = [molt_hbm.at[pl.ds(c * N, N)] for c in range(MOL)]
    col_srcs += [gen_hbm, deg_hbm, sang_hbm, cang_hbm]

    for col, src in enumerate(col_srcs):
        pltpu.sync_copy(src, tbl_v)

        def gcb(t, carry):
            sl = pl.ds(t * LANES, LANES)
            out_v[sl] = plsc.load_gather(tbl_v, [idx_v[sl]])
            return carry

        lax.fori_loop(0, RW * K // LANES, gcb, 0)
        pltpu.sync_copy(out_v, pay_hbm.at[col, pl.ds(ebase, RW * K)])

    zf = jnp.zeros((LANES,), jnp.float32)

    def zpb(t, carry):
        out_v[pl.ds(t * LANES, LANES)] = zf
        return carry

    lax.fori_loop(0, RW * K // LANES, zpb, 0)
    for col in range(NFC, PAYR):
        pltpu.sync_copy(out_v, pay_hbm.at[col, pl.ds(ebase, RW * K)])


def _nbr_call(xs, ys, ang, mol_t, gen, deg, sang, cang):
    f = pl.kernel(
        _nbr_body,
        out_type=(
            jax.ShapeDtypeStruct((N * K,), jnp.int32),
            jax.ShapeDtypeStruct((N * K,), jnp.float32),
            jax.ShapeDtypeStruct((N * K,), jnp.float32),
            jax.ShapeDtypeStruct((N * K,), jnp.float32),
            jax.ShapeDtypeStruct((PAYR, N * K), jnp.float32),
        ),
        mesh=plsc.VectorSubcoreMesh(core_axis_name="c", subcore_axis_name="s",
                                    num_cores=NC, num_subcores=NS),
        scratch_types=[
            pltpu.VMEM((N,), jnp.float32),
            pltpu.VMEM((N,), jnp.float32),
            pltpu.VMEM((N,), jnp.float32),
            pltpu.VMEM((GR * K,), jnp.int32),
            pltpu.VMEM((GR * K,), jnp.float32),
            pltpu.VMEM((GR * K,), jnp.float32),
            pltpu.VMEM((GR * K,), jnp.float32),
            pltpu.VMEM((RW * K,), jnp.int32),
            pltpu.VMEM((N,), jnp.float32),
            pltpu.VMEM((RW * K,), jnp.float32),
        ],
        compiler_params=pltpu.CompilerParams(use_tc_tiling_on_sc=False,
                                             needs_layout_passes=False),
    )
    return f(xs, ys, ang, mol_t, gen, deg, sang, cang)


DT = 512


def _deg_body(xt_ref, yt_ref, xa_ref, ya_ref, deg_ref):
    xt = xt_ref[...]
    yt = yt_ref[...]
    xa = xa_ref[...]
    ya = ya_ref[...]
    dxm = xt - xa
    dym = yt - ya
    m = (dxm * dxm + dym * dym) <= CUT2
    deg_ref[...] = jnp.sum(m.astype(jnp.float32), axis=1, keepdims=True) - 1.0


def _deg_call(xs, ys):
    return pl.pallas_call(
        _deg_body,
        grid=(N // DT,),
        in_specs=[
            pl.BlockSpec((DT, 1), lambda i: (i, 0)),
            pl.BlockSpec((DT, 1), lambda i: (i, 0)),
            pl.BlockSpec((1, N), lambda i: (0, 0)),
            pl.BlockSpec((1, N), lambda i: (0, 0)),
        ],
        out_specs=pl.BlockSpec((DT, 1), lambda i: (i, 0)),
        out_shape=jax.ShapeDtypeStruct((N, 1), jnp.float32),
    )(xs[:, None], ys[:, None], xs[None, :], ys[None, :])



def _sincos_body(a_ref, s_ref, c_ref):
    a = a_ref[...]
    s_ref[...] = jnp.sin(a)
    c_ref[...] = jnp.cos(a)


def _sincos_call(ang):
    s, c = pl.pallas_call(
        _sincos_body,
        out_shape=(jax.ShapeDtypeStruct((32, 128), jnp.float32),
                   jax.ShapeDtypeStruct((32, 128), jnp.float32)),
    )(ang.reshape(32, 128))
    return s.reshape(N), c.reshape(N)


TN = 32
E = TN * K


def _bc(s, w):
    return lax.broadcast_in_dim(s, (TN, K, w.shape[-1]), (0, 1)) * w[None]


def _dott(a_t, b):
    return lax.dot_general(a_t, b, (((0,), (0,)), ((), ())),
                           preferred_element_type=jnp.float32)


def _tc_body(pay_ref, nf_ref, deg_ref, sang_ref, cang_ref,
             dx_ref, dy_ref, da_ref,
             w1at_ref, w1a_ref, w1s_ref, b1_ref, w2_ref, b2_ref, w3_ref,
             b3_ref, wkvpt_ref, wem2_ref, bkv_ref, wes_ref, wq_ref, bq_ref,
             wskip_ref, bskip_ref, hw1_ref, hb1_ref, hw2_ref, hb2_ref,
             hw3_ref, hb3_ref, out_ref):
    PT = pay_ref[...]
    ni = nf_ref[...]
    dx = dx_ref[...]
    dy = dy_ref[...]
    da = da_ref[...]

    r = jnp.sqrt(jnp.maximum(dx * dx + dy * dy, 1e-12))
    sda = jnp.sin(da)
    cda = jnp.cos(da)

    bf16 = jnp.bfloat16
    PTb = PT.astype(bf16)
    pre = (_dott(PTb, w1at_ref[...]).reshape(TN, K, MH)
           + (b1_ref[...] - ni @ w1a_ref[...])[:, None, :]
           + _bc(dx, w1s_ref[0:1]) + _bc(dy, w1s_ref[1:2])
           + _bc(r, w1s_ref[2:3]) + _bc(sda, w1s_ref[3:4])
           + _bc(cda, w1s_ref[4:5]))
    h = jnp.maximum(pre, 0.0).reshape(E, MH).astype(bf16)
    h = jnp.maximum(lax.dot_general(h, w2_ref[...], (((1,), (0,)), ((), ())),
                                    preferred_element_type=jnp.float32)
                    + b2_ref[...], 0.0).astype(bf16)
    msg = jnp.maximum(lax.dot_general(h, w3_ref[...], (((1,), (0,)), ((), ())),
                                      preferred_element_type=jnp.float32)
                      + b3_ref[...], 0.0)

    sfi = jnp.concatenate(
        [sang_ref[...], cang_ref[...], ni[:, 0:16], ni[:, 16:17],
         deg_ref[...]], axis=-1)
    qi = sfi @ wq_ref[...] + bq_ref[...]
    eself = sfi @ wes_ref[...]

    ib = bkv_ref[...] + jnp.concatenate([eself, eself], axis=-1)
    KV2 = ((_dott(PTb, wkvpt_ref[...])
            + lax.dot_general(msg.astype(bf16), wem2_ref[...],
                              (((1,), (0,)), ((), ())),
                              preferred_element_type=jnp.float32))
           .reshape(TN, K, 4 * UH) + ib[:, None, :])
    ve = KV2[..., 2 * UH:]

    kje = KV2[..., :2 * UH] * qi[:, None, :]
    scale = 1.0 / (float(UH) ** 0.5)
    a_h = [jnp.sum(kje[..., h_ * UH:(h_ + 1) * UH], axis=-1) * scale
           for h_ in range(HEADS)]

    degi = deg_ref[...]
    slot = lax.broadcasted_iota(jnp.int32, (TN, K), 1).astype(jnp.float32)
    valid = slot < jnp.minimum(degi, float(K))

    outs = []
    for h_ in range(HEADS):
        ah = jnp.where(valid, a_h[h_], -1e30)
        am = jnp.max(ah, axis=1, keepdims=True)
        am = jnp.where(degi > 0.0, am, 0.0)
        ea = jnp.where(valid, jnp.exp(ah - am), 0.0)
        den = jnp.sum(ea, axis=1, keepdims=True)
        inv = 1.0 / (den + 1e-16)
        eab = lax.broadcast_in_dim(ea, (TN, K, UH), (0, 1))
        oh = jnp.sum(ve[..., h_ * UH:(h_ + 1) * UH] * eab, axis=1)
        outs.append(oh * inv)

    out = (outs[0] + outs[1]) * 0.5 + sfi @ wskip_ref[...] + bskip_ref[...]
    hh = jnp.maximum(out @ hw1_ref[...] + hb1_ref[...], 0.0)
    hh = jnp.maximum(hh @ hw2_ref[...] + hb2_ref[...], 0.0)
    out_ref[...] = hh @ hw3_ref[...] + hb3_ref[...]


def _tc_call(payload_t, nodefeat0, deg, sang, cang, dxp, dyp, dap, *weights):
    wspecs = [pl.BlockSpec(w.shape, lambda i, nd=w.ndim: (0,) * nd)
              for w in weights]
    return pl.pallas_call(
        _tc_body,
        grid=(N // TN,),
        in_specs=[
            pl.BlockSpec((PAYR, E), lambda i: (0, i)),
            pl.BlockSpec((TN, 24), lambda i: (i, 0)),
            pl.BlockSpec((TN, 1), lambda i: (i, 0)),
            pl.BlockSpec((TN, 1), lambda i: (i, 0)),
            pl.BlockSpec((TN, 1), lambda i: (i, 0)),
            pl.BlockSpec((TN, K), lambda i: (i, 0)),
            pl.BlockSpec((TN, K), lambda i: (i, 0)),
            pl.BlockSpec((TN, K), lambda i: (i, 0)),
            *wspecs,
        ],
        out_specs=pl.BlockSpec((TN, PAY), lambda i: (i, 0)),
        out_shape=jax.ShapeDtypeStruct((N, PAY), jnp.float32),
    )(payload_t, nodefeat0, deg, sang, cang, dxp, dyp, dap, *weights)



def kernel(x, angle, molecules, generation, msg_W1, msg_b1, msg_W2, msg_b2,
           msg_W3, msg_b3, Wq, bq, Wk, bk, Wv, bv, We, Wskip, bskip,
           head_W1, head_b1, head_W2, head_b2, head_W3, head_b3):
    f32 = jnp.float32
    xs = jnp.asarray(x[:, 0], f32)
    ys = jnp.asarray(x[:, 1], f32)
    ang = jnp.asarray(angle[:, 0], f32)

    deg2 = _deg_call(xs, ys)
    deg = deg2[:, 0]
    sang, cang = _sincos_call(ang)
    mol_t = molecules.T.reshape(-1)
    gen = generation[:, 0]

    nbr_flat, dxf, dyf, daf, payload_t = _nbr_call(
        xs, ys, ang, mol_t, gen, deg, sang, cang)

    nodefeat0 = jnp.concatenate(
        [molecules, generation, jnp.zeros((N, 7), f32)], axis=1)

    w1at = jnp.zeros((PAYR, MH), f32).at[0:16].set(msg_W1[5:21])
    w1a = jnp.zeros((24, MH), f32).at[0:16].set(msg_W1[5:21])
    w1s = jnp.zeros((8, MH), f32).at[0:5].set(msg_W1[0:5])
    wkv = jnp.concatenate([Wk, Wv], axis=1)
    wkvpt = jnp.zeros((PAYR, 2 * HU), f32).at[0:16].set(wkv[2:18])
    wkvpt = (wkvpt.at[16].set(wkv[18]).at[17].set(wkv[19])
             .at[18].set(wkv[0]).at[19].set(wkv[1]))
    bkv = jnp.concatenate([bk, bv])[None, :]
    wem = We[:MH]
    wem2 = jnp.concatenate([wem, wem], axis=1)
    wes = We[MH:]
    hw3p = jnp.concatenate([head_W3, jnp.zeros((UH, PAY - OUT_DIM), f32)],
                           axis=1)
    hb3p = jnp.concatenate([head_b3, jnp.zeros((PAY - OUT_DIM,), f32)])[None, :]

    bf16 = jnp.bfloat16
    upd = _tc_call(payload_t, nodefeat0, deg2, sang[:, None],
                   cang[:, None],
                   dxf.reshape(N, K), dyf.reshape(N, K), daf.reshape(N, K),
                   w1at.astype(bf16), w1a, w1s, msg_b1[None, :],
                   msg_W2.astype(bf16), msg_b2[None, :],
                   msg_W3.astype(bf16), msg_b3[None, :],
                   wkvpt.astype(bf16), wem2.astype(bf16), bkv, wes,
                   Wq, bq[None, :], Wskip, bskip[None, :],
                   head_W1, head_b1[None, :], head_W2, head_b2[None, :],
                   hw3p, hb3p)

    return (upd[:, 0:2], upd[:, 2:3], upd[:, 3:3 + MOL],
            upd[:, 3 + MOL:4 + MOL])

# --- scband reference (transcript-rebuilt; emitter-appended) ---
"""Pipeline reference for scband-particle-nca-edge-23768349016082 (READ-ONLY COPY).

The authoritative reference and input builder live on the scoring server;
editing this copy changes nothing except your own understanding.
"""

import jax, jax.numpy as jnp
import numpy as np

N = 4096
MOL = 16
MH = 64
UH = 64
HEADS = 2
CUTOFF = 0.25
SELF_DIM = 2 + MOL + 1 + 1  # 20
REL_IN = 3 + 2 + MOL        # 21
EDGE_DIM = MH + SELF_DIM    # 84
OUT_DIM = 2 + 1 + MOL + 1   # 20
MAX_UND = 64 * N


def setup_inputs(seed: int = 0) -> dict:
    key = jax.random.key(seed)
    ks = jax.random.split(key, 20)
    s = 0.05
    d = {}
    d["x"] = jax.random.normal(ks[0], (N, 2), dtype=jnp.float32)
    d["angle"] = jax.random.normal(ks[1], (N, 1), dtype=jnp.float32)
    d["molecules"] = jax.random.normal(ks[2], (N, MOL), dtype=jnp.float32)
    d["generation"] = jnp.zeros((N, 1), dtype=jnp.float32)
    d["msg_W1"] = jax.random.normal(ks[3], (REL_IN, MH), dtype=jnp.float32) * s
    d["msg_b1"] = jnp.zeros((MH,), dtype=jnp.float32)
    d["msg_W2"] = jax.random.normal(ks[4], (MH, MH), dtype=jnp.float32) * s
    d["msg_b2"] = jnp.zeros((MH,), dtype=jnp.float32)
    d["msg_W3"] = jax.random.normal(ks[5], (MH, MH), dtype=jnp.float32) * s
    d["msg_b3"] = jnp.zeros((MH,), dtype=jnp.float32)
    d["Wq"] = jax.random.normal(ks[6], (SELF_DIM, HEADS * UH), dtype=jnp.float32) * s
    d["bq"] = jnp.zeros((HEADS * UH,), dtype=jnp.float32)
    d["Wk"] = jax.random.normal(ks[7], (SELF_DIM, HEADS * UH), dtype=jnp.float32) * s
    d["bk"] = jnp.zeros((HEADS * UH,), dtype=jnp.float32)
    d["Wv"] = jax.random.normal(ks[8], (SELF_DIM, HEADS * UH), dtype=jnp.float32) * s
    d["bv"] = jnp.zeros((HEADS * UH,), dtype=jnp.float32)
    d["We"] = jax.random.normal(ks[9], (EDGE_DIM, HEADS * UH), dtype=jnp.float32) * s
    d["Wskip"] = jax.random.normal(ks[10], (SELF_DIM, UH), dtype=jnp.float32) * s
    d["bskip"] = jnp.zeros((UH,), dtype=jnp.float32)
    d["head_W1"] = jax.random.normal(ks[11], (UH, UH), dtype=jnp.float32) * s
    d["head_b1"] = jnp.zeros((UH,), dtype=jnp.float32)
    d["head_W2"] = jax.random.normal(ks[12], (UH, UH), dtype=jnp.float32) * s
    d["head_b2"] = jnp.zeros((UH,), dtype=jnp.float32)
    d["head_W3"] = jax.random.normal(ks[13], (UH, OUT_DIM), dtype=jnp.float32) * s
    d["head_b3"] = jnp.zeros((OUT_DIM,), dtype=jnp.float32)
    return d


def _edges(x):
    # symmetrized directed edges from hard distance cutoff (no_grad in torch)
    diff = x[:, None, :] - x[None, :, :]
    dist = jnp.sqrt(jnp.maximum((diff ** 2).sum(-1), 1e-12))
    dist = dist + jnp.eye(x.shape[0], dtype=x.dtype) * 1e6
    mask = dist <= CUTOFF
    tri = jnp.triu(mask, k=1)
    dst_u, src_u = jnp.nonzero(tri, size=MAX_UND, fill_value=x.shape[0])
    src = jnp.concatenate([src_u, dst_u], axis=0)
    dst = jnp.concatenate([dst_u, src_u], axis=0)
    return src, dst


def _core(x, angle, molecules, generation, src, dst, degree,
          msg_W1, msg_b1, msg_W2, msg_b2, msg_W3, msg_b3,
          Wq, bq, Wk, bk, Wv, bv, We, Wskip, bskip,
          head_W1, head_b1, head_W2, head_b2, head_W3, head_b3):
    n = x.shape[0]
    x_i = x[dst]; x_j = x[src]
    angle_i = angle[dst]; angle_j = angle[src]
    mol_i = molecules[dst]; mol_j = molecules[src]
    dxdy = x_j - x_i
    r = jnp.sqrt(jnp.maximum((dxdy ** 2).sum(-1, keepdims=True), 1e-12))
    d_angle = angle_j - angle_i
    ang_feat = jnp.concatenate([jnp.sin(d_angle), jnp.cos(d_angle)], axis=-1)
    d_mol = mol_j - mol_i
    rel_in = jnp.concatenate([dxdy, r, ang_feat, d_mol], axis=-1)
    h = jax.nn.relu(rel_in @ msg_W1 + msg_b1)
    h = jax.nn.relu(h @ msg_W2 + msg_b2)
    msg = jax.nn.relu(h @ msg_W3 + msg_b3)
    self_ang = jnp.concatenate([jnp.sin(angle), jnp.cos(angle)], axis=-1)
    self_feat = jnp.concatenate([self_ang, molecules, generation, degree], axis=-1)
    edge_attr = jnp.concatenate([msg, self_feat[dst]], axis=-1)
    # TransformerConv (heads=2, concat=False, edge_dim=EDGE_DIM, root_weight=True)
    q = (self_feat @ Wq + bq).reshape(n, HEADS, UH)
    k = (self_feat @ Wk + bk).reshape(n, HEADS, UH)
    v = (self_feat @ Wv + bv).reshape(n, HEADS, UH)
    e = (edge_attr @ We).reshape(-1, HEADS, UH)
    k_j = k[src] + e
    alpha = (q[dst] * k_j).sum(-1) / jnp.sqrt(float(UH))  # [E, H]
    amax = jax.ops.segment_max(alpha, dst, num_segments=n)
    amax = jnp.where(jnp.isfinite(amax), amax, 0.0)
    ealpha = jnp.exp(alpha - amax[dst])
    denom = jax.ops.segment_sum(ealpha, dst, num_segments=n)
    attn = ealpha / (denom[dst] + 1e-16)
    out = jax.ops.segment_sum((v[src] + e) * attn[..., None], dst, num_segments=n)
    out = out.mean(axis=1)
    out = out + self_feat @ Wskip + bskip
    h2 = jax.nn.relu(out @ head_W1 + head_b1)
    h2 = jax.nn.relu(h2 @ head_W2 + head_b2)
    upd = h2 @ head_W3 + head_b3
    return (upd[:, 0:2], upd[:, 2:3], upd[:, 3:3 + MOL], upd[:, 3 + MOL:4 + MOL])


def reference(x, angle, molecules, generation,
              msg_W1, msg_b1, msg_W2, msg_b2, msg_W3, msg_b3,
              Wq, bq, Wk, bk, Wv, bv, We, Wskip, bskip,
              head_W1, head_b1, head_W2, head_b2, head_W3, head_b3):
    src, dst = _edges(x)
    degree = jnp.bincount(dst, length=N).astype(jnp.float32)[:, None]
    return _core(x, angle, molecules, generation, src, dst, degree,
                 msg_W1, msg_b1, msg_W2, msg_b2, msg_W3, msg_b3,
                 Wq, bq, Wk, bk, Wv, bv, We, Wskip, bskip,
                 head_W1, head_b1, head_W2, head_b2, head_W3, head_b3)

if __name__ == "__main__":
    import jax
    _d = setup_inputs()
    print(jax.jit(kernel)(*tuple(_d.values())))

</pallas_src>

<mosaic_0001>
#map = affine_map<(d0, d1) -> (0)>
#map1 = affine_map<(d0, d1) -> (0, 0)>
module attributes {stable_mosaic.version = 14 : i64} {
  func.func @_nbr_body(%arg0: i32, %arg1: i32, %arg2: memref<4096xf32, #tpu.memory_space<hbm>>, %arg3: memref<4096xf32, #tpu.memory_space<hbm>>, %arg4: memref<4096xf32, #tpu.memory_space<hbm>>, %arg5: memref<65536xf32, #tpu.memory_space<hbm>>, %arg6: memref<4096xf32, #tpu.memory_space<hbm>>, %arg7: memref<4096xf32, #tpu.memory_space<hbm>>, %arg8: memref<4096xf32, #tpu.memory_space<hbm>>, %arg9: memref<4096xf32, #tpu.memory_space<hbm>>, %arg10: memref<1048576xi32, #tpu.memory_space<hbm>>, %arg11: memref<1048576xf32, #tpu.memory_space<hbm>>, %arg12: memref<1048576xf32, #tpu.memory_space<hbm>>, %arg13: memref<1048576xf32, #tpu.memory_space<hbm>>, %arg14: memref<24x1048576xf32, #tpu.memory_space<hbm>>, %arg15: memref<4096xf32, #tpu.memory_space<vmem>>, %arg16: memref<4096xf32, #tpu.memory_space<vmem>>, %arg17: memref<4096xf32, #tpu.memory_space<vmem>>, %arg18: memref<8192xi32, #tpu.memory_space<vmem>>, %arg19: memref<8192xf32, #tpu.memory_space<vmem>>, %arg20: memref<8192xf32, #tpu.memory_space<vmem>>, %arg21: memref<8192xf32, #tpu.memory_space<vmem>>, %arg22: memref<32768xi32, #tpu.memory_space<vmem>>, %arg23: memref<4096xf32, #tpu.memory_space<vmem>>, %arg24: memref<32768xf32, #tpu.memory_space<vmem>>) attributes {dimension_semantics = [#tpu.dimension_semantics<core_parallel>, #tpu.dimension_semantics<subcore_parallel>], iteration_bounds = array<i64: 2, 16>, scalar_prefetch = 0 : i64, scratch_operands = 10 : i64, tpu.core_type = #tpu.core_type<sc_vector_subcore>, window_params = [{transform_indices = #map}, {transform_indices = #map}, {transform_indices = #map}, {transform_indices = #map}, {transform_indices = #map}, {transform_indices = #map}, {transform_indices = #map}, {transform_indices = #map}, {transform_indices = #map}, {transform_indices = #map}, {transform_indices = #map}, {transform_indices = #map}, {transform_indices = #map1}]} {
    %mul3A = arith.constant 2 : i32
    %mul3A_0 = arith.muli %arg1, %mul3A : i32
    %add3A = arith.addi %mul3A_0, %arg0 : i32
    %mul3A_1 = arith.constant 128 : i32
    %mul3A_2 = arith.muli %add3A, %mul3A_1 : i32
    "tpu.region"() ({
      %run_scoped3A_164 = tpu.sem_alloc : memref<!tpu.dma_semaphore, #tpu.memory_space<semaphore_mem>>
      tpu.enqueue_dma source(%arg2 : memref<4096xf32, #tpu.memory_space<hbm>>) target(%arg15 : memref<4096xf32, #tpu.memory_space<vmem>>) target_semaphore(%run_scoped3A_164 : memref<!tpu.dma_semaphore, #tpu.memory_space<semaphore_mem>>)
      tpu.wait_dma2 semaphore(%run_scoped3A_164 : memref<!tpu.dma_semaphore, #tpu.memory_space<semaphore_mem>>) src(%arg2 : memref<4096xf32, #tpu.memory_space<hbm>>) dst(%arg15 : memref<4096xf32, #tpu.memory_space<vmem>>)
      tpu.yield
    }) : () -> ()
    "tpu.region"() ({
      %run_scoped3A_164 = tpu.sem_alloc : memref<!tpu.dma_semaphore, #tpu.memory_space<semaphore_mem>>
      tpu.enqueue_dma source(%arg3 : memref<4096xf32, #tpu.memory_space<hbm>>) target(%arg16 : memref<4096xf32, #tpu.memory_space<vmem>>) target_semaphore(%run_scoped3A_164 : memref<!tpu.dma_semaphore, #tpu.memory_space<semaphore_mem>>)
      tpu.wait_dma2 semaphore(%run_scoped3A_164 : memref<!tpu.dma_semaphore, #tpu.memory_space<semaphore_mem>>) src(%arg3 : memref<4096xf32, #tpu.memory_space<hbm>>) dst(%arg16 : memref<4096xf32, #tpu.memory_space<vmem>>)
      tpu.yield
    }) : () -> ()
    "tpu.region"() ({
      %run_scoped3A_164 = tpu.sem_alloc : memref<!tpu.dma_semaphore, #tpu.memory_space<semaphore_mem>>
      tpu.enqueue_dma source(%arg4 : memref<4096xf32, #tpu.memory_space<hbm>>) target(%arg17 : memref<4096xf32, #tpu.memory_space<vmem>>) target_semaphore(%run_scoped3A_164 : memref<!tpu.dma_semaphore, #tpu.memory_space<semaphore_mem>>)
      tpu.wait_dma2 semaphore(%run_scoped3A_164 : memref<!tpu.dma_semaphore, #tpu.memory_space<semaphore_mem>>) src(%arg4 : memref<4096xf32, #tpu.memory_space<hbm>>) dst(%arg17 : memref<4096xf32, #tpu.memory_space<vmem>>)
      tpu.yield
    }) : () -> ()
    %broadcast_in_dim3A = arith.constant 0 : i32
    %broadcast_in_dim3A_3 = vector.broadcast %broadcast_in_dim3A : i32 to vector<16xi32>
    %broadcast_in_dim3A_4 = arith.constant 0.000000e+00 : f32
    %broadcast_in_dim3A_5 = vector.broadcast %broadcast_in_dim3A_4 : f32 to vector<16xf32>
    %iota3A = tpu.iota {dimensions = array<i32: 0>} : vector<16xi32>
    %scan3A = arith.constant 0 : i32
    %scan3A_6 = arith.constant 0 : i32
    %scan3A_7 = arith.constant 4 : i32
    %scan3A_8 = arith.addi %scan3A_6, %scan3A_7 : i32
    %scan3A_9 = arith.constant 1 : i32
    scf.for %scan3A_164 = %scan3A_6 to %scan3A_8 step %scan3A_9  : i32 {
      %scan3A_165 = arith.constant 0 : i32
      %scan3A_166 = arith.constant 0 : i32
      %scan3A_167 = arith.constant 512 : i32
      %scan3A_168 = arith.addi %scan3A_166, %scan3A_167 : i32
      %scan3A_169 = arith.constant 1 : i32
      scf.for %scan3A_182 = %scan3A_166 to %scan3A_168 step %scan3A_169  : i32 {
        %mul3A_183 = arith.constant 16 : i32
        %mul3A_184 = arith.muli %scan3A_182, %mul3A_183 : i32
        %swap3A = arith.index_cast %mul3A_184 : i32 to index
        %swap3A_185 = tpu.vector_load %arg18[%swap3A] {strides = array<i32>} : memref<8192xi32, #tpu.memory_space<vmem>>, vector<16xi32>,
        tpu.vector_store %arg18[%swap3A], %broadcast_in_dim3A_3 {strides = array<i32>} : memref<8192xi32, #tpu.memory_space<vmem>>, vector<16xi32>,
        %swap3A_186 = arith.index_cast %mul3A_184 : i32 to index
        %swap3A_187 = tpu.vector_load %arg19[%swap3A_186] {strides = array<i32>} : memref<8192xf32, #tpu.memory_space<vmem>>, vector<16xf32>,
        tpu.vector_store %arg19[%swap3A_186], %broadcast_in_dim3A_5 {strides = array<i32>} : memref<8192xf32, #tpu.memory_space<vmem>>, vector<16xf32>,
        %swap3A_188 = arith.index_cast %mul3A_184 : i32 to index
        %swap3A_189 = tpu.vector_load %arg20[%swap3A_188] {strides = array<i32>} : memref<8192xf32, #tpu.memory_space<vmem>>, vector<16xf32>,
        tpu.vector_store %arg20[%swap3A_188], %broadcast_in_dim3A_5 {strides = array<i32>} : memref<8192xf32, #tpu.memory_space<vmem>>, vector<16xf32>,
        %swap3A_190 = arith.index_cast %mul3A_184 : i32 to index
        %swap3A_191 = tpu.vector_load %arg21[%swap3A_190] {strides = array<i32>} : memref<8192xf32, #tpu.memory_space<vmem>>, vector<16xf32>,
        tpu.vector_store %arg21[%swap3A_190], %broadcast_in_dim3A_5 {strides = array<i32>} : memref<8192xf32, #tpu.memory_space<vmem>>, vector<16xf32>,
      }
      %scan3A_170 = arith.constant 512 : i32
      %scan3A_171 = arith.constant 0 : i32
      %scan3A_172 = arith.constant 0 : i32
      %scan3A_173 = arith.constant 32 : i32
      %scan3A_174 = arith.addi %scan3A_172, %scan3A_173 : i32
      %scan3A_175 = arith.constant 1 : i32
      scf.for %scan3A_182 = %scan3A_172 to %scan3A_174 step %scan3A_175  : i32 {
        %mul3A_183 = arith.constant 32 : i32
        %mul3A_184 = arith.muli %scan3A_164, %mul3A_183 : i32
        %add3A_185 = arith.addi %mul3A_184, %scan3A_182 : i32
        %add3A_186 = arith.addi %mul3A_2, %add3A_185 : i32
        %broadcast_in_dim3A_187 = vector.broadcast %add3A_186 : i32 to vector<16xi32>
        %gather3A = tpu.vector_load_idx %arg15[%broadcast_in_dim3A_187] : memref<4096xf32, #tpu.memory_space<vmem>>[vector<16xi32>], vector<16xf32>,
        %gather3A_188 = tpu.vector_load_idx %arg16[%broadcast_in_dim3A_187] : memref<4096xf32, #tpu.memory_space<vmem>>[vector<16xi32>], vector<16xf32>,
        %gather3A_189 = tpu.vector_load_idx %arg17[%broadcast_in_dim3A_187] : memref<4096xf32, #tpu.memory_space<vmem>>[vector<16xi32>], vector<16xf32>,
        %mul3A_190 = arith.constant 256 : i32
        %mul3A_191 = arith.muli %scan3A_182, %mul3A_190 : i32
        %scan3A_192 = arith.constant 0 : i32
        %scan3A_193 = arith.constant 0 : i32
        %scan3A_194 = arith.constant 256 : i32
        %scan3A_195 = arith.addi %scan3A_193, %scan3A_194 : i32
        %scan3A_196 = arith.constant 4 : i32
        %scan3A_197 = scf.for %scan3A_199 = %scan3A_193 to %scan3A_195 step %scan3A_196 iter_args(%scan3A_200 = %scan3A_192) -> (i32)  : i32 {
          %mul3A_201 = arith.constant 16 : i32
          %mul3A_202 = arith.muli %scan3A_199, %mul3A_201 : i32
          %add3A_203 = vector.broadcast %mul3A_202 : i32 to vector<16xi32>
          %add3A_204 = arith.addi %iota3A, %add3A_203 : vector<16xi32>
          %get3A = arith.index_cast %mul3A_202 : i32 to index
          %get3A_205 = tpu.vector_load %arg15[%get3A] {strides = array<i32>} : memref<4096xf32, #tpu.memory_space<vmem>>, vector<16xf32>,
          %get3A_206 = arith.index_cast %mul3A_202 : i32 to index
          %get3A_207 = tpu.vector_load %arg16[%get3A_206] {strides = array<i32>} : memref<4096xf32, #tpu.memory_space<vmem>>, vector<16xf32>,
          %sub3A = arith.subf %get3A_205, %gather3A : vector<16xf32>
          %sub3A_208 = arith.subf %get3A_207, %gather3A_188 : vector<16xf32>
          %mul3A_209 = arith.mulf %sub3A, %sub3A : vector<16xf32>
          %mul3A_210 = arith.mulf %sub3A_208, %sub3A_208 : vector<16xf32>
          %add3A_211 = arith.addf %mul3A_209, %mul3A_210 : vector<16xf32>
          %le3A = arith.constant 6.250000e-02 : f32
          %le3A_212 = vector.broadcast %le3A : f32 to vector<16xf32>
          %le3A_213 = arith.cmpf ole, %add3A_211, %le3A_212 : vector<16xf32>
          %ne3A = vector.broadcast %add3A_186 : i32 to vector<16xi32>
          %ne3A_214 = arith.cmpi ne, %add3A_204, %ne3A : vector<16xi32>
          %and3A = arith.andi %le3A_213, %ne3A_214 : vector<16xi1>
          %convert_element_type3A = arith.extui %and3A : vector<16xi1> to vector<16xi32>
          %broadcast_in_dim3A_215 = arith.constant true
          %broadcast_in_dim3A_216 = vector.broadcast %broadcast_in_dim3A_215 : i1 to vector<16xi1>
          %masked_cumsum3A = tpu.scan <sum>, %convert_element_type3A masked %broadcast_in_dim3A_216 : vector<16xi32>, vector<16xi1> -> vector<16xi32>
          %add3A_217 = vector.broadcast %scan3A_200 : i32 to vector<16xi32>
          %add3A_218 = arith.addi %add3A_217, %masked_cumsum3A : vector<16xi32>
          %sub3A_219 = arith.constant 1 : i32
          %sub3A_220 = vector.broadcast %sub3A_219 : i32 to vector<16xi32>
          %sub3A_221 = arith.subi %add3A_218, %sub3A_220 : vector<16xi32>
          %min3A = arith.constant 255 : i32
          %min3A_222 = vector.broadcast %min3A : i32 to vector<16xi32>
          %min3A_223 = arith.minsi %sub3A_221, %min3A_222 : vector<16xi32>
          %add3A_224 = vector.broadcast %mul3A_191 : i32 to vector<16xi32>
          %add3A_225 = arith.addi %min3A_223, %add3A_224 : vector<16xi32>
          %get3A_226 = arith.index_cast %mul3A_202 : i32 to index
          %get3A_227 = tpu.vector_load %arg17[%get3A_226] {strides = array<i32>} : memref<4096xf32, #tpu.memory_space<vmem>>, vector<16xf32>,
          tpu.vector_store_idx %arg18[%add3A_225], %add3A_204 masked %and3A : memref<8192xi32, #tpu.memory_space<vmem>>[vector<16xi32>], vector<16xi32>, vector<16xi1>
          tpu.vector_store_idx %arg19[%add3A_225], %sub3A masked %and3A : memref<8192xf32, #tpu.memory_space<vmem>>[vector<16xi32>], vector<16xf32>, vector<16xi1>
          tpu.vector_store_idx %arg20[%add3A_225], %sub3A_208 masked %and3A : memref<8192xf32, #tpu.memory_space<vmem>>[vector<16xi32>], vector<16xf32>, vector<16xi1>
          %sub3A_228 = arith.subf %get3A_227, %gather3A_189 : vector<16xf32>
          tpu.vector_store_idx %arg21[%add3A_225], %sub3A_228 masked %and3A : memref<8192xf32, #tpu.memory_space<vmem>>[vector<16xi32>], vector<16xf32>, vector<16xi1>
          %reduce_sum3A = arith.constant true
          %reduce_sum3A_229 = vector.broadcast %reduce_sum3A : i1 to vector<16xi1>
          %reduce_sum3A_230 = tpu.scan <sum>, %convert_element_type3A masked %reduce_sum3A_229 : vector<16xi32>, vector<16xi1> -> vector<16xi32>
          %reduce_sum3A_231 = vector.extract %reduce_sum3A_230[15] : i32 from vector<16xi32>
          %add3A_232 = arith.addi %scan3A_200, %reduce_sum3A_231 : i32
          %scan3A_233 = arith.constant 1 : i32
          %scan3A_234 = arith.addi %scan3A_199, %scan3A_233 : i32
          %mul3A_235 = arith.constant 16 : i32
          %mul3A_236 = arith.muli %scan3A_234, %mul3A_235 : i32
          %add3A_237 = vector.broadcast %mul3A_236 : i32 to vector<16xi32>
          %add3A_238 = arith.addi %iota3A, %add3A_237 : vector<16xi32>
          %get3A_239 = arith.index_cast %mul3A_236 : i32 to index
          %get3A_240 = tpu.vector_load %arg15[%get3A_239] {strides = array<i32>} : memref<4096xf32, #tpu.memory_space<vmem>>, vector<16xf32>,
          %get3A_241 = arith.index_cast %mul3A_236 : i32 to index
          %get3A_242 = tpu.vector_load %arg16[%get3A_241] {strides = array<i32>} : memref<4096xf32, #tpu.memory_space<vmem>>, vector<16xf32>,
          %sub3A_243 = arith.subf %get3A_240, %gather3A : vector<16xf32>
          %sub3A_244 = arith.subf %get3A_242, %gather3A_188 : vector<16xf32>
          %mul3A_245 = arith.mulf %sub3A_243, %sub3A_243 : vector<16xf32>
          %mul3A_246 = arith.mulf %sub3A_244, %sub3A_244 : vector<16xf32>
          %add3A_247 = arith.addf %mul3A_245, %mul3A_246 : vector<16xf32>
          %le3A_248 = arith.constant 6.250000e-02 : f32
          %le3A_249 = vector.broadcast %le3A_248 : f32 to vector<16xf32>
          %le3A_250 = arith.cmpf ole, %add3A_247, %le3A_249 : vector<16xf32>
          %ne3A_251 = vector.broadcast %add3A_186 : i32 to vector<16xi32>
          %ne3A_252 = arith.cmpi ne, %add3A_238, %ne3A_251 : vector<16xi32>
          %and3A_253 = arith.andi %le3A_250, %ne3A_252 : vector<16xi1>
          %convert_element_type3A_254 = arith.extui %and3A_253 : vector<16xi1> to vector<16xi32>
          %broadcast_in_dim3A_255 = arith.constant true
          %broadcast_in_dim3A_256 = vector.broadcast %broadcast_in_dim3A_255 : i1 to vector<16xi1>
          %masked_cumsum3A_257 = tpu.scan <sum>, %convert_element_type3A_254 masked %broadcast_in_dim3A_256 : vector<16xi32>, vector<16xi1> -> vector<16xi32>
          %add3A_258 = vector.broadcast %add3A_232 : i32 to vector<16xi32>
          %add3A_259 = arith.addi %add3A_258, %masked_cumsum3A_257 : vector<16xi32>
          %sub3A_260 = arith.constant 1 : i32
          %sub3A_261 = vector.broadcast %sub3A_260 : i32 to vector<16xi32>
          %sub3A_262 = arith.subi %add3A_259, %sub3A_261 : vector<16xi32>
          %min3A_263 = arith.constant 255 : i32
          %min3A_264 = vector.broadcast %min3A_263 : i32 to vector<16xi32>
          %min3A_265 = arith.minsi %sub3A_262, %min3A_264 : vector<16xi32>
          %add3A_266 = vector.broadcast %mul3A_191 : i32 to vector<16xi32>
          %add3A_267 = arith.addi %min3A_265, %add3A_266 : vector<16xi32>
          %get3A_268 = arith.index_cast %mul3A_236 : i32 to index
          %get3A_269 = tpu.vector_load %arg17[%get3A_268] {strides = array<i32>} : memref<4096xf32, #tpu.memory_space<vmem>>, vector<16xf32>,
          tpu.vector_store_idx %arg18[%add3A_267], %add3A_238 masked %and3A_253 : memref<8192xi32, #tpu.memory_space<vmem>>[vector<16xi32>], vector<16xi32>, vector<16xi1>
          tpu.vector_store_idx %arg19[%add3A_267], %sub3A_243 masked %and3A_253 : memref<8192xf32, #tpu.memory_space<vmem>>[vector<16xi32>], vector<16xf32>, vector<16xi1>
          tpu.vector_store_idx %arg20[%add3A_267], %sub3A_244 masked %and3A_253 : memref<8192xf32, #tpu.memory_space<vmem>>[vector<16xi32>], vector<16xf32>, vector<16xi1>
          %sub3A_270 = arith.subf %get3A_269, %gather3A_189 : vector<16xf32>
          tpu.vector_store_idx %arg21[%add3A_267], %sub3A_270 masked %and3A_253 : memref<8192xf32, #tpu.memory_space<vmem>>[vector<16xi32>], vector<16xf32>, vector<16xi1>
          %reduce_sum3A_271 = arith.constant true
          %reduce_sum3A_272 = vector.broadcast %reduce_sum3A_271 : i1 to vector<16xi1>
          %reduce_sum3A_273 = tpu.scan <sum>, %convert_element_type3A_254 masked %reduce_sum3A_272 : vector<16xi32>, vector<16xi1> -> vector<16xi32>
          %reduce_sum3A_274 = vector.extract %reduce_sum3A_273[15] : i32 from vector<16xi32>
          %add3A_275 = arith.addi %add3A_232, %reduce_sum3A_274 : i32
          %scan3A_276 = arith.constant 2 : i32
          %scan3A_277 = arith.addi %scan3A_199, %scan3A_276 : i32
          %mul3A_278 = arith.constant 16 : i32
          %mul3A_279 = arith.muli %scan3A_277, %mul3A_278 : i32
          %add3A_280 = vector.broadcast %mul3A_279 : i32 to vector<16xi32>
          %add3A_281 = arith.addi %iota3A, %add3A_280 : vector<16xi32>
          %get3A_282 = arith.index_cast %mul3A_279 : i32 to index
          %get3A_283 = tpu.vector_load %arg15[%get3A_282] {strides = array<i32>} : memref<4096xf32, #tpu.memory_space<vmem>>, vector<16xf32>,
          %get3A_284 = arith.index_cast %mul3A_279 : i32 to index
          %get3A_285 = tpu.vector_load %arg16[%get3A_284] {strides = array<i32>} : memref<4096xf32, #tpu.memory_space<vmem>>, vector<16xf32>,
          %sub3A_286 = arith.subf %get3A_283, %gather3A : vector<16xf32>
          %sub3A_287 = arith.subf %get3A_285, %gather3A_188 : vector<16xf32>
          %mul3A_288 = arith.mulf %sub3A_286, %sub3A_286 : vector<16xf32>
          %mul3A_289 = arith.mulf %sub3A_287, %sub3A_287 : vector<16xf32>
          %add3A_290 = arith.addf %mul3A_288, %mul3A_289 : vector<16xf32>
          %le3A_291 = arith.constant 6.250000e-02 : f32
          %le3A_292 = vector.broadcast %le3A_291 : f32 to vector<16xf32>
          %le3A_293 = arith.cmpf ole, %add3A_290, %le3A_292 : vector<16xf32>
          %ne3A_294 = vector.broadcast %add3A_186 : i32 to vector<16xi32>
          %ne3A_295 = arith.cmpi ne, %add3A_281, %ne3A_294 : vector<16xi32>
          %and3A_296 = arith.andi %le3A_293, %ne3A_295 : vector<16xi1>
          %convert_element_type3A_297 = arith.extui %and3A_296 : vector<16xi1> to vector<16xi32>
          %broadcast_in_dim3A_298 = arith.constant true
          %broadcast_in_dim3A_299 = vector.broadcast %broadcast_in_dim3A_298 : i1 to vector<16xi1>
          %masked_cumsum3A_300 = tpu.scan <sum>, %convert_element_type3A_297 masked %broadcast_in_dim3A_299 : vector<16xi32>, vector<16xi1> -> vector<16xi32>
          %add3A_301 = vector.broadcast %add3A_275 : i32 to vector<16xi32>
          %add3A_302 = arith.addi %add3A_301, %masked_cumsum3A_300 : vector<16xi32>
          %sub3A_303 = arith.constant 1 : i32
          %sub3A_304 = vector.broadcast %sub3A_303 : i32 to vector<16xi32>
          %sub3A_305 = arith.subi %add3A_302, %sub3A_304 : vector<16xi32>
          %min3A_306 = arith.constant 255 : i32
          %min3A_307 = vector.broadcast %min3A_306 : i32 to vector<16xi32>
          %min3A_308 = arith.minsi %sub3A_305, %min3A_307 : vector<16xi32>
          %add3A_309 = vector.broadcast %mul3A_191 : i32 to vector<16xi32>
          %add3A_310 = arith.addi %min3A_308, %add3A_309 : vector<16xi32>
          %get3A_311 = arith.index_cast %mul3A_279 : i32 to index
          %get3A_312 = tpu.vector_load %arg17[%get3A_311] {strides = array<i32>} : memref<4096xf32, #tpu.memory_space<vmem>>, vector<16xf32>,
          tpu.vector_store_idx %arg18[%add3A_310], %add3A_281 masked %and3A_296 : memref<8192xi32, #tpu.memory_space<vmem>>[vector<16xi32>], vector<16xi32>, vector<16xi1>
          tpu.vector_store_idx %arg19[%add3A_310], %sub3A_286 masked %and3A_296 : memref<8192xf32, #tpu.memory_space<vmem>>[vector<16xi32>], vector<16xf32>, vector<16xi1>
          tpu.vector_store_idx %arg20[%add3A_310], %sub3A_287 masked %and3A_296 : memref<8192xf32, #tpu.memory_space<vmem>>[vector<16xi32>], vector<16xf32>, vector<16xi1>
          %sub3A_313 = arith.subf %get3A_312, %gather3A_189 : vector<16xf32>
          tpu.vector_store_idx %arg21[%add3A_310], %sub3A_313 masked %and3A_296 : memref<8192xf32, #tpu.memory_space<vmem>>[vector<16xi32>], vector<16xf32>, vector<16xi1>
          %reduce_sum3A_314 = arith.constant true
          %reduce_sum3A_315 = vector.broadcast %reduce_sum3A_314 : i1 to vector<16xi1>
          %reduce_sum3A_316 = tpu.scan <sum>, %convert_element_type3A_297 masked %reduce_sum3A_315 : vector<16xi32>, vector<16xi1> -> vector<16xi32>
          %reduce_sum3A_317 = vector.extract %reduce_sum3A_316[15] : i32 from vector<16xi32>
          %add3A_318 = arith.addi %add3A_275, %reduce_sum3A_317 : i32
          %scan3A_319 = arith.constant 3 : i32
          %scan3A_320 = arith.addi %scan3A_199, %scan3A_319 : i32
          %mul3A_321 = arith.constant 16 : i32
          %mul3A_322 = arith.muli %scan3A_320, %mul3A_321 : i32
          %add3A_323 = vector.broadcast %mul3A_322 : i32 to vector<16xi32>
          %add3A_324 = arith.addi %iota3A, %add3A_323 : vector<16xi32>
          %get3A_325 = arith.index_cast %mul3A_322 : i32 to index
          %get3A_326 = tpu.vector_load %arg15[%get3A_325] {strides = array<i32>} : memref<4096xf32, #tpu.memory_space<vmem>>, vector<16xf32>,
          %get3A_327 = arith.index_cast %mul3A_322 : i32 to index
          %get3A_328 = tpu.vector_load %arg16[%get3A_327] {strides = array<i32>} : memref<4096xf32, #tpu.memory_space<vmem>>, vector<16xf32>,
          %sub3A_329 = arith.subf %get3A_326, %gather3A : vector<16xf32>
          %sub3A_330 = arith.subf %get3A_328, %gather3A_188 : vector<16xf32>
          %mul3A_331 = arith.mulf %sub3A_329, %sub3A_329 : vector<16xf32>
          %mul3A_332 = arith.mulf %sub3A_330, %sub3A_330 : vector<16xf32>
          %add3A_333 = arith.addf %mul3A_331, %mul3A_332 : vector<16xf32>
          %le3A_334 = arith.constant 6.250000e-02 : f32
          %le3A_335 = vector.broadcast %le3A_334 : f32 to vector<16xf32>
          %le3A_336 = arith.cmpf ole, %add3A_333, %le3A_335 : vector<16xf32>
          %ne3A_337 = vector.broadcast %add3A_186 : i32 to vector<16xi32>
          %ne3A_338 = arith.cmpi ne, %add3A_324, %ne3A_337 : vector<16xi32>
          %and3A_339 = arith.andi %le3A_336, %ne3A_338 : vector<16xi1>
          %convert_element_type3A_340 = arith.extui %and3A_339 : vector<16xi1> to vector<16xi32>
          %broadcast_in_dim3A_341 = arith.constant true
          %broadcast_in_dim3A_342 = vector.broadcast %broadcast_in_dim3A_341 : i1 to vector<16xi1>
          %masked_cumsum3A_343 = tpu.scan <sum>, %convert_element_type3A_340 masked %broadcast_in_dim3A_342 : vector<16xi32>, vector<16xi1> -> vector<16xi32>
          %add3A_344 = vector.broadcast %add3A_318 : i32 to vector<16xi32>
          %add3A_345 = arith.addi %add3A_344, %masked_cumsum3A_343 : vector<16xi32>
          %sub3A_346 = arith.constant 1 : i32
          %sub3A_347 = vector.broadcast %sub3A_346 : i32 to vector<16xi32>
          %sub3A_348 = arith.subi %add3A_345, %sub3A_347 : vector<16xi32>
          %min3A_349 = arith.constant 255 : i32
          %min3A_350 = vector.broadcast %min3A_349 : i32 to vector<16xi32>
          %min3A_351 = arith.minsi %sub3A_348, %min3A_350 : vector<16xi32>
          %add3A_352 = vector.broadcast %mul3A_191 : i32 to vector<16xi32>
          %add3A_353 = arith.addi %min3A_351, %add3A_352 : vector<16xi32>
          %get3A_354 = arith.index_cast %mul3A_322 : i32 to index
          %get3A_355 = tpu.vector_load %arg17[%get3A_354] {strides = array<i32>} : memref<4096xf32, #tpu.memory_space<vmem>>, vector<16xf32>,
          tpu.vector_store_idx %arg18[%add3A_353], %add3A_324 masked %and3A_339 : memref<8192xi32, #tpu.memory_space<vmem>>[vector<16xi32>], vector<16xi32>, vector<16xi1>
          tpu.vector_store_idx %arg19[%add3A_353], %sub3A_329 masked %and3A_339 : memref<8192xf32, #tpu.memory_space<vmem>>[vector<16xi32>], vector<16xf32>, vector<16xi1>
          tpu.vector_store_idx %arg20[%add3A_353], %sub3A_330 masked %and3A_339 : memref<8192xf32, #tpu.memory_space<vmem>>[vector<16xi32>], vector<16xf32>, vector<16xi1>
          %sub3A_356 = arith.subf %get3A_355, %gather3A_189 : vector<16xf32>
          tpu.vector_store_idx %arg21[%add3A_353], %sub3A_356 masked %and3A_339 : memref<8192xf32, #tpu.memory_space<vmem>>[vector<16xi32>], vector<16xf32>, vector<16xi1>
          %reduce_sum3A_357 = arith.constant true
          %reduce_sum3A_358 = vector.broadcast %reduce_sum3A_357 : i1 to vector<16xi1>
          %reduce_sum3A_359 = tpu.scan <sum>, %convert_element_type3A_340 masked %reduce_sum3A_358 : vector<16xi32>, vector<16xi1> -> vector<16xi32>
          %reduce_sum3A_360 = vector.extract %reduce_sum3A_359[15] : i32 from vector<16xi32>
          %add3A_361 = arith.addi %add3A_318, %reduce_sum3A_360 : i32
          scf.yield %add3A_361 : i32
        }
        %scan3A_198 = arith.constant 256 : i32
      }
      %scan3A_176 = arith.constant 32 : i32
      %mul3A_177 = arith.constant 32 : i32
      %mul3A_178 = arith.muli %scan3A_164, %mul3A_177 : i32
      %add3A_179 = arith.addi %mul3A_2, %mul3A_178 : i32
      %mul3A_180 = arith.constant 256 : i32
      %mul3A_181 = arith.muli %add3A_179, %mul3A_180 : i32
      "tpu.region"() ({
        %run_scoped3A_182 = tpu.sem_alloc : memref<!tpu.dma_semaphore, #tpu.memory_space<semaphore_mem>>
        %dma_start3A = tpu.memref_slice %arg10[%mul3A_181] : memref<1048576xi32, #tpu.memory_space<hbm>> -> memref<8192xi32, #tpu.memory_space<hbm>>
        %dma_start3A_183 = tpu.memref_slice %arg10[%mul3A_181] : memref<1048576xi32, #tpu.memory_space<hbm>> -> memref<8192xi32, #tpu.memory_space<hbm>>
        tpu.enqueue_dma source(%arg18 : memref<8192xi32, #tpu.memory_space<vmem>>) target(%dma_start3A_183 : memref<8192xi32, #tpu.memory_space<hbm>>) target_semaphore(%run_scoped3A_182 : memref<!tpu.dma_semaphore, #tpu.memory_space<semaphore_mem>>)
        %dma_wait3A = tpu.memref_slice %arg10[%mul3A_181] : memref<1048576xi32, #tpu.memory_space<hbm>> -> memref<8192xi32, #tpu.memory_space<hbm>>
        %dma_wait3A_184 = tpu.memref_slice %arg10[%mul3A_181] : memref<1048576xi32, #tpu.memory_space<hbm>> -> memref<8192xi32, #tpu.memory_space<hbm>>
        tpu.wait_dma2 semaphore(%run_scoped3A_182 : memref<!tpu.dma_semaphore, #tpu.memory_space<semaphore_mem>>) src(%arg18 : memref<8192xi32, #tpu.memory_space<vmem>>) dst(%dma_wait3A_184 : memref<8192xi32, #tpu.memory_space<hbm>>)
        tpu.yield
      }) : () -> ()
      "tpu.region"() ({
        %run_scoped3A_182 = tpu.sem_alloc : memref<!tpu.dma_semaphore, #tpu.memory_space<semaphore_mem>>
        %dma_start3A = tpu.memref_slice %arg11[%mul3A_181] : memref<1048576xf32, #tpu.memory_space<hbm>> -> memref<8192xf32, #tpu.memory_space<hbm>>
        %dma_start3A_183 = tpu.memref_slice %arg11[%mul3A_181] : memref<1048576xf32, #tpu.memory_space<hbm>> -> memref<8192xf32, #tpu.memory_space<hbm>>
        tpu.enqueue_dma source(%arg19 : memref<8192xf32, #tpu.memory_space<vmem>>) target(%dma_start3A_183 : memref<8192xf32, #tpu.memory_space<hbm>>) target_semaphore(%run_scoped3A_182 : memref<!tpu.dma_semaphore, #tpu.memory_space<semaphore_mem>>)
        %dma_wait3A = tpu.memref_slice %arg11[%mul3A_181] : memref<1048576xf32, #tpu.memory_space<hbm>> -> memref<8192xf32, #tpu.memory_space<hbm>>
        %dma_wait3A_184 = tpu.memref_slice %arg11[%mul3A_181] : memref<1048576xf32, #tpu.memory_space<hbm>> -> memref<8192xf32, #tpu.memory_space<hbm>>
        tpu.wait_dma2 semaphore(%run_scoped3A_182 : memref<!tpu.dma_semaphore, #tpu.memory_space<semaphore_mem>>) src(%arg19 : memref<8192xf32, #tpu.memory_space<vmem>>) dst(%dma_wait3A_184 : memref<8192xf32, #tpu.memory_space<hbm>>)
        tpu.yield
      }) : () -> ()
      "tpu.region"() ({
        %run_scoped3A_182 = tpu.sem_alloc : memref<!tpu.dma_semaphore, #tpu.memory_space<semaphore_mem>>
        %dma_start3A = tpu.memref_slice %arg12[%mul3A_181] : memref<1048576xf32, #tpu.memory_space<hbm>> -> memref<8192xf32, #tpu.memory_space<hbm>>
        %dma_start3A_183 = tpu.memref_slice %arg12[%mul3A_181] : memref<1048576xf32, #tpu.memory_space<hbm>> -> memref<8192xf32, #tpu.memory_space<hbm>>
        tpu.enqueue_dma source(%arg20 : memref<8192xf32, #tpu.memory_space<vmem>>) target(%dma_start3A_183 : memref<8192xf32, #tpu.memory_space<hbm>>) target_semaphore(%run_scoped3A_182 : memref<!tpu.dma_semaphore, #tpu.memory_space<semaphore_mem>>)
        %dma_wait3A = tpu.memref_slice %arg12[%mul3A_181] : memref<1048576xf32, #tpu.memory_space<hbm>> -> memref<8192xf32, #tpu.memory_space<hbm>>
        %dma_wait3A_184 = tpu.memref_slice %arg12[%mul3A_181] : memref<1048576xf32, #tpu.memory_space<hbm>> -> memref<8192xf32, #tpu.memory_space<hbm>>
        tpu.wait_dma2 semaphore(%run_scoped3A_182 : memref<!tpu.dma_semaphore, #tpu.memory_space<semaphore_mem>>) src(%arg20 : memref<8192xf32, #tpu.memory_space<vmem>>) dst(%dma_wait3A_184 : memref<8192xf32, #tpu.memory_space<hbm>>)
        tpu.yield
      }) : () -> ()
      "tpu.region"() ({
        %run_scoped3A_182 = tpu.sem_alloc : memref<!tpu.dma_semaphore, #tpu.memory_space<semaphore_mem>>
        %dma_start3A = tpu.memref_slice %arg13[%mul3A_181] : memref<1048576xf32, #tpu.memory_space<hbm>> -> memref<8192xf32, #tpu.memory_space<hbm>>
        %dma_start3A_183 = tpu.memref_slice %arg13[%mul3A_181] : memref<1048576xf32, #tpu.memory_space<hbm>> -> memref<8192xf32, #tpu.memory_space<hbm>>
        tpu.enqueue_dma source(%arg21 : memref<8192xf32, #tpu.memory_space<vmem>>) target(%dma_start3A_183 : memref<8192xf32, #tpu.memory_space<hbm>>) target_semaphore(%run_scoped3A_182 : memref<!tpu.dma_semaphore, #tpu.memory_space<semaphore_mem>>)
        %dma_wait3A = tpu.memref_slice %arg13[%mul3A_181] : memref<1048576xf32, #tpu.memory_space<hbm>> -> memref<8192xf32, #tpu.memory_space<hbm>>
        %dma_wait3A_184 = tpu.memref_slice %arg13[%mul3A_181] : memref<1048576xf32, #tpu.memory_space<hbm>> -> memref<8192xf32, #tpu.memory_space<hbm>>
        tpu.wait_dma2 semaphore(%run_scoped3A_182 : memref<!tpu.dma_semaphore, #tpu.memory_space<semaphore_mem>>) src(%arg21 : memref<8192xf32, #tpu.memory_space<vmem>>) dst(%dma_wait3A_184 : memref<8192xf32, #tpu.memory_space<hbm>>)
        tpu.yield
      }) : () -> ()
    }
    %scan3A_10 = arith.constant 4 : i32
    %mul3A_11 = arith.constant 256 : i32
    %mul3A_12 = arith.muli %mul3A_2, %mul3A_11 : i32
    "tpu.region"() ({
      %run_scoped3A_164 = tpu.sem_alloc : memref<!tpu.dma_semaphore, #tpu.memory_space<semaphore_mem>>
      %dma_start3A = tpu.memref_slice %arg10[%mul3A_12] : memref<1048576xi32, #tpu.memory_space<hbm>> -> memref<32768xi32, #tpu.memory_space<hbm>>
      %dma_start3A_165 = tpu.memref_slice %arg10[%mul3A_12] : memref<1048576xi32, #tpu.memory_space<hbm>> -> memref<32768xi32, #tpu.memory_space<hbm>>
      tpu.enqueue_dma source(%dma_start3A_165 : memref<32768xi32, #tpu.memory_space<hbm>>) target(%arg22 : memref<32768xi32, #tpu.memory_space<vmem>>) target_semaphore(%run_scoped3A_164 : memref<!tpu.dma_semaphore, #tpu.memory_space<semaphore_mem>>)
      %dma_wait3A = tpu.memref_slice %arg10[%mul3A_12] : memref<1048576xi32, #tpu.memory_space<hbm>> -> memref<32768xi32, #tpu.memory_space<hbm>>
      %dma_wait3A_166 = tpu.memref_slice %arg10[%mul3A_12] : memref<1048576xi32, #tpu.memory_space<hbm>> -> memref<32768xi32, #tpu.memory_space<hbm>>
      tpu.wait_dma2 semaphore(%run_scoped3A_164 : memref<!tpu.dma_semaphore, #tpu.memory_space<semaphore_mem>>) src(%dma_wait3A_166 : memref<32768xi32, #tpu.memory_space<hbm>>) dst(%arg22 : memref<32768xi32, #tpu.memory_space<vmem>>)
      tpu.yield
    }) : () -> ()
    "tpu.region"() ({
      %run_scoped3A_164 = tpu.sem_alloc : memref<!tpu.dma_semaphore, #tpu.memory_space<semaphore_mem>>
      %dma_start3A = arith.constant 0 : i32
      %dma_start3A_165 = tpu.memref_slice %arg5[%dma_start3A] : memref<65536xf32, #tpu.memory_space<hbm>> -> memref<4096xf32, #tpu.memory_space<hbm>>
      %dma_start3A_166 = arith.constant 0 : i32
      %dma_start3A_167 = tpu.memref_slice %arg5[%dma_start3A_166] : memref<65536xf32, #tpu.memory_space<hbm>> -> memref<4096xf32, #tpu.memory_space<hbm>>
      tpu.enqueue_dma source(%dma_start3A_167 : memref<4096xf32, #tpu.memory_space<hbm>>) target(%arg23 : memref<4096xf32, #tpu.memory_space<vmem>>) target_semaphore(%run_scoped3A_164 : memref<!tpu.dma_semaphore, #tpu.memory_space<semaphore_mem>>)
      %dma_wait3A = arith.constant 0 : i32
      %dma_wait3A_168 = tpu.memref_slice %arg5[%dma_wait3A] : memref<65536xf32, #tpu.memory_space<hbm>> -> memref<4096xf32, #tpu.memory_space<hbm>>
      %dma_wait3A_169 = arith.constant 0 : i32
      %dma_wait3A_170 = tpu.memref_slice %arg5[%dma_wait3A_169] : memref<65536xf32, #tpu.memory_space<hbm>> -> memref<4096xf32, #tpu.memory_space<hbm>>
      tpu.wait_dma2 semaphore(%run_scoped3A_164 : memref<!tpu.dma_semaphore, #tpu.memory_space<semaphore_mem>>) src(%dma_wait3A_170 : memref<4096xf32, #tpu.memory_space<hbm>>) dst(%arg23 : memref<4096xf32, #tpu.memory_space<vmem>>)
      tpu.yield
    }) : () -> ()
    %scan3A_13 = arith.constant 0 : i32
    %scan3A_14 = arith.constant 0 : i32
    %scan3A_15 = arith.constant 2048 : i32
    %scan3A_16 = arith.addi %scan3A_14, %scan3A_15 : i32
    %scan3A_17 = arith.constant 1 : i32
    scf.for %scan3A_164 = %scan3A_14 to %scan3A_16 step %scan3A_17  : i32 {
      %mul3A_165 = arith.constant 16 : i32
      %mul3A_166 = arith.muli %scan3A_164, %mul3A_165 : i32
      %get3A = arith.index_cast %mul3A_166 : i32 to index
      %get3A_167 = tpu.vector_load %arg22[%get3A] {strides = array<i32>} : memref<32768xi32, #tpu.memory_space<vmem>>, vector<16xi32>,
      %gather3A = tpu.vector_load_idx %arg23[%get3A_167] : memref<4096xf32, #tpu.memory_space<vmem>>[vector<16xi32>], vector<16xf32>,
      %swap3A = arith.index_cast %mul3A_166 : i32 to index
      %swap3A_168 = tpu.vector_load %arg24[%swap3A] {strides = array<i32>} : memref<32768xf32, #tpu.memory_space<vmem>>, vector<16xf32>,
      tpu.vector_store %arg24[%swap3A], %gather3A {strides = array<i32>} : memref<32768xf32, #tpu.memory_space<vmem>>, vector<16xf32>,
    }
    %scan3A_18 = arith.constant 2048 : i32
    %run_scoped3A = arith.constant 0 : i32
    "tpu.region"() ({
      %run_scoped3A_164 = tpu.sem_alloc : memref<!tpu.dma_semaphore, #tpu.memory_space<semaphore_mem>>
      %dma_start3A = tpu.memref_slice %arg14[%run_scoped3A, %mul3A_12] : memref<24x1048576xf32, #tpu.memory_space<hbm>> -> memref<1x32768xf32, #tpu.memory_space<hbm>>
      %dma_start3A_165 = tpu.memref_squeeze %dma_start3A : memref<1x32768xf32, #tpu.memory_space<hbm>> -> memref<32768xf32, #tpu.memory_space<hbm>>
      %dma_start3A_166 = tpu.memref_slice %arg14[%run_scoped3A, %mul3A_12] : memref<24x1048576xf32, #tpu.memory_space<hbm>> -> memref<1x32768xf32, #tpu.memory_space<hbm>>
      %dma_start3A_167 = tpu.memref_squeeze %dma_start3A_166 : memref<1x32768xf32, #tpu.memory_space<hbm>> -> memref<32768xf32, #tpu.memory_space<hbm>>
      tpu.enqueue_dma source(%arg24 : memref<32768xf32, #tpu.memory_space<vmem>>) target(%dma_start3A_167 : memref<32768xf32, #tpu.memory_space<hbm>>) target_semaphore(%run_scoped3A_164 : memref<!tpu.dma_semaphore, #tpu.memory_space<semaphore_mem>>)
      %dma_wait3A = tpu.memref_slice %arg14[%run_scoped3A, %mul3A_12] : memref<24x1048576xf32, #tpu.memory_space<hbm>> -> memref<1x32768xf32, #tpu.memory_space<hbm>>
      %dma_wait3A_168 = tpu.memref_squeeze %dma_wait3A : memref<1x32768xf32, #tpu.memory_space<hbm>> -> memref<32768xf32, #tpu.memory_space<hbm>>
      %dma_wait3A_169 = tpu.memref_slice %arg14[%run_scoped3A, %mul3A_12] : memref<24x1048576xf32, #tpu.memory_space<hbm>> -> memref<1x32768xf32, #tpu.memory_space<hbm>>
      %dma_wait3A_170 = tpu.memref_squeeze %dma_wait3A_169 : memref<1x32768xf32, #tpu.memory_space<hbm>> -> memref<32768xf32, #tpu.memory_space<hbm>>
      tpu.wait_dma2 semaphore(%run_scoped3A_164 : memref<!tpu.dma_semaphore, #tpu.memory_space<semaphore_mem>>) src(%arg24 : memref<32768xf32, #tpu.memory_space<vmem>>) dst(%dma_wait3A_170 : memref<32768xf32, #tpu.memory_space<hbm>>)
      tpu.yield
    }) : () -> ()
    "tpu.region"() ({
      %run_scoped3A_164 = tpu.sem_alloc : memref<!tpu.dma_semaphore, #tpu.memory_space<semaphore_mem>>
      %dma_start3A = arith.constant 4096 : i32
      %dma_start3A_165 = tpu.memref_slice %arg5[%dma_start3A] : memref<65536xf32, #tpu.memory_space<hbm>> -> memref<4096xf32, #tpu.memory_space<hbm>>
      %dma_start3A_166 = arith.constant 4096 : i32
      %dma_start3A_167 = tpu.memref_slice %arg5[%dma_start3A_166] : memref<65536xf32, #tpu.memory_space<hbm>> -> memref<4096xf32, #tpu.memory_space<hbm>>
      tpu.enqueue_dma source(%dma_start3A_167 : memref<4096xf32, #tpu.memory_space<hbm>>) target(%arg23 : memref<4096xf32, #tpu.memory_space<vmem>>) target_semaphore(%run_scoped3A_164 : memref<!tpu.dma_semaphore, #tpu.memory_space<semaphore_mem>>)
      %dma_wait3A = arith.constant 4096 : i32
      %dma_wait3A_168 = tpu.memref_slice %arg5[%dma_wait3A] : memref<65536xf32, #tpu.memory_space<hbm>> -> memref<4096xf32, #tpu.memory_space<hbm>>
      %dma_wait3A_169 = arith.constant 4096 : i32
      %dma_wait3A_170 = tpu.memref_slice %arg5[%dma_wait3A_169] : memref<65536xf32, #tpu.memory_space<hbm>> -> memref<4096xf32, #tpu.memory_space<hbm>>
      tpu.wait_dma2 semaphore(%run_scoped3A_164 : memref<!tpu.dma_semaphore, #tpu.memory_space<semaphore_mem>>) src(%dma_wait3A_170 : memref<4096xf32, #tpu.memory_space<hbm>>) dst(%arg23 : memref<4096xf32, #tpu.memory_space<vmem>>)
      tpu.yield
    }) : () -> ()
    %scan3A_19 = arith.constant 0 : i32
    %scan3A_20 = arith.constant 0 : i32
    %scan3A_21 = arith.constant 2048 : i32
    %scan3A_22 = arith.addi %scan3A_20, %scan3A_21 : i32
    %scan3A_23 = arith.constant 1 : i32
    scf.for %scan3A_164 = %scan3A_20 to %scan3A_22 step %scan3A_23  : i32 {
      %mul3A_165 = arith.constant 16 : i32
      %mul3A_166 = arith.muli %scan3A_164, %mul3A_165 : i32
      %get3A = arith.index_cast %mul3A_166 : i32 to index
      %get3A_167 = tpu.vector_load %arg22[%get3A] {strides = array<i32>} : memref<32768xi32, #tpu.memory_space<vmem>>, vector<16xi32>,
      %gather3A = tpu.vector_load_idx %arg23[%get3A_167] : memref<4096xf32, #tpu.memory_space<vmem>>[vector<16xi32>], vector<16xf32>,
      %swap3A = arith.index_cast %mul3A_166 : i32 to index
      %swap3A_168 = tpu.vector_load %arg24[%swap3A] {strides = array<i32>} : memref<32768xf32, #tpu.memory_space<vmem>>, vector<16xf32>,
      tpu.vector_store %arg24[%swap3A], %gather3A {strides = array<i32>} : memref<32768xf32, #tpu.memory_space<vmem>>, vector<16xf32>,
    }
    %scan3A_24 = arith.constant 2048 : i32
    %run_scoped3A_25 = arith.constant 1 : i32
    "tpu.region"() ({
      %run_scoped3A_164 = tpu.sem_alloc : memref<!tpu.dma_semaphore, #tpu.memory_space<semaphore_mem>>
      %dma_start3A = tpu.memref_slice %arg14[%run_scoped3A_25, %mul3A_12] : memref<24x1048576xf32, #tpu.memory_space<hbm>> -> memref<1x32768xf32, #tpu.memory_space<hbm>>
      %dma_start3A_165 = tpu.memref_squeeze %dma_start3A : memref<1x32768xf32, #tpu.memory_space<hbm>> -> memref<32768xf32, #tpu.memory_space<hbm>>
      %dma_start3A_166 = tpu.memref_slice %arg14[%run_scoped3A_25, %mul3A_12] : memref<24x1048576xf32, #tpu.memory_space<hbm>> -> memref<1x32768xf32, #tpu.memory_space<hbm>>
      %dma_start3A_167 = tpu.memref_squeeze %dma_start3A_166 : memref<1x32768xf32, #tpu.memory_space<hbm>> -> memref<32768xf32, #tpu.memory_space<hbm>>
      tpu.enqueue_dma source(%arg24 : memref<32768xf32, #tpu.memory_space<vmem>>) target(%dma_start3A_167 : memref<32768xf32, #tpu.memory_space<hbm>>) target_semaphore(%run_scoped3A_164 : memref<!tpu.dma_semaphore, #tpu.memory_space<semaphore_mem>>)
      %dma_wait3A = tpu.memref_slice %arg14[%run_scoped3A_25, %mul3A_12] : memref<24x1048576xf32, #tpu.memory_space<hbm>> -> memref<1x32768xf32, #tpu.memory_space<hbm>>
      %dma_wait3A_168 = tpu.memref_squeeze %dma_wait3A : memref<1x32768xf32, #tpu.memory_space<hbm>> -> memref<32768xf32, #tpu.memory_space<hbm>>
      %dma_wait3A_169 = tpu.memref_slice %arg14[%run_scoped3A_25, %mul3A_12] : memref<24x1048576xf32, #tpu.memory_space<hbm>> -> memref<1x32768xf32, #tpu.memory_space<hbm>>
      %dma_wait3A_170 = tpu.memref_squeeze %dma_wait3A_169 : memref<1x32768xf32, #tpu.memory_space<hbm>> -> memref<32768xf32, #tpu.memory_space<hbm>>
      tpu.wait_dma2 semaphore(%run_scoped3A_164 : memref<!tpu.dma_semaphore, #tpu.memory_space<semaphore_mem>>) src(%arg24 : memref<32768xf32, #tpu.memory_space<vmem>>) dst(%dma_wait3A_170 : memref<32768xf32, #tpu.memory_space<hbm>>)
      tpu.yield
    }) : () -> ()
    "tpu.region"() ({
      %run_scoped3A_164 = tpu.sem_alloc : memref<!tpu.dma_semaphore, #tpu.memory_space<semaphore_mem>>
      %dma_start3A = arith.constant 8192 : i32
      %dma_start3A_165 = tpu.memref_slice %arg5[%dma_start3A] : memref<65536xf32, #tpu.memory_space<hbm>> -> memref<4096xf32, #tpu.memory_space<hbm>>
      %dma_start3A_166 = arith.constant 8192 : i32
      %dma_start3A_167 = tpu.memref_slice %arg5[%dma_start3A_166] : memref<65536xf32, #tpu.memory_space<hbm>> -> memref<4096xf32, #tpu.memory_space<hbm>>
      tpu.enqueue_dma source(%dma_start3A_167 : memref<4096xf32, #tpu.memory_space<hbm>>) target(%arg23 : memref<4096xf32, #tpu.memory_space<vmem>>) target_semaphore(%run_scoped3A_164 : memref<!tpu.dma_semaphore, #tpu.memory_space<semaphore_mem>>)
      %dma_wait3A = arith.constant 8192 : i32
      %dma_wait3A_168 = tpu.memref_slice %arg5[%dma_wait3A] : memref<65536xf32, #tpu.memory_space<hbm>> -> memref<4096xf32, #tpu.memory_space<hbm>>
      %dma_wait3A_169 = arith.constant 8192 : i32
      %dma_wait3A_170 = tpu.memref_slice %arg5[%dma_wait3A_169] : memref<65536xf32, #tpu.memory_space<hbm>> -> memref<4096xf32, #tpu.memory_space<hbm>>
      tpu.wait_dma2 semaphore(%run_scoped3A_164 : memref<!tpu.dma_semaphore, #tpu.memory_space<semaphore_mem>>) src(%dma_wait3A_170 : memref<4096xf32, #tpu.memory_space<hbm>>) dst(%arg23 : memref<4096xf32, #tpu.memory_space<vmem>>)
      tpu.yield
    }) : () -> ()
    %scan3A_26 = arith.constant 0 : i32
    %scan3A_27 = arith.constant 0 : i32
    %scan3A_28 = arith.constant 2048 : i32
    %scan3A_29 = arith.addi %scan3A_27, %scan3A_28 : i32
    %scan3A_30 = arith.constant 1 : i32
    scf.for %scan3A_164 = %scan3A_27 to %scan3A_29 step %scan3A_30  : i32 {
      %mul3A_165 = arith.constant 16 : i32
      %mul3A_166 = arith.muli %scan3A_164, %mul3A_165 : i32
      %get3A = arith.index_cast %mul3A_166 : i32 to index
      %get3A_167 = tpu.vector_load %arg22[%get3A] {strides = array<i32>} : memref<32768xi32, #tpu.memory_space<vmem>>, vector<16xi32>,
      %gather3A = tpu.vector_load_idx %arg23[%get3A_167] : memref<4096xf32, #tpu.memory_space<vmem>>[vector<16xi32>], vector<16xf32>,
      %swap3A = arith.index_cast %mul3A_166 : i32 to index
      %swap3A_168 = tpu.vector_load %arg24[%swap3A] {strides = array<i32>} : memref<32768xf32, #tpu.memory_space<vmem>>, vector<16xf32>,
      tpu.vector_store %arg24[%swap3A], %gather3A {strides = array<i32>} : memref<32768xf32, #tpu.memory_space<vmem>>, vector<16xf32>,
    }
    %scan3A_31 = arith.constant 2048 : i32
    %run_scoped3A_32 = arith.constant 2 : i32
    "tpu.region"() ({
      %run_scoped3A_164 = tpu.sem_alloc : memref<!tpu.dma_semaphore, #tpu.memory_space<semaphore_mem>>
      %dma_start3A = tpu.memref_slice %arg14[%run_scoped3A_32, %mul3A_12] : memref<24x1048576xf32, #tpu.memory_space<hbm>> -> memref<1x32768xf32, #tpu.memory_space<hbm>>
      %dma_start3A_165 = tpu.memref_squeeze %dma_start3A : memref<1x32768xf32, #tpu.memory_space<hbm>> -> memref<32768xf32, #tpu.memory_space<hbm>>
      %dma_start3A_166 = tpu.memref_slice %arg14[%run_scoped3A_32, %mul3A_12] : memref<24x1048576xf32, #tpu.memory_space<hbm>> -> memref<1x32768xf32, #tpu.memory_space<hbm>>
      %dma_start3A_167 = tpu.memref_squeeze %dma_start3A_166 : memref<1x32768xf32, #tpu.memory_space<hbm>> -> memref<32768xf32, #tpu.memory_space<hbm>>
      tpu.enqueue_dma source(%arg24 : memref<32768xf32, #tpu.memory_space<vmem>>) target(%dma_start3A_167 : memref<32768xf32, #tpu.memory_space<hbm>>) target_semaphore(%run_scoped3A_164 : memref<!tpu.dma_semaphore, #tpu.memory_space<semaphore_mem>>)
      %dma_wait3A = tpu.memref_slice %arg14[%run_scoped3A_32, %mul3A_12] : memref<24x1048576xf32, #tpu.memory_space<hbm>> -> memref<1x32768xf32, #tpu.memory_space<hbm>>
      %dma_wait3A_168 = tpu.memref_squeeze %dma_wait3A : memref<1x32768xf32, #tpu.memory_space<hbm>> -> memref<32768xf32, #tpu.memory_space<hbm>>
      %dma_wait3A_169 = tpu.memref_slice %arg14[%run_scoped3A_32, %mul3A_12] : memref<24x1048576xf32, #tpu.memory_space<hbm>> -> memref<1x32768xf32, #tpu.memory_space<hbm>>
      %dma_wait3A_170 = tpu.memref_squeeze %dma_wait3A_169 : memref<1x32768xf32, #tpu.memory_space<hbm>> -> memref<32768xf32, #tpu.memory_space<hbm>>
      tpu.wait_dma2 semaphore(%run_scoped3A_164 : memref<!tpu.dma_semaphore, #tpu.memory_space<semaphore_mem>>) src(%arg24 : memref<32768xf32, #tpu.memory_space<vmem>>) dst(%dma_wait3A_170 : memref<32768xf32, #tpu.memory_space<hbm>>)
      tpu.yield
    }) : () -> ()
    "tpu.region"() ({
      %run_scoped3A_164 = tpu.sem_alloc : memref<!tpu.dma_semaphore, #tpu.memory_space<semaphore_mem>>
      %dma_start3A = arith.constant 12288 : i32
      %dma_start3A_165 = tpu.memref_slice %arg5[%dma_start3A] : memref<65536xf32, #tpu.memory_space<hbm>> -> memref<4096xf32, #tpu.memory_space<hbm>>
      %dma_start3A_166 = arith.constant 12288 : i32
      %dma_start3A_167 = tpu.memref_slice %arg5[%dma_start3A_166] : memref<65536xf32, #tpu.memory_space<hbm>> -> memref<4096xf32, #tpu.memory_space<hbm>>
      tpu.enqueue_dma source(%dma_start3A_167 : memref<4096xf32, #tpu.memory_space<hbm>>) target(%arg23 : memref<4096xf32, #tpu.memory_space<vmem>>) target_semaphore(%run_scoped3A_164 : memref<!tpu.dma_semaphore, #tpu.memory_space<semaphore_mem>>)
      %dma_wait3A = arith.constant 12288 : i32
      %dma_wait3A_168 = tpu.memref_slice %arg5[%dma_wait3A] : memref<65536xf32, #tpu.memory_space<hbm>> -> memref<4096xf32, #tpu.memory_space<hbm>>
      %dma_wait3A_169 = arith.constant 12288 : i32
      %dma_wait3A_170 = tpu.memref_slice %arg5[%dma_wait3A_169] : memref<65536xf32, #tpu.memory_space<hbm>> -> memref<4096xf32, #tpu.memory_space<hbm>>
      tpu.wait_dma2 semaphore(%run_scoped3A_164 : memref<!tpu.dma_semaphore, #tpu.memory_space<semaphore_mem>>) src(%dma_wait3A_170 : memref<4096xf32, #tpu.memory_space<hbm>>) dst(%arg23 : memref<4096xf32, #tpu.memory_space<vmem>>)
      tpu.yield
    }) : () -> ()
    %scan3A_33 = arith.constant 0 : i32
    %scan3A_34 = arith.constant 0 : i32
    %scan3A_35 = arith.constant 2048 : i32
    %scan3A_36 = arith.addi %scan3A_34, %scan3A_35 : i32
    %scan3A_37 = arith.constant 1 : i32
    scf.for %scan3A_164 = %scan3A_34 to %scan3A_36 step %scan3A_37  : i32 {
      %mul3A_165 = arith.constant 16 : i32
      %mul3A_166 = arith.muli %scan3A_164, %mul3A_165 : i32
      %get3A = arith.index_cast %mul3A_166 : i32 to index
      %get3A_167 = tpu.vector_load %arg22[%get3A] {strides = array<i32>} : memref<32768xi32, #tpu.memory_space<vmem>>, vector<16xi32>,
      %gather3A = tpu.vector_load_idx %arg23[%get3A_167] : memref<4096xf32, #tpu.memory_space<vmem>>[vector<16xi32>], vector<16xf32>,
      %swap3A = arith.index_cast %mul3A_166 : i32 to index
      %swap3A_168 = tpu.vector_load %arg24[%swap3A] {strides = array<i32>} : memref<32768xf32, #tpu.memory_space<vmem>>, vector<16xf32>,
      tpu.vector_store %arg24[%swap3A], %gather3A {strides = array<i32>} : memref<32768xf32, #tpu.memory_space<vmem>>, vector<16xf32>,
    }
    %scan3A_38 = arith.constant 2048 : i32
    %run_scoped3A_39 = arith.constant 3 : i32
    "tpu.region"() ({
      %run_scoped3A_164 = tpu.sem_alloc : memref<!tpu.dma_semaphore, #tpu.memory_space<semaphore_mem>>
      %dma_start3A = tpu.memref_slice %arg14[%run_scoped3A_39, %mul3A_12] : memref<24x1048576xf32, #tpu.memory_space<hbm>> -> memref<1x32768xf32, #tpu.memory_space<hbm>>
      %dma_start3A_165 = tpu.memref_squeeze %dma_start3A : memref<1x32768xf32, #tpu.memory_space<hbm>> -> memref<32768xf32, #tpu.memory_space<hbm>>
      %dma_start3A_166 = tpu.memref_slice %arg14[%run_scoped3A_39, %mul3A_12] : memref<24x1048576xf32, #tpu.memory_space<hbm>> -> memref<1x32768xf32, #tpu.memory_space<hbm>>
      %dma_start3A_167 = tpu.memref_squeeze %dma_start3A_166 : memref<1x32768xf32, #tpu.memory_space<hbm>> -> memref<32768xf32, #tpu.memory_space<hbm>>
      tpu.enqueue_dma source(%arg24 : memref<32768xf32, #tpu.memory_space<vmem>>) target(%dma_start3A_167 : memref<32768xf32, #tpu.memory_space<hbm>>) target_semaphore(%run_scoped3A_164 : memref<!tpu.dma_semaphore, #tpu.memory_space<semaphore_mem>>)
      %dma_wait3A = tpu.memref_slice %arg14[%run_scoped3A_39, %mul3A_12] : memref<24x1048576xf32, #tpu.memory_space<hbm>> -> memref<1x32768xf32, #tpu.memory_space<hbm>>
      %dma_wait3A_168 = tpu.memref_squeeze %dma_wait3A : memref<1x32768xf32, #tpu.memory_space<hbm>> -> memref<32768xf32, #tpu.memory_space<hbm>>
      %dma_wait3A_169 = tpu.memref_slice %arg14[%run_scoped3A_39, %mul3A_12] : memref<24x1048576xf32, #tpu.memory_space<hbm>> -> memref<1x32768xf32, #tpu.memory_space<hbm>>
      %dma_wait3A_170 = tpu.memref_squeeze %dma_wait3A_169 : memref<1x32768xf32, #tpu.memory_space<hbm>> -> memref<32768xf32, #tpu.memory_space<hbm>>
      tpu.wait_dma2 semaphore(%run_scoped3A_164 : memref<!tpu.dma_semaphore, #tpu.memory_space<semaphore_mem>>) src(%arg24 : memref<32768xf32, #tpu.memory_space<vmem>>) dst(%dma_wait3A_170 : memref<32768xf32, #tpu.memory_space<hbm>>)
      tpu.yield
    }) : () -> ()
    "tpu.region"() ({
      %run_scoped3A_164 = tpu.sem_alloc : memref<!tpu.dma_semaphore, #tpu.memory_space<semaphore_mem>>
      %dma_start3A = arith.constant 16384 : i32
      %dma_start3A_165 = tpu.memref_slice %arg5[%dma_start3A] : memref<65536xf32, #tpu.memory_space<hbm>> -> memref<4096xf32, #tpu.memory_space<hbm>>
      %dma_start3A_166 = arith.constant 16384 : i32
      %dma_start3A_167 = tpu.memref_slice %arg5[%dma_start3A_166] : memref<65536xf32, #tpu.memory_space<hbm>> -> memref<4096xf32, #tpu.memory_space<hbm>>
      tpu.enqueue_dma source(%dma_start3A_167 : memref<4096xf32, #tpu.memory_space<hbm>>) target(%arg23 : memref<4096xf32, #tpu.memory_space<vmem>>) target_semaphore(%run_scoped3A_164 : memref<!tpu.dma_semaphore, #tpu.memory_space<semaphore_mem>>)
      %dma_wait3A = arith.constant 16384 : i32
      %dma_wait3A_168 = tpu.memref_slice %arg5[%dma_wait3A] : memref<65536xf32, #tpu.memory_space<hbm>> -> memref<4096xf32, #tpu.memory_space<hbm>>
      %dma_wait3A_169 = arith.constant 16384 : i32
      %dma_wait3A_170 = tpu.memref_slice %arg5[%dma_wait3A_169] : memref<65536xf32, #tpu.memory_space<hbm>> -> memref<4096xf32, #tpu.memory_space<hbm>>
      tpu.wait_dma2 semaphore(%run_scoped3A_164 : memref<!tpu.dma_semaphore, #tpu.memory_space<semaphore_mem>>) src(%dma_wait3A_170 : memref<4096xf32, #tpu.memory_space<hbm>>) dst(%arg23 : memref<4096xf32, #tpu.memory_space<vmem>>)
      tpu.yield
    }) : () -> ()
    %scan3A_40 = arith.constant 0 : i32
    %scan3A_41 = arith.constant 0 : i32
    %scan3A_42 = arith.constant 2048 : i32
    %scan3A_43 = arith.addi %scan3A_41, %scan3A_42 : i32
    %scan3A_44 = arith.constant 1 : i32
    scf.for %scan3A_164 = %scan3A_41 to %scan3A_43 step %scan3A_44  : i32 {
      %mul3A_165 = arith.constant 16 : i32
      %mul3A_166 = arith.muli %scan3A_164, %mul3A_165 : i32
      %get3A = arith.index_cast %mul3A_166 : i32 to index
      %get3A_167 = tpu.vector_load %arg22[%get3A] {strides = array<i32>} : memref<32768xi32, #tpu.memory_space<vmem>>, vector<16xi32>,
      %gather3A = tpu.vector_load_idx %arg23[%get3A_167] : memref<4096xf32, #tpu.memory_space<vmem>>[vector<16xi32>], vector<16xf32>,
      %swap3A = arith.index_cast %mul3A_166 : i32 to index
      %swap3A_168 = tpu.vector_load %arg24[%swap3A] {strides = array<i32>} : memref<32768xf32, #tpu.memory_space<vmem>>, vector<16xf32>,
      tpu.vector_store %arg24[%swap3A], %gather3A {strides = array<i32>} : memref<32768xf32, #tpu.memory_space<vmem>>, vector<16xf32>,
    }
    %scan3A_45 = arith.constant 2048 : i32
    %run_scoped3A_46 = arith.constant 4 : i32
    "tpu.region"() ({
      %run_scoped3A_164 = tpu.sem_alloc : memref<!tpu.dma_semaphore, #tpu.memory_space<semaphore_mem>>
      %dma_start3A = tpu.memref_slice %arg14[%run_scoped3A_46, %mul3A_12] : memref<24x1048576xf32, #tpu.memory_space<hbm>> -> memref<1x32768xf32, #tpu.memory_space<hbm>>
      %dma_start3A_165 = tpu.memref_squeeze %dma_start3A : memref<1x32768xf32, #tpu.memory_space<hbm>> -> memref<32768xf32, #tpu.memory_space<hbm>>
      %dma_start3A_166 = tpu.memref_slice %arg14[%run_scoped3A_46, %mul3A_12] : memref<24x1048576xf32, #tpu.memory_space<hbm>> -> memref<1x32768xf32, #tpu.memory_space<hbm>>
      %dma_start3A_167 = tpu.memref_squeeze %dma_start3A_166 : memref<1x32768xf32, #tpu.memory_space<hbm>> -> memref<32768xf32, #tpu.memory_space<hbm>>
      tpu.enqueue_dma source(%arg24 : memref<32768xf32, #tpu.memory_space<vmem>>) target(%dma_start3A_167 : memref<32768xf32, #tpu.memory_space<hbm>>) target_semaphore(%run_scoped3A_164 : memref<!tpu.dma_semaphore, #tpu.memory_space<semaphore_mem>>)
      %dma_wait3A = tpu.memref_slice %arg14[%run_scoped3A_46, %mul3A_12] : memref<24x1048576xf32, #tpu.memory_space<hbm>> -> memref<1x32768xf32, #tpu.memory_space<hbm>>
      %dma_wait3A_168 = tpu.memref_squeeze %dma_wait3A : memref<1x32768xf32, #tpu.memory_space<hbm>> -> memref<32768xf32, #tpu.memory_space<hbm>>
      %dma_wait3A_169 = tpu.memref_slice %arg14[%run_scoped3A_46, %mul3A_12] : memref<24x1048576xf32, #tpu.memory_space<hbm>> -> memref<1x32768xf32, #tpu.memory_space<hbm>>
      %dma_wait3A_170 = tpu.memref_squeeze %dma_wait3A_169 : memref<1x32768xf32, #tpu.memory_space<hbm>> -> memref<32768xf32, #tpu.memory_space<hbm>>
      tpu.wait_dma2 semaphore(%run_scoped3A_164 : memref<!tpu.dma_semaphore, #tpu.memory_space<semaphore_mem>>) src(%arg24 : memref<32768xf32, #tpu.memory_space<vmem>>) dst(%dma_wait3A_170 : memref<32768xf32, #tpu.memory_space<hbm>>)
      tpu.yield
    }) : () -> ()
    "tpu.region"() ({
      %run_scoped3A_164 = tpu.sem_alloc : memref<!tpu.dma_semaphore, #tpu.memory_space<semaphore_mem>>
      %dma_start3A = arith.constant 20480 : i32
      %dma_start3A_165 = tpu.memref_slice %arg5[%dma_start3A] : memref<65536xf32, #tpu.memory_space<hbm>> -> memref<4096xf32, #tpu.memory_space<hbm>>
      %dma_start3A_166 = arith.constant 20480 : i32
      %dma_start3A_167 = tpu.memref_slice %arg5[%dma_start3A_166] : memref<65536xf32, #tpu.memory_space<hbm>> -> memref<4096xf32, #tpu.memory_space<hbm>>
      tpu.enqueue_dma source(%dma_start3A_167 : memref<4096xf32, #tpu.memory_space<hbm>>) target(%arg23 : memref<4096xf32, #tpu.memory_space<vmem>>) target_semaphore(%run_scoped3A_164 : memref<!tpu.dma_semaphore, #tpu.memory_space<semaphore_mem>>)
      %dma_wait3A = arith.constant 20480 : i32
      %dma_wait3A_168 = tpu.memref_slice %arg5[%dma_wait3A] : memref<65536xf32, #tpu.memory_space<hbm>> -> memref<4096xf32, #tpu.memory_space<hbm>>
      %dma_wait3A_169 = arith.constant 20480 : i32
      %dma_wait3A_170 = tpu.memref_slice %arg5[%dma_wait3A_169] : memref<65536xf32, #tpu.memory_space<hbm>> -> memref<4096xf32, #tpu.memory_space<hbm>>
      tpu.wait_dma2 semaphore(%run_scoped3A_164 : memref<!tpu.dma_semaphore, #tpu.memory_space<semaphore_mem>>) src(%dma_wait3A_170 : memref<4096xf32, #tpu.memory_space<hbm>>) dst(%arg23 : memref<4096xf32, #tpu.memory_space<vmem>>)
      tpu.yield
    }) : () -> ()
    %scan3A_47 = arith.constant 0 : i32
    %scan3A_48 = arith.constant 0 : i32
    %scan3A_49 = arith.constant 2048 : i32
    %scan3A_50 = arith.addi %scan3A_48, %scan3A_49 : i32
    %scan3A_51 = arith.constant 1 : i32
    scf.for %scan3A_164 = %scan3A_48 to %scan3A_50 step %scan3A_51  : i32 {
      %mul3A_165 = arith.constant 16 : i32
      %mul3A_166 = arith.muli %scan3A_164, %mul3A_165 : i32
      %get3A = arith.index_cast %mul3A_166 : i32 to index
      %get3A_167 = tpu.vector_load %arg22[%get3A] {strides = array<i32>} : memref<32768xi32, #tpu.memory_space<vmem>>, vector<16xi32>,
      %gather3A = tpu.vector_load_idx %arg23[%get3A_167] : memref<4096xf32, #tpu.memory_space<vmem>>[vector<16xi32>], vector<16xf32>,
      %swap3A = arith.index_cast %mul3A_166 : i32 to index
      %swap3A_168 = tpu.vector_load %arg24[%swap3A] {strides = array<i32>} : memref<32768xf32, #tpu.memory_space<vmem>>, vector<16xf32>,
      tpu.vector_store %arg24[%swap3A], %gather3A {strides = array<i32>} : memref<32768xf32, #tpu.memory_space<vmem>>, vector<16xf32>,
    }
    %scan3A_52 = arith.constant 2048 : i32
    %run_scoped3A_53 = arith.constant 5 : i32
    "tpu.region"() ({
      %run_scoped3A_164 = tpu.sem_alloc : memref<!tpu.dma_semaphore, #tpu.memory_space<semaphore_mem>>
      %dma_start3A = tpu.memref_slice %arg14[%run_scoped3A_53, %mul3A_12] : memref<24x1048576xf32, #tpu.memory_space<hbm>> -> memref<1x32768xf32, #tpu.memory_space<hbm>>
      %dma_start3A_165 = tpu.memref_squeeze %dma_start3A : memref<1x32768xf32, #tpu.memory_space<hbm>> -> memref<32768xf32, #tpu.memory_space<hbm>>
      %dma_start3A_166 = tpu.memref_slice %arg14[%run_scoped3A_53, %mul3A_12] : memref<24x1048576xf32, #tpu.memory_space<hbm>> -> memref<1x32768xf32, #tpu.memory_space<hbm>>
      %dma_start3A_167 = tpu.memref_squeeze %dma_start3A_166 : memref<1x32768xf32, #tpu.memory_space<hbm>> -> memref<32768xf32, #tpu.memory_space<hbm>>
      tpu.enqueue_dma source(%arg24 : memref<32768xf32, #tpu.memory_space<vmem>>) target(%dma_start3A_167 : memref<32768xf32, #tpu.memory_space<hbm>>) target_semaphore(%run_scoped3A_164 : memref<!tpu.dma_semaphore, #tpu.memory_space<semaphore_mem>>)
      %dma_wait3A = tpu.memref_slice %arg14[%run_scoped3A_53, %mul3A_12] : memref<24x1048576xf32, #tpu.memory_space<hbm>> -> memref<1x32768xf32, #tpu.memory_space<hbm>>
      %dma_wait3A_168 = tpu.memref_squeeze %dma_wait3A : memref<1x32768xf32, #tpu.memory_space<hbm>> -> memref<32768xf32, #tpu.memory_space<hbm>>
      %dma_wait3A_169 = tpu.memref_slice %arg14[%run_scoped3A_53, %mul3A_12] : memref<24x1048576xf32, #tpu.memory_space<hbm>> -> memref<1x32768xf32, #tpu.memory_space<hbm>>
      %dma_wait3A_170 = tpu.memref_squeeze %dma_wait3A_169 : memref<1x32768xf32, #tpu.memory_space<hbm>> -> memref<32768xf32, #tpu.memory_space<hbm>>
      tpu.wait_dma2 semaphore(%run_scoped3A_164 : memref<!tpu.dma_semaphore, #tpu.memory_space<semaphore_mem>>) src(%arg24 : memref<32768xf32, #tpu.memory_space<vmem>>) dst(%dma_wait3A_170 : memref<32768xf32, #tpu.memory_space<hbm>>)
      tpu.yield
    }) : () -> ()
    "tpu.region"() ({
      %run_scoped3A_164 = tpu.sem_alloc : memref<!tpu.dma_semaphore, #tpu.memory_space<semaphore_mem>>
      %dma_start3A = arith.constant 24576 : i32
      %dma_start3A_165 = tpu.memref_slice %arg5[%dma_start3A] : memref<65536xf32, #tpu.memory_space<hbm>> -> memref<4096xf32, #tpu.memory_space<hbm>>
      %dma_start3A_166 = arith.constant 24576 : i32
      %dma_start3A_167 = tpu.memref_slice %arg5[%dma_start3A_166] : memref<65536xf32, #tpu.memory_space<hbm>> -> memref<4096xf32, #tpu.memory_space<hbm>>
      tpu.enqueue_dma source(%dma_start3A_167 : memref<4096xf32, #tpu.memory_space<hbm>>) target(%arg23 : memref<4096xf32, #tpu.memory_space<vmem>>) target_semaphore(%run_scoped3A_164 : memref<!tpu.dma_semaphore, #tpu.memory_space<semaphore_mem>>)
      %dma_wait3A = arith.constant 24576 : i32
      %dma_wait3A_168 = tpu.memref_slice %arg5[%dma_wait3A] : memref<65536xf32, #tpu.memory_space<hbm>> -> memref<4096xf32, #tpu.memory_space<hbm>>
      %dma_wait3A_169 = arith.constant 24576 : i32
      %dma_wait3A_170 = tpu.memref_slice %arg5[%dma_wait3A_169] : memref<65536xf32, #tpu.memory_space<hbm>> -> memref<4096xf32, #tpu.memory_space<hbm>>
      tpu.wait_dma2 semaphore(%run_scoped3A_164 : memref<!tpu.dma_semaphore, #tpu.memory_space<semaphore_mem>>) src(%dma_wait3A_170 : memref<4096xf32, #tpu.memory_space<hbm>>) dst(%arg23 : memref<4096xf32, #tpu.memory_space<vmem>>)
      tpu.yield
    }) : () -> ()
    %scan3A_54 = arith.constant 0 : i32
    %scan3A_55 = arith.constant 0 : i32
    %scan3A_56 = arith.constant 2048 : i32
    %scan3A_57 = arith.addi %scan3A_55, %scan3A_56 : i32
    %scan3A_58 = arith.constant 1 : i32
    scf.for %scan3A_164 = %scan3A_55 to %scan3A_57 step %scan3A_58  : i32 {
      %mul3A_165 = arith.constant 16 : i32
      %mul3A_166 = arith.muli %scan3A_164, %mul3A_165 : i32
      %get3A = arith.index_cast %mul3A_166 : i32 to index
      %get3A_167 = tpu.vector_load %arg22[%get3A] {strides = array<i32>} : memref<32768xi32, #tpu.memory_space<vmem>>, vector<16xi32>,
      %gather3A = tpu.vector_load_idx %arg23[%get3A_167] : memref<4096xf32, #tpu.memory_space<vmem>>[vector<16xi32>], vector<16xf32>,
      %swap3A = arith.index_cast %mul3A_166 : i32 to index
      %swap3A_168 = tpu.vector_load %arg24[%swap3A] {strides = array<i32>} : memref<32768xf32, #tpu.memory_space<vmem>>, vector<16xf32>,
      tpu.vector_store %arg24[%swap3A], %gather3A {strides = array<i32>} : memref<32768xf32, #tpu.memory_space<vmem>>, vector<16xf32>,
    }
    %scan3A_59 = arith.constant 2048 : i32
    %run_scoped3A_60 = arith.constant 6 : i32
    "tpu.region"() ({
      %run_scoped3A_164 = tpu.sem_alloc : memref<!tpu.dma_semaphore, #tpu.memory_space<semaphore_mem>>
      %dma_start3A = tpu.memref_slice %arg14[%run_scoped3A_60, %mul3A_12] : memref<24x1048576xf32, #tpu.memory_space<hbm>> -> memref<1x32768xf32, #tpu.memory_space<hbm>>
      %dma_start3A_165 = tpu.memref_squeeze %dma_start3A : memref<1x32768xf32, #tpu.memory_space<hbm>> -> memref<32768xf32, #tpu.memory_space<hbm>>
      %dma_start3A_166 = tpu.memref_slice %arg14[%run_scoped3A_60, %mul3A_12] : memref<24x1048576xf32, #tpu.memory_space<hbm>> -> memref<1x32768xf32, #tpu.memory_space<hbm>>
      %dma_start3A_167 = tpu.memref_squeeze %dma_start3A_166 : memref<1x32768xf32, #tpu.memory_space<hbm>> -> memref<32768xf32, #tpu.memory_space<hbm>>
      tpu.enqueue_dma source(%arg24 : memref<32768xf32, #tpu.memory_space<vmem>>) target(%dma_start3A_167 : memref<32768xf32, #tpu.memory_space<hbm>>) target_semaphore(%run_scoped3A_164 : memref<!tpu.dma_semaphore, #tpu.memory_space<semaphore_mem>>)
      %dma_wait3A = tpu.memref_slice %arg14[%run_scoped3A_60, %mul3A_12] : memref<24x1048576xf32, #tpu.memory_space<hbm>> -> memref<1x32768xf32, #tpu.memory_space<hbm>>
      %dma_wait3A_168 = tpu.memref_squeeze %dma_wait3A : memref<1x32768xf32, #tpu.memory_space<hbm>> -> memref<32768xf32, #tpu.memory_space<hbm>>
      %dma_wait3A_169 = tpu.memref_slice %arg14[%run_scoped3A_60, %mul3A_12] : memref<24x1048576xf32, #tpu.memory_space<hbm>> -> memref<1x32768xf32, #tpu.memory_space<hbm>>
      %dma_wait3A_170 = tpu.memref_squeeze %dma_wait3A_169 : memref<1x32768xf32, #tpu.memory_space<hbm>> -> memref<32768xf32, #tpu.memory_space<hbm>>
      tpu.wait_dma2 semaphore(%run_scoped3A_164 : memref<!tpu.dma_semaphore, #tpu.memory_space<semaphore_mem>>) src(%arg24 : memref<32768xf32, #tpu.memory_space<vmem>>) dst(%dma_wait3A_170 : memref<32768xf32, #tpu.memory_space<hbm>>)
      tpu.yield
    }) : () -> ()
    "tpu.region"() ({
      %run_scoped3A_164 = tpu.sem_alloc : memref<!tpu.dma_semaphore, #tpu.memory_space<semaphore_mem>>
      %dma_start3A = arith.constant 28672 : i32
      %dma_start3A_165 = tpu.memref_slice %arg5[%dma_start3A] : memref<65536xf32, #tpu.memory_space<hbm>> -> memref<4096xf32, #tpu.memory_space<hbm>>
      %dma_start3A_166 = arith.constant 28672 : i32
      %dma_start3A_167 = tpu.memref_slice %arg5[%dma_start3A_166] : memref<65536xf32, #tpu.memory_space<hbm>> -> memref<4096xf32, #tpu.memory_space<hbm>>
      tpu.enqueue_dma source(%dma_start3A_167 : memref<4096xf32, #tpu.memory_space<hbm>>) target(%arg23 : memref<4096xf32, #tpu.memory_space<vmem>>) target_semaphore(%run_scoped3A_164 : memref<!tpu.dma_semaphore, #tpu.memory_space<semaphore_mem>>)
      %dma_wait3A = arith.constant 28672 : i32
      %dma_wait3A_168 = tpu.memref_slice %arg5[%dma_wait3A] : memref<65536xf32, #tpu.memory_space<hbm>> -> memref<4096xf32, #tpu.memory_space<hbm>>
      %dma_wait3A_169 = arith.constant 28672 : i32
      %dma_wait3A_170 = tpu.memref_slice %arg5[%dma_wait3A_169] : memref<65536xf32, #tpu.memory_space<hbm>> -> memref<4096xf32, #tpu.memory_space<hbm>>
      tpu.wait_dma2 semaphore(%run_scoped3A_164 : memref<!tpu.dma_semaphore, #tpu.memory_space<semaphore_mem>>) src(%dma_wait3A_170 : memref<4096xf32, #tpu.memory_space<hbm>>) dst(%arg23 : memref<4096xf32, #tpu.memory_space<vmem>>)
      tpu.yield
    }) : () -> ()
    %scan3A_61 = arith.constant 0 : i32
    %scan3A_62 = arith.constant 0 : i32
    %scan3A_63 = arith.constant 2048 : i32
    %scan3A_64 = arith.addi %scan3A_62, %scan3A_63 : i32
    %scan3A_65 = arith.constant 1 : i32
    scf.for %scan3A_164 = %scan3A_62 to %scan3A_64 step %scan3A_65  : i32 {
      %mul3A_165 = arith.constant 16 : i32
      %mul3A_166 = arith.muli %scan3A_164, %mul3A_165 : i32
      %get3A = arith.index_cast %mul3A_166 : i32 to index
      %get3A_167 = tpu.vector_load %arg22[%get3A] {strides = array<i32>} : memref<32768xi32, #tpu.memory_space<vmem>>, vector<16xi32>,
      %gather3A = tpu.vector_load_idx %arg23[%get3A_167] : memref<4096xf32, #tpu.memory_space<vmem>>[vector<16xi32>], vector<16xf32>,
      %swap3A = arith.index_cast %mul3A_166 : i32 to index
      %swap3A_168 = tpu.vector_load %arg24[%swap3A] {strides = array<i32>} : memref<32768xf32, #tpu.memory_space<vmem>>, vector<16xf32>,
      tpu.vector_store %arg24[%swap3A], %gather3A {strides = array<i32>} : memref<32768xf32, #tpu.memory_space<vmem>>, vector<16xf32>,
    }
    %scan3A_66 = arith.constant 2048 : i32
    %run_scoped3A_67 = arith.constant 7 : i32
    "tpu.region"() ({
      %run_scoped3A_164 = tpu.sem_alloc : memref<!tpu.dma_semaphore, #tpu.memory_space<semaphore_mem>>
      %dma_start3A = tpu.memref_slice %arg14[%run_scoped3A_67, %mul3A_12] : memref<24x1048576xf32, #tpu.memory_space<hbm>> -> memref<1x32768xf32, #tpu.memory_space<hbm>>
      %dma_start3A_165 = tpu.memref_squeeze %dma_start3A : memref<1x32768xf32, #tpu.memory_space<hbm>> -> memref<32768xf32, #tpu.memory_space<hbm>>
      %dma_start3A_166 = tpu.memref_slice %arg14[%run_scoped3A_67, %mul3A_12] : memref<24x1048576xf32, #tpu.memory_space<hbm>> -> memref<1x32768xf32, #tpu.memory_space<hbm>>
      %dma_start3A_167 = tpu.memref_squeeze %dma_start3A_166 : memref<1x32768xf32, #tpu.memory_space<hbm>> -> memref<32768xf32, #tpu.memory_space<hbm>>
      tpu.enqueue_dma source(%arg24 : memref<32768xf32, #tpu.memory_space<vmem>>) target(%dma_start3A_167 : memref<32768xf32, #tpu.memory_space<hbm>>) target_semaphore(%run_scoped3A_164 : memref<!tpu.dma_semaphore, #tpu.memory_space<semaphore_mem>>)
      %dma_wait3A = tpu.memref_slice %arg14[%run_scoped3A_67, %mul3A_12] : memref<24x1048576xf32, #tpu.memory_space<hbm>> -> memref<1x32768xf32, #tpu.memory_space<hbm>>
      %dma_wait3A_168 = tpu.memref_squeeze %dma_wait3A : memref<1x32768xf32, #tpu.memory_space<hbm>> -> memref<32768xf32, #tpu.memory_space<hbm>>
      %dma_wait3A_169 = tpu.memref_slice %arg14[%run_scoped3A_67, %mul3A_12] : memref<24x1048576xf32, #tpu.memory_space<hbm>> -> memref<1x32768xf32, #tpu.memory_space<hbm>>
      %dma_wait3A_170 = tpu.memref_squeeze %dma_wait3A_169 : memref<1x32768xf32, #tpu.memory_space<hbm>> -> memref<32768xf32, #tpu.memory_space<hbm>>
      tpu.wait_dma2 semaphore(%run_scoped3A_164 : memref<!tpu.dma_semaphore, #tpu.memory_space<semaphore_mem>>) src(%arg24 : memref<32768xf32, #tpu.memory_space<vmem>>) dst(%dma_wait3A_170 : memref<32768xf32, #tpu.memory_space<hbm>>)
      tpu.yield
    }) : () -> ()
    "tpu.region"() ({
      %run_scoped3A_164 = tpu.sem_alloc : memref<!tpu.dma_semaphore, #tpu.memory_space<semaphore_mem>>
      %dma_start3A = arith.constant 32768 : i32
      %dma_start3A_165 = tpu.memref_slice %arg5[%dma_start3A] : memref<65536xf32, #tpu.memory_space<hbm>> -> memref<4096xf32, #tpu.memory_space<hbm>>
      %dma_start3A_166 = arith.constant 32768 : i32
      %dma_start3A_167 = tpu.memref_slice %arg5[%dma_start3A_166] : memref<65536xf32, #tpu.memory_space<hbm>> -> memref<4096xf32, #tpu.memory_space<hbm>>
      tpu.enqueue_dma source(%dma_start3A_167 : memref<4096xf32, #tpu.memory_space<hbm>>) target(%arg23 : memref<4096xf32, #tpu.memory_space<vmem>>) target_semaphore(%run_scoped3A_164 : memref<!tpu.dma_semaphore, #tpu.memory_space<semaphore_mem>>)
      %dma_wait3A = arith.constant 32768 : i32
      %dma_wait3A_168 = tpu.memref_slice %arg5[%dma_wait3A] : memref<65536xf32, #tpu.memory_space<hbm>> -> memref<4096xf32, #tpu.memory_space<hbm>>
      %dma_wait3A_169 = arith.constant 32768 : i32
      %dma_wait3A_170 = tpu.memref_slice %arg5[%dma_wait3A_169] : memref<65536xf32, #tpu.memory_space<hbm>> -> memref<4096xf32, #tpu.memory_space<hbm>>
      tpu.wait_dma2 semaphore(%run_scoped3A_164 : memref<!tpu.dma_semaphore, #tpu.memory_space<semaphore_mem>>) src(%dma_wait3A_170 : memref<4096xf32, #tpu.memory_space<hbm>>) dst(%arg23 : memref<4096xf32, #tpu.memory_space<vmem>>)
      tpu.yield
    }) : () -> ()
    %scan3A_68 = arith.constant 0 : i32
    %scan3A_69 = arith.constant 0 : i32
    %scan3A_70 = arith.constant 2048 : i32
    %scan3A_71 = arith.addi %scan3A_69, %scan3A_70 : i32
    %scan3A_72 = arith.constant 1 : i32
    scf.for %scan3A_164 = %scan3A_69 to %scan3A_71 step %scan3A_72  : i32 {
      %mul3A_165 = arith.constant 16 : i32
      %mul3A_166 = arith.muli %scan3A_164, %mul3A_165 : i32
      %get3A = arith.index_cast %mul3A_166 : i32 to index
      %get3A_167 = tpu.vector_load %arg22[%get3A] {strides = array<i32>} : memref<32768xi32, #tpu.memory_space<vmem>>, vector<16xi32>,
      %gather3A = tpu.vector_load_idx %arg23[%get3A_167] : memref<4096xf32, #tpu.memory_space<vmem>>[vector<16xi32>], vector<16xf32>,
      %swap3A = arith.index_cast %mul3A_166 : i32 to index
      %swap3A_168 = tpu.vector_load %arg24[%swap3A] {strides = array<i32>} : memref<32768xf32, #tpu.memory_space<vmem>>, vector<16xf32>,
      tpu.vector_store %arg24[%swap3A], %gather3A {strides = array<i32>} : memref<32768xf32, #tpu.memory_space<vmem>>, vector<16xf32>,
    }
    %scan3A_73 = arith.constant 2048 : i32
    %run_scoped3A_74 = arith.constant 8 : i32
    "tpu.region"() ({
      %run_scoped3A_164 = tpu.sem_alloc : memref<!tpu.dma_semaphore, #tpu.memory_space<semaphore_mem>>
      %dma_start3A = tpu.memref_slice %arg14[%run_scoped3A_74, %mul3A_12] : memref<24x1048576xf32, #tpu.memory_space<hbm>> -> memref<1x32768xf32, #tpu.memory_space<hbm>>
      %dma_start3A_165 = tpu.memref_squeeze %dma_start3A : memref<1x32768xf32, #tpu.memory_space<hbm>> -> memref<32768xf32, #tpu.memory_space<hbm>>
      %dma_start3A_166 = tpu.memref_slice %arg14[%run_scoped3A_74, %mul3A_12] : memref<24x1048576xf32, #tpu.memory_space<hbm>> -> memref<1x32768xf32, #tpu.memory_space<hbm>>
      %dma_start3A_167 = tpu.memref_squeeze %dma_start3A_166 : memref<1x32768xf32, #tpu.memory_space<hbm>> -> memref<32768xf32, #tpu.memory_space<hbm>>
      tpu.enqueue_dma source(%arg24 : memref<32768xf32, #tpu.memory_space<vmem>>) target(%dma_start3A_167 : memref<32768xf32, #tpu.memory_space<hbm>>) target_semaphore(%run_scoped3A_164 : memref<!tpu.dma_semaphore, #tpu.memory_space<semaphore_mem>>)
      %dma_wait3A = tpu.memref_slice %arg14[%run_scoped3A_74, %mul3A_12] : memref<24x1048576xf32, #tpu.memory_space<hbm>> -> memref<1x32768xf32, #tpu.memory_space<hbm>>
      %dma_wait3A_168 = tpu.memref_squeeze %dma_wait3A : memref<1x32768xf32, #tpu.memory_space<hbm>> -> memref<32768xf32, #tpu.memory_space<hbm>>
      %dma_wait3A_169 = tpu.memref_slice %arg14[%run_scoped3A_74, %mul3A_12] : memref<24x1048576xf32, #tpu.memory_space<hbm>> -> memref<1x32768xf32, #tpu.memory_space<hbm>>
      %dma_wait3A_170 = tpu.memref_squeeze %dma_wait3A_169 : memref<1x32768xf32, #tpu.memory_space<hbm>> -> memref<32768xf32, #tpu.memory_space<hbm>>
      tpu.wait_dma2 semaphore(%run_scoped3A_164 : memref<!tpu.dma_semaphore, #tpu.memory_space<semaphore_mem>>) src(%arg24 : memref<32768xf32, #tpu.memory_space<vmem>>) dst(%dma_wait3A_170 : memref<32768xf32, #tpu.memory_space<hbm>>)
      tpu.yield
    }) : () -> ()
    "tpu.region"() ({
      %run_scoped3A_164 = tpu.sem_alloc : memref<!tpu.dma_semaphore, #tpu.memory_space<semaphore_mem>>
      %dma_start3A = arith.constant 36864 : i32
      %dma_start3A_165 = tpu.memref_slice %arg5[%dma_start3A] : memref<65536xf32, #tpu.memory_space<hbm>> -> memref<4096xf32, #tpu.memory_space<hbm>>
      %dma_start3A_166 = arith.constant 36864 : i32
      %dma_start3A_167 = tpu.memref_slice %arg5[%dma_start3A_166] : memref<65536xf32, #tpu.memory_space<hbm>> -> memref<4096xf32, #tpu.memory_space<hbm>>
      tpu.enqueue_dma source(%dma_start3A_167 : memref<4096xf32, #tpu.memory_space<hbm>>) target(%arg23 : memref<4096xf32, #tpu.memory_space<vmem>>) target_semaphore(%run_scoped3A_164 : memref<!tpu.dma_semaphore, #tpu.memory_space<semaphore_mem>>)
      %dma_wait3A = arith.constant 36864 : i32
      %dma_wait3A_168 = tpu.memref_slice %arg5[%dma_wait3A] : memref<65536xf32, #tpu.memory_space<hbm>> -> memref<4096xf32, #tpu.memory_space<hbm>>
      %dma_wait3A_169 = arith.constant 36864 : i32
      %dma_wait3A_170 = tpu.memref_slice %arg5[%dma_wait3A_169] : memref<65536xf32, #tpu.memory_space<hbm>> -> memref<4096xf32, #tpu.memory_space<hbm>>
      tpu.wait_dma2 semaphore(%run_scoped3A_164 : memref<!tpu.dma_semaphore, #tpu.memory_space<semaphore_mem>>) src(%dma_wait3A_170 : memref<4096xf32, #tpu.memory_space<hbm>>) dst(%arg23 : memref<4096xf32, #tpu.memory_space<vmem>>)
      tpu.yield
    }) : () -> ()
    %scan3A_75 = arith.constant 0 : i32
    %scan3A_76 = arith.constant 0 : i32
    %scan3A_77 = arith.constant 2048 : i32
    %scan3A_78 = arith.addi %scan3A_76, %scan3A_77 : i32
    %scan3A_79 = arith.constant 1 : i32
    scf.for %scan3A_164 = %scan3A_76 to %scan3A_78 step %scan3A_79  : i32 {
      %mul3A_165 = arith.constant 16 : i32
      %mul3A_166 = arith.muli %scan3A_164, %mul3A_165 : i32
      %get3A = arith.index_cast %mul3A_166 : i32 to index
      %get3A_167 = tpu.vector_load %arg22[%get3A] {strides = array<i32>} : memref<32768xi32, #tpu.memory_space<vmem>>, vector<16xi32>,
      %gather3A = tpu.vector_load_idx %arg23[%get3A_167] : memref<4096xf32, #tpu.memory_space<vmem>>[vector<16xi32>], vector<16xf32>,
      %swap3A = arith.index_cast %mul3A_166 : i32 to index
      %swap3A_168 = tpu.vector_load %arg24[%swap3A] {strides = array<i32>} : memref<32768xf32, #tpu.memory_space<vmem>>, vector<16xf32>,
      tpu.vector_store %arg24[%swap3A], %gather3A {strides = array<i32>} : memref<32768xf32, #tpu.memory_space<vmem>>, vector<16xf32>,
    }
    %scan3A_80 = arith.constant 2048 : i32
    %run_scoped3A_81 = arith.constant 9 : i32
    "tpu.region"() ({
      %run_scoped3A_164 = tpu.sem_alloc : memref<!tpu.dma_semaphore, #tpu.memory_space<semaphore_mem>>
      %dma_start3A = tpu.memref_slice %arg14[%run_scoped3A_81, %mul3A_12] : memref<24x1048576xf32, #tpu.memory_space<hbm>> -> memref<1x32768xf32, #tpu.memory_space<hbm>>
      %dma_start3A_165 = tpu.memref_squeeze %dma_start3A : memref<1x32768xf32, #tpu.memory_space<hbm>> -> memref<32768xf32, #tpu.memory_space<hbm>>
      %dma_start3A_166 = tpu.memref_slice %arg14[%run_scoped3A_81, %mul3A_12] : memref<24x1048576xf32, #tpu.memory_space<hbm>> -> memref<1x32768xf32, #tpu.memory_space<hbm>>
      %dma_start3A_167 = tpu.memref_squeeze %dma_start3A_166 : memref<1x32768xf32, #tpu.memory_space<hbm>> -> memref<32768xf32, #tpu.memory_space<hbm>>
      tpu.enqueue_dma source(%arg24 : memref<32768xf32, #tpu.memory_space<vmem>>) target(%dma_start3A_167 : memref<32768xf32, #tpu.memory_space<hbm>>) target_semaphore(%run_scoped3A_164 : memref<!tpu.dma_semaphore, #tpu.memory_space<semaphore_mem>>)
      %dma_wait3A = tpu.memref_slice %arg14[%run_scoped3A_81, %mul3A_12] : memref<24x1048576xf32, #tpu.memory_space<hbm>> -> memref<1x32768xf32, #tpu.memory_space<hbm>>
      %dma_wait3A_168 = tpu.memref_squeeze %dma_wait3A : memref<1x32768xf32, #tpu.memory_space<hbm>> -> memref<32768xf32, #tpu.memory_space<hbm>>
      %dma_wait3A_169 = tpu.memref_slice %arg14[%run_scoped3A_81, %mul3A_12] : memref<24x1048576xf32, #tpu.memory_space<hbm>> -> memref<1x32768xf32, #tpu.memory_space<hbm>>
      %dma_wait3A_170 = tpu.memref_squeeze %dma_wait3A_169 : memref<1x32768xf32, #tpu.memory_space<hbm>> -> memref<32768xf32, #tpu.memory_space<hbm>>
      tpu.wait_dma2 semaphore(%run_scoped3A_164 : memref<!tpu.dma_semaphore, #tpu.memory_space<semaphore_mem>>) src(%arg24 : memref<32768xf32, #tpu.memory_space<vmem>>) dst(%dma_wait3A_170 : memref<32768xf32, #tpu.memory_space<hbm>>)
      tpu.yield
    }) : () -> ()
    "tpu.region"() ({
      %run_scoped3A_164 = tpu.sem_alloc : memref<!tpu.dma_semaphore, #tpu.memory_space<semaphore_mem>>
      %dma_start3A = arith.constant 40960 : i32
      %dma_start3A_165 = tpu.memref_slice %arg5[%dma_start3A] : memref<65536xf32, #tpu.memory_space<hbm>> -> memref<4096xf32, #tpu.memory_space<hbm>>
      %dma_start3A_166 = arith.constant 40960 : i32
      %dma_start3A_167 = tpu.memref_slice %arg5[%dma_start3A_166] : memref<65536xf32, #tpu.memory_space<hbm>> -> memref<4096xf32, #tpu.memory_space<hbm>>
      tpu.enqueue_dma source(%dma_start3A_167 : memref<4096xf32, #tpu.memory_space<hbm>>) target(%arg23 : memref<4096xf32, #tpu.memory_space<vmem>>) target_semaphore(%run_scoped3A_164 : memref<!tpu.dma_semaphore, #tpu.memory_space<semaphore_mem>>)
      %dma_wait3A = arith.constant 40960 : i32
      %dma_wait3A_168 = tpu.memref_slice %arg5[%dma_wait3A] : memref<65536xf32, #tpu.memory_space<hbm>> -> memref<4096xf32, #tpu.memory_space<hbm>>
      %dma_wait3A_169 = arith.constant 40960 : i32
      %dma_wait3A_170 = tpu.memref_slice %arg5[%dma_wait3A_169] : memref<65536xf32, #tpu.memory_space<hbm>> -> memref<4096xf32, #tpu.memory_space<hbm>>
      tpu.wait_dma2 semaphore(%run_scoped3A_164 : memref<!tpu.dma_semaphore, #tpu.memory_space<semaphore_mem>>) src(%dma_wait3A_170 : memref<4096xf32, #tpu.memory_space<hbm>>) dst(%arg23 : memref<4096xf32, #tpu.memory_space<vmem>>)
      tpu.yield
    }) : () -> ()
    %scan3A_82 = arith.constant 0 : i32
    %scan3A_83 = arith.constant 0 : i32
    %scan3A_84 = arith.constant 2048 : i32
    %scan3A_85 = arith.addi %scan3A_83, %scan3A_84 : i32
    %scan3A_86 = arith.constant 1 : i32
    scf.for %scan3A_164 = %scan3A_83 to %scan3A_85 step %scan3A_86  : i32 {
      %mul3A_165 = arith.constant 16 : i32
      %mul3A_166 = arith.muli %scan3A_164, %mul3A_165 : i32
      %get3A = arith.index_cast %mul3A_166 : i32 to index
      %get3A_167 = tpu.vector_load %arg22[%get3A] {strides = array<i32>} : memref<32768xi32, #tpu.memory_space<vmem>>, vector<16xi32>,
      %gather3A = tpu.vector_load_idx %arg23[%get3A_167] : memref<4096xf32, #tpu.memory_space<vmem>>[vector<16xi32>], vector<16xf32>,
      %swap3A = arith.index_cast %mul3A_166 : i32 to index
      %swap3A_168 = tpu.vector_load %arg24[%swap3A] {strides = array<i32>} : memref<32768xf32, #tpu.memory_space<vmem>>, vector<16xf32>,
      tpu.vector_store %arg24[%swap3A], %gather3A {strides = array<i32>} : memref<32768xf32, #tpu.memory_space<vmem>>, vector<16xf32>,
    }
    %scan3A_87 = arith.constant 2048 : i32
    %run_scoped3A_88 = arith.constant 10 : i32
    "tpu.region"() ({
      %run_scoped3A_164 = tpu.sem_alloc : memref<!tpu.dma_semaphore, #tpu.memory_space<semaphore_mem>>
      %dma_start3A = tpu.memref_slice %arg14[%run_scoped3A_88, %mul3A_12] : memref<24x1048576xf32, #tpu.memory_space<hbm>> -> memref<1x32768xf32, #tpu.memory_space<hbm>>
      %dma_start3A_165 = tpu.memref_squeeze %dma_start3A : memref<1x32768xf32, #tpu.memory_space<hbm>> -> memref<32768xf32, #tpu.memory_space<hbm>>
      %dma_start3A_166 = tpu.memref_slice %arg14[%run_scoped3A_88, %mul3A_12] : memref<24x1048576xf32, #tpu.memory_space<hbm>> -> memref<1x32768xf32, #tpu.memory_space<hbm>>
      %dma_start3A_167 = tpu.memref_squeeze %dma_start3A_166 : memref<1x32768xf32, #tpu.memory_space<hbm>> -> memref<32768xf32, #tpu.memory_space<hbm>>
      tpu.enqueue_dma source(%arg24 : memref<32768xf32, #tpu.memory_space<vmem>>) target(%dma_start3A_167 : memref<32768xf32, #tpu.memory_space<hbm>>) target_semaphore(%run_scoped3A_164 : memref<!tpu.dma_semaphore, #tpu.memory_space<semaphore_mem>>)
      %dma_wait3A = tpu.memref_slice %arg14[%run_scoped3A_88, %mul3A_12] : memref<24x1048576xf32, #tpu.memory_space<hbm>> -> memref<1x32768xf32, #tpu.memory_space<hbm>>
      %dma_wait3A_168 = tpu.memref_squeeze %dma_wait3A : memref<1x32768xf32, #tpu.memory_space<hbm>> -> memref<32768xf32, #tpu.memory_space<hbm>>
      %dma_wait3A_169 = tpu.memref_slice %arg14[%run_scoped3A_88, %mul3A_12] : memref<24x1048576xf32, #tpu.memory_space<hbm>> -> memref<1x32768xf32, #tpu.memory_space<hbm>>
      %dma_wait3A_170 = tpu.memref_squeeze %dma_wait3A_169 : memref<1x32768xf32, #tpu.memory_space<hbm>> -> memref<32768xf32, #tpu.memory_space<hbm>>
      tpu.wait_dma2 semaphore(%run_scoped3A_164 : memref<!tpu.dma_semaphore, #tpu.memory_space<semaphore_mem>>) src(%arg24 : memref<32768xf32, #tpu.memory_space<vmem>>) dst(%dma_wait3A_170 : memref<32768xf32, #tpu.memory_space<hbm>>)
      tpu.yield
    }) : () -> ()
    "tpu.region"() ({
      %run_scoped3A_164 = tpu.sem_alloc : memref<!tpu.dma_semaphore, #tpu.memory_space<semaphore_mem>>
      %dma_start3A = arith.constant 45056 : i32
      %dma_start3A_165 = tpu.memref_slice %arg5[%dma_start3A] : memref<65536xf32, #tpu.memory_space<hbm>> -> memref<4096xf32, #tpu.memory_space<hbm>>
      %dma_start3A_166 = arith.constant 45056 : i32
      %dma_start3A_167 = tpu.memref_slice %arg5[%dma_start3A_166] : memref<65536xf32, #tpu.memory_space<hbm>> -> memref<4096xf32, #tpu.memory_space<hbm>>
      tpu.enqueue_dma source(%dma_start3A_167 : memref<4096xf32, #tpu.memory_space<hbm>>) target(%arg23 : memref<4096xf32, #tpu.memory_space<vmem>>) target_semaphore(%run_scoped3A_164 : memref<!tpu.dma_semaphore, #tpu.memory_space<semaphore_mem>>)
      %dma_wait3A = arith.constant 45056 : i32
      %dma_wait3A_168 = tpu.memref_slice %arg5[%dma_wait3A] : memref<65536xf32, #tpu.memory_space<hbm>> -> memref<4096xf32, #tpu.memory_space<hbm>>
      %dma_wait3A_169 = arith.constant 45056 : i32
      %dma_wait3A_170 = tpu.memref_slice %arg5[%dma_wait3A_169] : memref<65536xf32, #tpu.memory_space<hbm>> -> memref<4096xf32, #tpu.memory_space<hbm>>
      tpu.wait_dma2 semaphore(%run_scoped3A_164 : memref<!tpu.dma_semaphore, #tpu.memory_space<semaphore_mem>>) src(%dma_wait3A_170 : memref<4096xf32, #tpu.memory_space<hbm>>) dst(%arg23 : memref<4096xf32, #tpu.memory_space<vmem>>)
      tpu.yield
    }) : () -> ()
    %scan3A_89 = arith.constant 0 : i32
    %scan3A_90 = arith.constant 0 : i32
    %scan3A_91 = arith.constant 2048 : i32
    %scan3A_92 = arith.addi %scan3A_90, %scan3A_91 : i32
    %scan3A_93 = arith.constant 1 : i32
    scf.for %scan3A_164 = %scan3A_90 to %scan3A_92 step %scan3A_93  : i32 {
      %mul3A_165 = arith.constant 16 : i32
      %mul3A_166 = arith.muli %scan3A_164, %mul3A_165 : i32
      %get3A = arith.index_cast %mul3A_166 : i32 to index
      %get3A_167 = tpu.vector_load %arg22[%get3A] {strides = array<i32>} : memref<32768xi32, #tpu.memory_space<vmem>>, vector<16xi32>,
      %gather3A = tpu.vector_load_idx %arg23[%get3A_167] : memref<4096xf32, #tpu.memory_space<vmem>>[vector<16xi32>], vector<16xf32>,
      %swap3A = arith.index_cast %mul3A_166 : i32 to index
      %swap3A_168 = tpu.vector_load %arg24[%swap3A] {strides = array<i32>} : memref<32768xf32, #tpu.memory_space<vmem>>, vector<16xf32>,
      tpu.vector_store %arg24[%swap3A], %gather3A {strides = array<i32>} : memref<32768xf32, #tpu.memory_space<vmem>>, vector<16xf32>,
    }
    %scan3A_94 = arith.constant 2048 : i32
    %run_scoped3A_95 = arith.constant 11 : i32
    "tpu.region"() ({
      %run_scoped3A_164 = tpu.sem_alloc : memref<!tpu.dma_semaphore, #tpu.memory_space<semaphore_mem>>
      %dma_start3A = tpu.memref_slice %arg14[%run_scoped3A_95, %mul3A_12] : memref<24x1048576xf32, #tpu.memory_space<hbm>> -> memref<1x32768xf32, #tpu.memory_space<hbm>>
      %dma_start3A_165 = tpu.memref_squeeze %dma_start3A : memref<1x32768xf32, #tpu.memory_space<hbm>> -> memref<32768xf32, #tpu.memory_space<hbm>>
      %dma_start3A_166 = tpu.memref_slice %arg14[%run_scoped3A_95, %mul3A_12] : memref<24x1048576xf32, #tpu.memory_space<hbm>> -> memref<1x32768xf32, #tpu.memory_space<hbm>>
      %dma_start3A_167 = tpu.memref_squeeze %dma_start3A_166 : memref<1x32768xf32, #tpu.memory_space<hbm>> -> memref<32768xf32, #tpu.memory_space<hbm>>
      tpu.enqueue_dma source(%arg24 : memref<32768xf32, #tpu.memory_space<vmem>>) target(%dma_start3A_167 : memref<32768xf32, #tpu.memory_space<hbm>>) target_semaphore(%run_scoped3A_164 : memref<!tpu.dma_semaphore, #tpu.memory_space<semaphore_mem>>)
      %dma_wait3A = tpu.memref_slice %arg14[%run_scoped3A_95, %mul3A_12] : memref<24x1048576xf32, #tpu.memory_space<hbm>> -> memref<1x32768xf32, #tpu.memory_space<hbm>>
      %dma_wait3A_168 = tpu.memref_squeeze %dma_wait3A : memref<1x32768xf32, #tpu.memory_space<hbm>> -> memref<32768xf32, #tpu.memory_space<hbm>>
      %dma_wait3A_169 = tpu.memref_slice %arg14[%run_scoped3A_95, %mul3A_12] : memref<24x1048576xf32, #tpu.memory_space<hbm>> -> memref<1x32768xf32, #tpu.memory_space<hbm>>
      %dma_wait3A_170 = tpu.memref_squeeze %dma_wait3A_169 : memref<1x32768xf32, #tpu.memory_space<hbm>> -> memref<32768xf32, #tpu.memory_space<hbm>>
      tpu.wait_dma2 semaphore(%run_scoped3A_164 : memref<!tpu.dma_semaphore, #tpu.memory_space<semaphore_mem>>) src(%arg24 : memref<32768xf32, #tpu.memory_space<vmem>>) dst(%dma_wait3A_170 : memref<32768xf32, #tpu.memory_space<hbm>>)
      tpu.yield
    }) : () -> ()
    "tpu.region"() ({
      %run_scoped3A_164 = tpu.sem_alloc : memref<!tpu.dma_semaphore, #tpu.memory_space<semaphore_mem>>
      %dma_start3A = arith.constant 49152 : i32
      %dma_start3A_165 = tpu.memref_slice %arg5[%dma_start3A] : memref<65536xf32, #tpu.memory_space<hbm>> -> memref<4096xf32, #tpu.memory_space<hbm>>
      %dma_start3A_166 = arith.constant 49152 : i32
      %dma_start3A_167 = tpu.memref_slice %arg5[%dma_start3A_166] : memref<65536xf32, #tpu.memory_space<hbm>> -> memref<4096xf32, #tpu.memory_space<hbm>>
      tpu.enqueue_dma source(%dma_start3A_167 : memref<4096xf32, #tpu.memory_space<hbm>>) target(%arg23 : memref<4096xf32, #tpu.memory_space<vmem>>) target_semaphore(%run_scoped3A_164 : memref<!tpu.dma_semaphore, #tpu.memory_space<semaphore_mem>>)
      %dma_wait3A = arith.constant 49152 : i32
      %dma_wait3A_168 = tpu.memref_slice %arg5[%dma_wait3A] : memref<65536xf32, #tpu.memory_space<hbm>> -> memref<4096xf32, #tpu.memory_space<hbm>>
      %dma_wait3A_169 = arith.constant 49152 : i32
      %dma_wait3A_170 = tpu.memref_slice %arg5[%dma_wait3A_169] : memref<65536xf32, #tpu.memory_space<hbm>> -> memref<4096xf32, #tpu.memory_space<hbm>>
      tpu.wait_dma2 semaphore(%run_scoped3A_164 : memref<!tpu.dma_semaphore, #tpu.memory_space<semaphore_mem>>) src(%dma_wait3A_170 : memref<4096xf32, #tpu.memory_space<hbm>>) dst(%arg23 : memref<4096xf32, #tpu.memory_space<vmem>>)
      tpu.yield
    }) : () -> ()
    %scan3A_96 = arith.constant 0 : i32
    %scan3A_97 = arith.constant 0 : i32
    %scan3A_98 = arith.constant 2048 : i32
    %scan3A_99 = arith.addi %scan3A_97, %scan3A_98 : i32
    %scan3A_100 = arith.constant 1 : i32
    scf.for %scan3A_164 = %scan3A_97 to %scan3A_99 step %scan3A_100  : i32 {
      %mul3A_165 = arith.constant 16 : i32
      %mul3A_166 = arith.muli %scan3A_164, %mul3A_165 : i32
      %get3A = arith.index_cast %mul3A_166 : i32 to index
      %get3A_167 = tpu.vector_load %arg22[%get3A] {strides = array<i32>} : memref<32768xi32, #tpu.memory_space<vmem>>, vector<16xi32>,
      %gather3A = tpu.vector_load_idx %arg23[%get3A_167] : memref<4096xf32, #tpu.memory_space<vmem>>[vector<16xi32>], vector<16xf32>,
      %swap3A = arith.index_cast %mul3A_166 : i32 to index
      %swap3A_168 = tpu.vector_load %arg24[%swap3A] {strides = array<i32>} : memref<32768xf32, #tpu.memory_space<vmem>>, vector<16xf32>,
      tpu.vector_store %arg24[%swap3A], %gather3A {strides = array<i32>} : memref<32768xf32, #tpu.memory_space<vmem>>, vector<16xf32>,
    }
    %scan3A_101 = arith.constant 2048 : i32
    %run_scoped3A_102 = arith.constant 12 : i32
    "tpu.region"() ({
      %run_scoped3A_164 = tpu.sem_alloc : memref<!tpu.dma_semaphore, #tpu.memory_space<semaphore_mem>>
      %dma_start3A = tpu.memref_slice %arg14[%run_scoped3A_102, %mul3A_12] : memref<24x1048576xf32, #tpu.memory_space<hbm>> -> memref<1x32768xf32, #tpu.memory_space<hbm>>
      %dma_start3A_165 = tpu.memref_squeeze %dma_start3A : memref<1x32768xf32, #tpu.memory_space<hbm>> -> memref<32768xf32, #tpu.memory_space<hbm>>
      %dma_start3A_166 = tpu.memref_slice %arg14[%run_scoped3A_102, %mul3A_12] : memref<24x1048576xf32, #tpu.memory_space<hbm>> -> memref<1x32768xf32, #tpu.memory_space<hbm>>
      %dma_start3A_167 = tpu.memref_squeeze %dma_start3A_166 : memref<1x32768xf32, #tpu.memory_space<hbm>> -> memref<32768xf32, #tpu.memory_space<hbm>>
      tpu.enqueue_dma source(%arg24 : memref<32768xf32, #tpu.memory_space<vmem>>) target(%dma_start3A_167 : memref<32768xf32, #tpu.memory_space<hbm>>) target_semaphore(%run_scoped3A_164 : memref<!tpu.dma_semaphore, #tpu.memory_space<semaphore_mem>>)
      %dma_wait3A = tpu.memref_slice %arg14[%run_scoped3A_102, %mul3A_12] : memref<24x1048576xf32, #tpu.memory_space<hbm>> -> memref<1x32768xf32, #tpu.memory_space<hbm>>
      %dma_wait3A_168 = tpu.memref_squeeze %dma_wait3A : memref<1x32768xf32, #tpu.memory_space<hbm>> -> memref<32768xf32, #tpu.memory_space<hbm>>
      %dma_wait3A_169 = tpu.memref_slice %arg14[%run_scoped3A_102, %mul3A_12] : memref<24x1048576xf32, #tpu.memory_space<hbm>> -> memref<1x32768xf32, #tpu.memory_space<hbm>>
      %dma_wait3A_170 = tpu.memref_squeeze %dma_wait3A_169 : memref<1x32768xf32, #tpu.memory_space<hbm>> -> memref<32768xf32, #tpu.memory_space<hbm>>
      tpu.wait_dma2 semaphore(%run_scoped3A_164 : memref<!tpu.dma_semaphore, #tpu.memory_space<semaphore_mem>>) src(%arg24 : memref<32768xf32, #tpu.memory_space<vmem>>) dst(%dma_wait3A_170 : memref<32768xf32, #tpu.memory_space<hbm>>)
      tpu.yield
    }) : () -> ()
    "tpu.region"() ({
      %run_scoped3A_164 = tpu.sem_alloc : memref<!tpu.dma_semaphore, #tpu.memory_space<semaphore_mem>>
      %dma_start3A = arith.constant 53248 : i32
      %dma_start3A_165 = tpu.memref_slice %arg5[%dma_start3A] : memref<65536xf32, #tpu.memory_space<hbm>> -> memref<4096xf32, #tpu.memory_space<hbm>>
      %dma_start3A_166 = arith.constant 53248 : i32
      %dma_start3A_167 = tpu.memref_slice %arg5[%dma_start3A_166] : memref<65536xf32, #tpu.memory_space<hbm>> -> memref<4096xf32, #tpu.memory_space<hbm>>
      tpu.enqueue_dma source(%dma_start3A_167 : memref<4096xf32, #tpu.memory_space<hbm>>) target(%arg23 : memref<4096xf32, #tpu.memory_space<vmem>>) target_semaphore(%run_scoped3A_164 : memref<!tpu.dma_semaphore, #tpu.memory_space<semaphore_mem>>)
      %dma_wait3A = arith.constant 53248 : i32
      %dma_wait3A_168 = tpu.memref_slice %arg5[%dma_wait3A] : memref<65536xf32, #tpu.memory_space<hbm>> -> memref<4096xf32, #tpu.memory_space<hbm>>
      %dma_wait3A_169 = arith.constant 53248 : i32
      %dma_wait3A_170 = tpu.memref_slice %arg5[%dma_wait3A_169] : memref<65536xf32, #tpu.memory_space<hbm>> -> memref<4096xf32, #tpu.memory_space<hbm>>
      tpu.wait_dma2 semaphore(%run_scoped3A_164 : memref<!tpu.dma_semaphore, #tpu.memory_space<semaphore_mem>>) src(%dma_wait3A_170 : memref<4096xf32, #tpu.memory_space<hbm>>) dst(%arg23 : memref<4096xf32, #tpu.memory_space<vmem>>)
      tpu.yield
    }) : () -> ()
    %scan3A_103 = arith.constant 0 : i32
    %scan3A_104 = arith.constant 0 : i32
    %scan3A_105 = arith.constant 2048 : i32
    %scan3A_106 = arith.addi %scan3A_104, %scan3A_105 : i32
    %scan3A_107 = arith.constant 1 : i32
    scf.for %scan3A_164 = %scan3A_104 to %scan3A_106 step %scan3A_107  : i32 {
      %mul3A_165 = arith.constant 16 : i32
      %mul3A_166 = arith.muli %scan3A_164, %mul3A_165 : i32
      %get3A = arith.index_cast %mul3A_166 : i32 to index
      %get3A_167 = tpu.vector_load %arg22[%get3A] {strides = array<i32>} : memref<32768xi32, #tpu.memory_space<vmem>>, vector<16xi32>,
      %gather3A = tpu.vector_load_idx %arg23[%get3A_167] : memref<4096xf32, #tpu.memory_space<vmem>>[vector<16xi32>], vector<16xf32>,
      %swap3A = arith.index_cast %mul3A_166 : i32 to index
      %swap3A_168 = tpu.vector_load %arg24[%swap3A] {strides = array<i32>} : memref<32768xf32, #tpu.memory_space<vmem>>, vector<16xf32>,
      tpu.vector_store %arg24[%swap3A], %gather3A {strides = array<i32>} : memref<32768xf32, #tpu.memory_space<vmem>>, vector<16xf32>,
    }
    %scan3A_108 = arith.constant 2048 : i32
    %run_scoped3A_109 = arith.constant 13 : i32
    "tpu.region"() ({
      %run_scoped3A_164 = tpu.sem_alloc : memref<!tpu.dma_semaphore, #tpu.memory_space<semaphore_mem>>
      %dma_start3A = tpu.memref_slice %arg14[%run_scoped3A_109, %mul3A_12] : memref<24x1048576xf32, #tpu.memory_space<hbm>> -> memref<1x32768xf32, #tpu.memory_space<hbm>>
      %dma_start3A_165 = tpu.memref_squeeze %dma_start3A : memref<1x32768xf32, #tpu.memory_space<hbm>> -> memref<32768xf32, #tpu.memory_space<hbm>>
      %dma_start3A_166 = tpu.memref_slice %arg14[%run_scoped3A_109, %mul3A_12] : memref<24x1048576xf32, #tpu.memory_space<hbm>> -> memref<1x32768xf32, #tpu.memory_space<hbm>>
      %dma_start3A_167 = tpu.memref_squeeze %dma_start3A_166 : memref<1x32768xf32, #tpu.memory_space<hbm>> -> memref<32768xf32, #tpu.memory_space<hbm>>
      tpu.enqueue_dma source(%arg24 : memref<32768xf32, #tpu.memory_space<vmem>>) target(%dma_start3A_167 : memref<32768xf32, #tpu.memory_space<hbm>>) target_semaphore(%run_scoped3A_164 : memref<!tpu.dma_semaphore, #tpu.memory_space<semaphore_mem>>)
      %dma_wait3A = tpu.memref_slice %arg14[%run_scoped3A_109, %mul3A_12] : memref<24x1048576xf32, #tpu.memory_space<hbm>> -> memref<1x32768xf32, #tpu.memory_space<hbm>>
      %dma_wait3A_168 = tpu.memref_squeeze %dma_wait3A : memref<1x32768xf32, #tpu.memory_space<hbm>> -> memref<32768xf32, #tpu.memory_space<hbm>>
      %dma_wait3A_169 = tpu.memref_slice %arg14[%run_scoped3A_109, %mul3A_12] : memref<24x1048576xf32, #tpu.memory_space<hbm>> -> memref<1x32768xf32, #tpu.memory_space<hbm>>
      %dma_wait3A_170 = tpu.memref_squeeze %dma_wait3A_169 : memref<1x32768xf32, #tpu.memory_space<hbm>> -> memref<32768xf32, #tpu.memory_space<hbm>>
      tpu.wait_dma2 semaphore(%run_scoped3A_164 : memref<!tpu.dma_semaphore, #tpu.memory_space<semaphore_mem>>) src(%arg24 : memref<32768xf32, #tpu.memory_space<vmem>>) dst(%dma_wait3A_170 : memref<32768xf32, #tpu.memory_space<hbm>>)
      tpu.yield
    }) : () -> ()
    "tpu.region"() ({
      %run_scoped3A_164 = tpu.sem_alloc : memref<!tpu.dma_semaphore, #tpu.memory_space<semaphore_mem>>
      %dma_start3A = arith.constant 57344 : i32
      %dma_start3A_165 = tpu.memref_slice %arg5[%dma_start3A] : memref<65536xf32, #tpu.memory_space<hbm>> -> memref<4096xf32, #tpu.memory_space<hbm>>
      %dma_start3A_166 = arith.constant 57344 : i32
      %dma_start3A_167 = tpu.memref_slice %arg5[%dma_start3A_166] : memref<65536xf32, #tpu.memory_space<hbm>> -> memref<4096xf32, #tpu.memory_space<hbm>>
      tpu.enqueue_dma source(%dma_start3A_167 : memref<4096xf32, #tpu.memory_space<hbm>>) target(%arg23 : memref<4096xf32, #tpu.memory_space<vmem>>) target_semaphore(%run_scoped3A_164 : memref<!tpu.dma_semaphore, #tpu.memory_space<semaphore_mem>>)
      %dma_wait3A = arith.constant 57344 : i32
      %dma_wait3A_168 = tpu.memref_slice %arg5[%dma_wait3A] : memref<65536xf32, #tpu.memory_space<hbm>> -> memref<4096xf32, #tpu.memory_space<hbm>>
      %dma_wait3A_169 = arith.constant 57344 : i32
      %dma_wait3A_170 = tpu.memref_slice %arg5[%dma_wait3A_169] : memref<65536xf32, #tpu.memory_space<hbm>> -> memref<4096xf32, #tpu.memory_space<hbm>>
      tpu.wait_dma2 semaphore(%run_scoped3A_164 : memref<!tpu.dma_semaphore, #tpu.memory_space<semaphore_mem>>) src(%dma_wait3A_170 : memref<4096xf32, #tpu.memory_space<hbm>>) dst(%arg23 : memref<4096xf32, #tpu.memory_space<vmem>>)
      tpu.yield
    }) : () -> ()
    %scan3A_110 = arith.constant 0 : i32
    %scan3A_111 = arith.constant 0 : i32
    %scan3A_112 = arith.constant 2048 : i32
    %scan3A_113 = arith.addi %scan3A_111, %scan3A_112 : i32
    %scan3A_114 = arith.constant 1 : i32
    scf.for %scan3A_164 = %scan3A_111 to %scan3A_113 step %scan3A_114  : i32 {
      %mul3A_165 = arith.constant 16 : i32
      %mul3A_166 = arith.muli %scan3A_164, %mul3A_165 : i32
      %get3A = arith.index_cast %mul3A_166 : i32 to index
      %get3A_167 = tpu.vector_load %arg22[%get3A] {strides = array<i32>} : memref<32768xi32, #tpu.memory_space<vmem>>, vector<16xi32>,
      %gather3A = tpu.vector_load_idx %arg23[%get3A_167] : memref<4096xf32, #tpu.memory_space<vmem>>[vector<16xi32>], vector<16xf32>,
      %swap3A = arith.index_cast %mul3A_166 : i32 to index
      %swap3A_168 = tpu.vector_load %arg24[%swap3A] {strides = array<i32>} : memref<32768xf32, #tpu.memory_space<vmem>>, vector<16xf32>,
      tpu.vector_store %arg24[%swap3A], %gather3A {strides = array<i32>} : memref<32768xf32, #tpu.memory_space<vmem>>, vector<16xf32>,
    }
    %scan3A_115 = arith.constant 2048 : i32
    %run_scoped3A_116 = arith.constant 14 : i32
    "tpu.region"() ({
      %run_scoped3A_164 = tpu.sem_alloc : memref<!tpu.dma_semaphore, #tpu.memory_space<semaphore_mem>>
      %dma_start3A = tpu.memref_slice %arg14[%run_scoped3A_116, %mul3A_12] : memref<24x1048576xf32, #tpu.memory_space<hbm>> -> memref<1x32768xf32, #tpu.memory_space<hbm>>
      %dma_start3A_165 = tpu.memref_squeeze %dma_start3A : memref<1x32768xf32, #tpu.memory_space<hbm>> -> memref<32768xf32, #tpu.memory_space<hbm>>
      %dma_start3A_166 = tpu.memref_slice %arg14[%run_scoped3A_116, %mul3A_12] : memref<24x1048576xf32, #tpu.memory_space<hbm>> -> memref<1x32768xf32, #tpu.memory_space<hbm>>
      %dma_start3A_167 = tpu.memref_squeeze %dma_start3A_166 : memref<1x32768xf32, #tpu.memory_space<hbm>> -> memref<32768xf32, #tpu.memory_space<hbm>>
      tpu.enqueue_dma source(%arg24 : memref<32768xf32, #tpu.memory_space<vmem>>) target(%dma_start3A_167 : memref<32768xf32, #tpu.memory_space<hbm>>) target_semaphore(%run_scoped3A_164 : memref<!tpu.dma_semaphore, #tpu.memory_space<semaphore_mem>>)
      %dma_wait3A = tpu.memref_slice %arg14[%run_scoped3A_116, %mul3A_12] : memref<24x1048576xf32, #tpu.memory_space<hbm>> -> memref<1x32768xf32, #tpu.memory_space<hbm>>
      %dma_wait3A_168 = tpu.memref_squeeze %dma_wait3A : memref<1x32768xf32, #tpu.memory_space<hbm>> -> memref<32768xf32, #tpu.memory_space<hbm>>
      %dma_wait3A_169 = tpu.memref_slice %arg14[%run_scoped3A_116, %mul3A_12] : memref<24x1048576xf32, #tpu.memory_space<hbm>> -> memref<1x32768xf32, #tpu.memory_space<hbm>>
      %dma_wait3A_170 = tpu.memref_squeeze %dma_wait3A_169 : memref<1x32768xf32, #tpu.memory_space<hbm>> -> memref<32768xf32, #tpu.memory_space<hbm>>
      tpu.wait_dma2 semaphore(%run_scoped3A_164 : memref<!tpu.dma_semaphore, #tpu.memory_space<semaphore_mem>>) src(%arg24 : memref<32768xf32, #tpu.memory_space<vmem>>) dst(%dma_wait3A_170 : memref<32768xf32, #tpu.memory_space<hbm>>)
      tpu.yield
    }) : () -> ()
    "tpu.region"() ({
      %run_scoped3A_164 = tpu.sem_alloc : memref<!tpu.dma_semaphore, #tpu.memory_space<semaphore_mem>>
      %dma_start3A = arith.constant 61440 : i32
      %dma_start3A_165 = tpu.memref_slice %arg5[%dma_start3A] : memref<65536xf32, #tpu.memory_space<hbm>> -> memref<4096xf32, #tpu.memory_space<hbm>>
      %dma_start3A_166 = arith.constant 61440 : i32
      %dma_start3A_167 = tpu.memref_slice %arg5[%dma_start3A_166] : memref<65536xf32, #tpu.memory_space<hbm>> -> memref<4096xf32, #tpu.memory_space<hbm>>
      tpu.enqueue_dma source(%dma_start3A_167 : memref<4096xf32, #tpu.memory_space<hbm>>) target(%arg23 : memref<4096xf32, #tpu.memory_space<vmem>>) target_semaphore(%run_scoped3A_164 : memref<!tpu.dma_semaphore, #tpu.memory_space<semaphore_mem>>)
      %dma_wait3A = arith.constant 61440 : i32
      %dma_wait3A_168 = tpu.memref_slice %arg5[%dma_wait3A] : memref<65536xf32, #tpu.memory_space<hbm>> -> memref<4096xf32, #tpu.memory_space<hbm>>
      %dma_wait3A_169 = arith.constant 61440 : i32
      %dma_wait3A_170 = tpu.memref_slice %arg5[%dma_wait3A_169] : memref<65536xf32, #tpu.memory_space<hbm>> -> memref<4096xf32, #tpu.memory_space<hbm>>
      tpu.wait_dma2 semaphore(%run_scoped3A_164 : memref<!tpu.dma_semaphore, #tpu.memory_space<semaphore_mem>>) src(%dma_wait3A_170 : memref<4096xf32, #tpu.memory_space<hbm>>) dst(%arg23 : memref<4096xf32, #tpu.memory_space<vmem>>)
      tpu.yield
    }) : () -> ()
    %scan3A_117 = arith.constant 0 : i32
    %scan3A_118 = arith.constant 0 : i32
    %scan3A_119 = arith.constant 2048 : i32
    %scan3A_120 = arith.addi %scan3A_118, %scan3A_119 : i32
    %scan3A_121 = arith.constant 1 : i32
    scf.for %scan3A_164 = %scan3A_118 to %scan3A_120 step %scan3A_121  : i32 {
      %mul3A_165 = arith.constant 16 : i32
      %mul3A_166 = arith.muli %scan3A_164, %mul3A_165 : i32
      %get3A = arith.index_cast %mul3A_166 : i32 to index
      %get3A_167 = tpu.vector_load %arg22[%get3A] {strides = array<i32>} : memref<32768xi32, #tpu.memory_space<vmem>>, vector<16xi32>,
      %gather3A = tpu.vector_load_idx %arg23[%get3A_167] : memref<4096xf32, #tpu.memory_space<vmem>>[vector<16xi32>], vector<16xf32>,
      %swap3A = arith.index_cast %mul3A_166 : i32 to index
      %swap3A_168 = tpu.vector_load %arg24[%swap3A] {strides = array<i32>} : memref<32768xf32, #tpu.memory_space<vmem>>, vector<16xf32>,
      tpu.vector_store %arg24[%swap3A], %gather3A {strides = array<i32>} : memref<32768xf32, #tpu.memory_space<vmem>>, vector<16xf32>,
    }
    %scan3A_122 = arith.constant 2048 : i32
    %run_scoped3A_123 = arith.constant 15 : i32
    "tpu.region"() ({
      %run_scoped3A_164 = tpu.sem_alloc : memref<!tpu.dma_semaphore, #tpu.memory_space<semaphore_mem>>
      %dma_start3A = tpu.memref_slice %arg14[%run_scoped3A_123, %mul3A_12] : memref<24x1048576xf32, #tpu.memory_space<hbm>> -> memref<1x32768xf32, #tpu.memory_space<hbm>>
      %dma_start3A_165 = tpu.memref_squeeze %dma_start3A : memref<1x32768xf32, #tpu.memory_space<hbm>> -> memref<32768xf32, #tpu.memory_space<hbm>>
      %dma_start3A_166 = tpu.memref_slice %arg14[%run_scoped3A_123, %mul3A_12] : memref<24x1048576xf32, #tpu.memory_space<hbm>> -> memref<1x32768xf32, #tpu.memory_space<hbm>>
      %dma_start3A_167 = tpu.memref_squeeze %dma_start3A_166 : memref<1x32768xf32, #tpu.memory_space<hbm>> -> memref<32768xf32, #tpu.memory_space<hbm>>
      tpu.enqueue_dma source(%arg24 : memref<32768xf32, #tpu.memory_space<vmem>>) target(%dma_start3A_167 : memref<32768xf32, #tpu.memory_space<hbm>>) target_semaphore(%run_scoped3A_164 : memref<!tpu.dma_semaphore, #tpu.memory_space<semaphore_mem>>)
      %dma_wait3A = tpu.memref_slice %arg14[%run_scoped3A_123, %mul3A_12] : memref<24x1048576xf32, #tpu.memory_space<hbm>> -> memref<1x32768xf32, #tpu.memory_space<hbm>>
      %dma_wait3A_168 = tpu.memref_squeeze %dma_wait3A : memref<1x32768xf32, #tpu.memory_space<hbm>> -> memref<32768xf32, #tpu.memory_space<hbm>>
      %dma_wait3A_169 = tpu.memref_slice %arg14[%run_scoped3A_123, %mul3A_12] : memref<24x1048576xf32, #tpu.memory_space<hbm>> -> memref<1x32768xf32, #tpu.memory_space<hbm>>
      %dma_wait3A_170 = tpu.memref_squeeze %dma_wait3A_169 : memref<1x32768xf32, #tpu.memory_space<hbm>> -> memref<32768xf32, #tpu.memory_space<hbm>>
      tpu.wait_dma2 semaphore(%run_scoped3A_164 : memref<!tpu.dma_semaphore, #tpu.memory_space<semaphore_mem>>) src(%arg24 : memref<32768xf32, #tpu.memory_space<vmem>>) dst(%dma_wait3A_170 : memref<32768xf32, #tpu.memory_space<hbm>>)
      tpu.yield
    }) : () -> ()
    "tpu.region"() ({
      %run_scoped3A_164 = tpu.sem_alloc : memref<!tpu.dma_semaphore, #tpu.memory_space<semaphore_mem>>
      tpu.enqueue_dma source(%arg6 : memref<4096xf32, #tpu.memory_space<hbm>>) target(%arg23 : memref<4096xf32, #tpu.memory_space<vmem>>) target_semaphore(%run_scoped3A_164 : memref<!tpu.dma_semaphore, #tpu.memory_space<semaphore_mem>>)
      tpu.wait_dma2 semaphore(%run_scoped3A_164 : memref<!tpu.dma_semaphore, #tpu.memory_space<semaphore_mem>>) src(%arg6 : memref<4096xf32, #tpu.memory_space<hbm>>) dst(%arg23 : memref<4096xf32, #tpu.memory_space<vmem>>)
      tpu.yield
    }) : () -> ()
    %scan3A_124 = arith.constant 0 : i32
    %scan3A_125 = arith.constant 0 : i32
    %scan3A_126 = arith.constant 2048 : i32
    %scan3A_127 = arith.addi %scan3A_125, %scan3A_126 : i32
    %scan3A_128 = arith.constant 1 : i32
    scf.for %scan3A_164 = %scan3A_125 to %scan3A_127 step %scan3A_128  : i32 {
      %mul3A_165 = arith.constant 16 : i32
      %mul3A_166 = arith.muli %scan3A_164, %mul3A_165 : i32
      %get3A = arith.index_cast %mul3A_166 : i32 to index
      %get3A_167 = tpu.vector_load %arg22[%get3A] {strides = array<i32>} : memref<32768xi32, #tpu.memory_space<vmem>>, vector<16xi32>,
      %gather3A = tpu.vector_load_idx %arg23[%get3A_167] : memref<4096xf32, #tpu.memory_space<vmem>>[vector<16xi32>], vector<16xf32>,
      %swap3A = arith.index_cast %mul3A_166 : i32 to index
      %swap3A_168 = tpu.vector_load %arg24[%swap3A] {strides = array<i32>} : memref<32768xf32, #tpu.memory_space<vmem>>, vector<16xf32>,
      tpu.vector_store %arg24[%swap3A], %gather3A {strides = array<i32>} : memref<32768xf32, #tpu.memory_space<vmem>>, vector<16xf32>,
    }
    %scan3A_129 = arith.constant 2048 : i32
    %run_scoped3A_130 = arith.constant 16 : i32
    "tpu.region"() ({
      %run_scoped3A_164 = tpu.sem_alloc : memref<!tpu.dma_semaphore, #tpu.memory_space<semaphore_mem>>
      %dma_start3A = tpu.memref_slice %arg14[%run_scoped3A_130, %mul3A_12] : memref<24x1048576xf32, #tpu.memory_space<hbm>> -> memref<1x32768xf32, #tpu.memory_space<hbm>>
      %dma_start3A_165 = tpu.memref_squeeze %dma_start3A : memref<1x32768xf32, #tpu.memory_space<hbm>> -> memref<32768xf32, #tpu.memory_space<hbm>>
      %dma_start3A_166 = tpu.memref_slice %arg14[%run_scoped3A_130, %mul3A_12] : memref<24x1048576xf32, #tpu.memory_space<hbm>> -> memref<1x32768xf32, #tpu.memory_space<hbm>>
      %dma_start3A_167 = tpu.memref_squeeze %dma_start3A_166 : memref<1x32768xf32, #tpu.memory_space<hbm>> -> memref<32768xf32, #tpu.memory_space<hbm>>
      tpu.enqueue_dma source(%arg24 : memref<32768xf32, #tpu.memory_space<vmem>>) target(%dma_start3A_167 : memref<32768xf32, #tpu.memory_space<hbm>>) target_semaphore(%run_scoped3A_164 : memref<!tpu.dma_semaphore, #tpu.memory_space<semaphore_mem>>)
      %dma_wait3A = tpu.memref_slice %arg14[%run_scoped3A_130, %mul3A_12] : memref<24x1048576xf32, #tpu.memory_space<hbm>> -> memref<1x32768xf32, #tpu.memory_space<hbm>>
      %dma_wait3A_168 = tpu.memref_squeeze %dma_wait3A : memref<1x32768xf32, #tpu.memory_space<hbm>> -> memref<32768xf32, #tpu.memory_space<hbm>>
      %dma_wait3A_169 = tpu.memref_slice %arg14[%run_scoped3A_130, %mul3A_12] : memref<24x1048576xf32, #tpu.memory_space<hbm>> -> memref<1x32768xf32, #tpu.memory_space<hbm>>
      %dma_wait3A_170 = tpu.memref_squeeze %dma_wait3A_169 : memref<1x32768xf32, #tpu.memory_space<hbm>> -> memref<32768xf32, #tpu.memory_space<hbm>>
      tpu.wait_dma2 semaphore(%run_scoped3A_164 : memref<!tpu.dma_semaphore, #tpu.memory_space<semaphore_mem>>) src(%arg24 : memref<32768xf32, #tpu.memory_space<vmem>>) dst(%dma_wait3A_170 : memref<32768xf32, #tpu.memory_space<hbm>>)
      tpu.yield
    }) : () -> ()
    "tpu.region"() ({
      %run_scoped3A_164 = tpu.sem_alloc : memref<!tpu.dma_semaphore, #tpu.memory_space<semaphore_mem>>
      tpu.enqueue_dma source(%arg7 : memref<4096xf32, #tpu.memory_space<hbm>>) target(%arg23 : memref<4096xf32, #tpu.memory_space<vmem>>) target_semaphore(%run_scoped3A_164 : memref<!tpu.dma_semaphore, #tpu.memory_space<semaphore_mem>>)
      tpu.wait_dma2 semaphore(%run_scoped3A_164 : memref<!tpu.dma_semaphore, #tpu.memory_space<semaphore_mem>>) src(%arg7 : memref<4096xf32, #tpu.memory_space<hbm>>) dst(%arg23 : memref<4096xf32, #tpu.memory_space<vmem>>)
      tpu.yield
    }) : () -> ()
    %scan3A_131 = arith.constant 0 : i32
    %scan3A_132 = arith.constant 0 : i32
    %scan3A_133 = arith.constant 2048 : i32
    %scan3A_134 = arith.addi %scan3A_132, %scan3A_133 : i32
    %scan3A_135 = arith.constant 1 : i32
    scf.for %scan3A_164 = %scan3A_132 to %scan3A_134 step %scan3A_135  : i32 {
      %mul3A_165 = arith.constant 16 : i32
      %mul3A_166 = arith.muli %scan3A_164, %mul3A_165 : i32
      %get3A = arith.index_cast %mul3A_166 : i32 to index
      %get3A_167 = tpu.vector_load %arg22[%get3A] {strides = array<i32>} : memref<32768xi32, #tpu.memory_space<vmem>>, vector<16xi32>,
      %gather3A = tpu.vector_load_idx %arg23[%get3A_167] : memref<4096xf32, #tpu.memory_space<vmem>>[vector<16xi32>], vector<16xf32>,
      %swap3A = arith.index_cast %mul3A_166 : i32 to index
      %swap3A_168 = tpu.vector_load %arg24[%swap3A] {strides = array<i32>} : memref<32768xf32, #tpu.memory_space<vmem>>, vector<16xf32>,
      tpu.vector_store %arg24[%swap3A], %gather3A {strides = array<i32>} : memref<32768xf32, #tpu.memory_space<vmem>>, vector<16xf32>,
    }
    %scan3A_136 = arith.constant 2048 : i32
    %run_scoped3A_137 = arith.constant 17 : i32
    "tpu.region"() ({
      %run_scoped3A_164 = tpu.sem_alloc : memref<!tpu.dma_semaphore, #tpu.memory_space<semaphore_mem>>
      %dma_start3A = tpu.memref_slice %arg14[%run_scoped3A_137, %mul3A_12] : memref<24x1048576xf32, #tpu.memory_space<hbm>> -> memref<1x32768xf32, #tpu.memory_space<hbm>>
      %dma_start3A_165 = tpu.memref_squeeze %dma_start3A : memref<1x32768xf32, #tpu.memory_space<hbm>> -> memref<32768xf32, #tpu.memory_space<hbm>>
      %dma_start3A_166 = tpu.memref_slice %arg14[%run_scoped3A_137, %mul3A_12] : memref<24x1048576xf32, #tpu.memory_space<hbm>> -> memref<1x32768xf32, #tpu.memory_space<hbm>>
      %dma_start3A_167 = tpu.memref_squeeze %dma_start3A_166 : memref<1x32768xf32, #tpu.memory_space<hbm>> -> memref<32768xf32, #tpu.memory_space<hbm>>
      tpu.enqueue_dma source(%arg24 : memref<32768xf32, #tpu.memory_space<vmem>>) target(%dma_start3A_167 : memref<32768xf32, #tpu.memory_space<hbm>>) target_semaphore(%run_scoped3A_164 : memref<!tpu.dma_semaphore, #tpu.memory_space<semaphore_mem>>)
      %dma_wait3A = tpu.memref_slice %arg14[%run_scoped3A_137, %mul3A_12] : memref<24x1048576xf32, #tpu.memory_space<hbm>> -> memref<1x32768xf32, #tpu.memory_space<hbm>>
      %dma_wait3A_168 = tpu.memref_squeeze %dma_wait3A : memref<1x32768xf32, #tpu.memory_space<hbm>> -> memref<32768xf32, #tpu.memory_space<hbm>>
      %dma_wait3A_169 = tpu.memref_slice %arg14[%run_scoped3A_137, %mul3A_12] : memref<24x1048576xf32, #tpu.memory_space<hbm>> -> memref<1x32768xf32, #tpu.memory_space<hbm>>
      %dma_wait3A_170 = tpu.memref_squeeze %dma_wait3A_169 : memref<1x32768xf32, #tpu.memory_space<hbm>> -> memref<32768xf32, #tpu.memory_space<hbm>>
      tpu.wait_dma2 semaphore(%run_scoped3A_164 : memref<!tpu.dma_semaphore, #tpu.memory_space<semaphore_mem>>) src(%arg24 : memref<32768xf32, #tpu.memory_space<vmem>>) dst(%dma_wait3A_170 : memref<32768xf32, #tpu.memory_space<hbm>>)
      tpu.yield
    }) : () -> ()
    "tpu.region"() ({
      %run_scoped3A_164 = tpu.sem_alloc : memref<!tpu.dma_semaphore, #tpu.memory_space<semaphore_mem>>
      tpu.enqueue_dma source(%arg8 : memref<4096xf32, #tpu.memory_space<hbm>>) target(%arg23 : memref<4096xf32, #tpu.memory_space<vmem>>) target_semaphore(%run_scoped3A_164 : memref<!tpu.dma_semaphore, #tpu.memory_space<semaphore_mem>>)
      tpu.wait_dma2 semaphore(%run_scoped3A_164 : memref<!tpu.dma_semaphore, #tpu.memory_space<semaphore_mem>>) src(%arg8 : memref<4096xf32, #tpu.memory_space<hbm>>) dst(%arg23 : memref<4096xf32, #tpu.memory_space<vmem>>)
      tpu.yield
    }) : () -> ()
    %scan3A_138 = arith.constant 0 : i32
    %scan3A_139 = arith.constant 0 : i32
    %scan3A_140 = arith.constant 2048 : i32
    %scan3A_141 = arith.addi %scan3A_139, %scan3A_140 : i32
    %scan3A_142 = arith.constant 1 : i32
    scf.for %scan3A_164 = %scan3A_139 to %scan3A_141 step %scan3A_142  : i32 {
      %mul3A_165 = arith.constant 16 : i32
      %mul3A_166 = arith.muli %scan3A_164, %mul3A_165 : i32
      %get3A = arith.index_cast %mul3A_166 : i32 to index
      %get3A_167 = tpu.vector_load %arg22[%get3A] {strides = array<i32>} : memref<32768xi32, #tpu.memory_space<vmem>>, vector<16xi32>,
      %gather3A = tpu.vector_load_idx %arg23[%get3A_167] : memref<4096xf32, #tpu.memory_space<vmem>>[vector<16xi32>], vector<16xf32>,
      %swap3A = arith.index_cast %mul3A_166 : i32 to index
      %swap3A_168 = tpu.vector_load %arg24[%swap3A] {strides = array<i32>} : memref<32768xf32, #tpu.memory_space<vmem>>, vector<16xf32>,
      tpu.vector_store %arg24[%swap3A], %gather3A {strides = array<i32>} : memref<32768xf32, #tpu.memory_space<vmem>>, vector<16xf32>,
    }
    %scan3A_143 = arith.constant 2048 : i32
    %run_scoped3A_144 = arith.constant 18 : i32
    "tpu.region"() ({
      %run_scoped3A_164 = tpu.sem_alloc : memref<!tpu.dma_semaphore, #tpu.memory_space<semaphore_mem>>
      %dma_start3A = tpu.memref_slice %arg14[%run_scoped3A_144, %mul3A_12] : memref<24x1048576xf32, #tpu.memory_space<hbm>> -> memref<1x32768xf32, #tpu.memory_space<hbm>>
      %dma_start3A_165 = tpu.memref_squeeze %dma_start3A : memref<1x32768xf32, #tpu.memory_space<hbm>> -> memref<32768xf32, #tpu.memory_space<hbm>>
      %dma_start3A_166 = tpu.memref_slice %arg14[%run_scoped3A_144, %mul3A_12] : memref<24x1048576xf32, #tpu.memory_space<hbm>> -> memref<1x32768xf32, #tpu.memory_space<hbm>>
      %dma_start3A_167 = tpu.memref_squeeze %dma_start3A_166 : memref<1x32768xf32, #tpu.memory_space<hbm>> -> memref<32768xf32, #tpu.memory_space<hbm>>
      tpu.enqueue_dma source(%arg24 : memref<32768xf32, #tpu.memory_space<vmem>>) target(%dma_start3A_167 : memref<32768xf32, #tpu.memory_space<hbm>>) target_semaphore(%run_scoped3A_164 : memref<!tpu.dma_semaphore, #tpu.memory_space<semaphore_mem>>)
      %dma_wait3A = tpu.memref_slice %arg14[%run_scoped3A_144, %mul3A_12] : memref<24x1048576xf32, #tpu.memory_space<hbm>> -> memref<1x32768xf32, #tpu.memory_space<hbm>>
      %dma_wait3A_168 = tpu.memref_squeeze %dma_wait3A : memref<1x32768xf32, #tpu.memory_space<hbm>> -> memref<32768xf32, #tpu.memory_space<hbm>>
      %dma_wait3A_169 = tpu.memref_slice %arg14[%run_scoped3A_144, %mul3A_12] : memref<24x1048576xf32, #tpu.memory_space<hbm>> -> memref<1x32768xf32, #tpu.memory_space<hbm>>
      %dma_wait3A_170 = tpu.memref_squeeze %dma_wait3A_169 : memref<1x32768xf32, #tpu.memory_space<hbm>> -> memref<32768xf32, #tpu.memory_space<hbm>>
      tpu.wait_dma2 semaphore(%run_scoped3A_164 : memref<!tpu.dma_semaphore, #tpu.memory_space<semaphore_mem>>) src(%arg24 : memref<32768xf32, #tpu.memory_space<vmem>>) dst(%dma_wait3A_170 : memref<32768xf32, #tpu.memory_space<hbm>>)
      tpu.yield
    }) : () -> ()
    "tpu.region"() ({
      %run_scoped3A_164 = tpu.sem_alloc : memref<!tpu.dma_semaphore, #tpu.memory_space<semaphore_mem>>
      tpu.enqueue_dma source(%arg9 : memref<4096xf32, #tpu.memory_space<hbm>>) target(%arg23 : memref<4096xf32, #tpu.memory_space<vmem>>) target_semaphore(%run_scoped3A_164 : memref<!tpu.dma_semaphore, #tpu.memory_space<semaphore_mem>>)
      tpu.wait_dma2 semaphore(%run_scoped3A_164 : memref<!tpu.dma_semaphore, #tpu.memory_space<semaphore_mem>>) src(%arg9 : memref<4096xf32, #tpu.memory_space<hbm>>) dst(%arg23 : memref<4096xf32, #tpu.memory_space<vmem>>)
      tpu.yield
    }) : () -> ()
    %scan3A_145 = arith.constant 0 : i32
    %scan3A_146 = arith.constant 0 : i32
    %scan3A_147 = arith.constant 2048 : i32
    %scan3A_148 = arith.addi %scan3A_146, %scan3A_147 : i32
    %scan3A_149 = arith.constant 1 : i32
    scf.for %scan3A_164 = %scan3A_146 to %scan3A_148 step %scan3A_149  : i32 {
      %mul3A_165 = arith.constant 16 : i32
      %mul3A_166 = arith.muli %scan3A_164, %mul3A_165 : i32
      %get3A = arith.index_cast %mul3A_166 : i32 to index
      %get3A_167 = tpu.vector_load %arg22[%get3A] {strides = array<i32>} : memref<32768xi32, #tpu.memory_space<vmem>>, vector<16xi32>,
      %gather3A = tpu.vector_load_idx %arg23[%get3A_167] : memref<4096xf32, #tpu.memory_space<vmem>>[vector<16xi32>], vector<16xf32>,
      %swap3A = arith.index_cast %mul3A_166 : i32 to index
      %swap3A_168 = tpu.vector_load %arg24[%swap3A] {strides = array<i32>} : memref<32768xf32, #tpu.memory_space<vmem>>, vector<16xf32>,
      tpu.vector_store %arg24[%swap3A], %gather3A {strides = array<i32>} : memref<32768xf32, #tpu.memory_space<vmem>>, vector<16xf32>,
    }
    %scan3A_150 = arith.constant 2048 : i32
    %run_scoped3A_151 = arith.constant 19 : i32
    "tpu.region"() ({
      %run_scoped3A_164 = tpu.sem_alloc : memref<!tpu.dma_semaphore, #tpu.memory_space<semaphore_mem>>
      %dma_start3A = tpu.memref_slice %arg14[%run_scoped3A_151, %mul3A_12] : memref<24x1048576xf32, #tpu.memory_space<hbm>> -> memref<1x32768xf32, #tpu.memory_space<hbm>>
      %dma_start3A_165 = tpu.memref_squeeze %dma_start3A : memref<1x32768xf32, #tpu.memory_space<hbm>> -> memref<32768xf32, #tpu.memory_space<hbm>>
      %dma_start3A_166 = tpu.memref_slice %arg14[%run_scoped3A_151, %mul3A_12] : memref<24x1048576xf32, #tpu.memory_space<hbm>> -> memref<1x32768xf32, #tpu.memory_space<hbm>>
      %dma_start3A_167 = tpu.memref_squeeze %dma_start3A_166 : memref<1x32768xf32, #tpu.memory_space<hbm>> -> memref<32768xf32, #tpu.memory_space<hbm>>
      tpu.enqueue_dma source(%arg24 : memref<32768xf32, #tpu.memory_space<vmem>>) target(%dma_start3A_167 : memref<32768xf32, #tpu.memory_space<hbm>>) target_semaphore(%run_scoped3A_164 : memref<!tpu.dma_semaphore, #tpu.memory_space<semaphore_mem>>)
      %dma_wait3A = tpu.memref_slice %arg14[%run_scoped3A_151, %mul3A_12] : memref<24x1048576xf32, #tpu.memory_space<hbm>> -> memref<1x32768xf32, #tpu.memory_space<hbm>>
      %dma_wait3A_168 = tpu.memref_squeeze %dma_wait3A : memref<1x32768xf32, #tpu.memory_space<hbm>> -> memref<32768xf32, #tpu.memory_space<hbm>>
      %dma_wait3A_169 = tpu.memref_slice %arg14[%run_scoped3A_151, %mul3A_12] : memref<24x1048576xf32, #tpu.memory_space<hbm>> -> memref<1x32768xf32, #tpu.memory_space<hbm>>
      %dma_wait3A_170 = tpu.memref_squeeze %dma_wait3A_169 : memref<1x32768xf32, #tpu.memory_space<hbm>> -> memref<32768xf32, #tpu.memory_space<hbm>>
      tpu.wait_dma2 semaphore(%run_scoped3A_164 : memref<!tpu.dma_semaphore, #tpu.memory_space<semaphore_mem>>) src(%arg24 : memref<32768xf32, #tpu.memory_space<vmem>>) dst(%dma_wait3A_170 : memref<32768xf32, #tpu.memory_space<hbm>>)
      tpu.yield
    }) : () -> ()
    %broadcast_in_dim3A_152 = arith.constant 0.000000e+00 : f32
    %broadcast_in_dim3A_153 = vector.broadcast %broadcast_in_dim3A_152 : f32 to vector<16xf32>
    %scan3A_154 = arith.constant 0 : i32
    %scan3A_155 = arith.constant 0 : i32
    %scan3A_156 = arith.constant 2048 : i32
    %scan3A_157 = arith.addi %scan3A_155, %scan3A_156 : i32
    %scan3A_158 = arith.constant 1 : i32
    scf.for %scan3A_164 = %scan3A_155 to %scan3A_157 step %scan3A_158  : i32 {
      %mul3A_165 = arith.constant 16 : i32
      %mul3A_166 = arith.muli %scan3A_164, %mul3A_165 : i32
      %swap3A = arith.index_cast %mul3A_166 : i32 to index
      %swap3A_167 = tpu.vector_load %arg24[%swap3A] {strides = array<i32>} : memref<32768xf32, #tpu.memory_space<vmem>>, vector<16xf32>,
      tpu.vector_store %arg24[%swap3A], %broadcast_in_dim3A_153 {strides = array<i32>} : memref<32768xf32, #tpu.memory_space<vmem>>, vector<16xf32>,
    }
    %scan3A_159 = arith.constant 2048 : i32
    %run_scoped3A_160 = arith.constant 20 : i32
    "tpu.region"() ({
      %run_scoped3A_164 = tpu.sem_alloc : memref<!tpu.dma_semaphore, #tpu.memory_space<semaphore_mem>>
      %dma_start3A = tpu.memref_slice %arg14[%run_scoped3A_160, %mul3A_12] : memref<24x1048576xf32, #tpu.memory_space<hbm>> -> memref<1x32768xf32, #tpu.memory_space<hbm>>
      %dma_start3A_165 = tpu.memref_squeeze %dma_start3A : memref<1x32768xf32, #tpu.memory_space<hbm>> -> memref<32768xf32, #tpu.memory_space<hbm>>
      %dma_start3A_166 = tpu.memref_slice %arg14[%run_scoped3A_160, %mul3A_12] : memref<24x1048576xf32, #tpu.memory_space<hbm>> -> memref<1x32768xf32, #tpu.memory_space<hbm>>
      %dma_start3A_167 = tpu.memref_squeeze %dma_start3A_166 : memref<1x32768xf32, #tpu.memory_space<hbm>> -> memref<32768xf32, #tpu.memory_space<hbm>>
      tpu.enqueue_dma source(%arg24 : memref<32768xf32, #tpu.memory_space<vmem>>) target(%dma_start3A_167 : memref<32768xf32, #tpu.memory_space<hbm>>) target_semaphore(%run_scoped3A_164 : memref<!tpu.dma_semaphore, #tpu.memory_space<semaphore_mem>>)
      %dma_wait3A = tpu.memref_slice %arg14[%run_scoped3A_160, %mul3A_12] : memref<24x1048576xf32, #tpu.memory_space<hbm>> -> memref<1x32768xf32, #tpu.memory_space<hbm>>
      %dma_wait3A_168 = tpu.memref_squeeze %dma_wait3A : memref<1x32768xf32, #tpu.memory_space<hbm>> -> memref<32768xf32, #tpu.memory_space<hbm>>
      %dma_wait3A_169 = tpu.memref_slice %arg14[%run_scoped3A_160, %mul3A_12] : memref<24x1048576xf32, #tpu.memory_space<hbm>> -> memref<1x32768xf32, #tpu.memory_space<hbm>>
      %dma_wait3A_170 = tpu.memref_squeeze %dma_wait3A_169 : memref<1x32768xf32, #tpu.memory_space<hbm>> -> memref<32768xf32, #tpu.memory_space<hbm>>
      tpu.wait_dma2 semaphore(%run_scoped3A_164 : memref<!tpu.dma_semaphore, #tpu.memory_space<semaphore_mem>>) src(%arg24 : memref<32768xf32, #tpu.memory_space<vmem>>) dst(%dma_wait3A_170 : memref<32768xf32, #tpu.memory_space<hbm>>)
      tpu.yield
    }) : () -> ()
    %run_scoped3A_161 = arith.constant 21 : i32
    "tpu.region"() ({
      %run_scoped3A_164 = tpu.sem_alloc : memref<!tpu.dma_semaphore, #tpu.memory_space<semaphore_mem>>
      %dma_start3A = tpu.memref_slice %arg14[%run_scoped3A_161, %mul3A_12] : memref<24x1048576xf32, #tpu.memory_space<hbm>> -> memref<1x32768xf32, #tpu.memory_space<hbm>>
      %dma_start3A_165 = tpu.memref_squeeze %dma_start3A : memref<1x32768xf32, #tpu.memory_space<hbm>> -> memref<32768xf32, #tpu.memory_space<hbm>>
      %dma_start3A_166 = tpu.memref_slice %arg14[%run_scoped3A_161, %mul3A_12] : memref<24x1048576xf32, #tpu.memory_space<hbm>> -> memref<1x32768xf32, #tpu.memory_space<hbm>>
      %dma_start3A_167 = tpu.memref_squeeze %dma_start3A_166 : memref<1x32768xf32, #tpu.memory_space<hbm>> -> memref<32768xf32, #tpu.memory_space<hbm>>
      tpu.enqueue_dma source(%arg24 : memref<32768xf32, #tpu.memory_space<vmem>>) target(%dma_start3A_167 : memref<32768xf32, #tpu.memory_space<hbm>>) target_semaphore(%run_scoped3A_164 : memref<!tpu.dma_semaphore, #tpu.memory_space<semaphore_mem>>)
      %dma_wait3A = tpu.memref_slice %arg14[%run_scoped3A_161, %mul3A_12] : memref<24x1048576xf32, #tpu.memory_space<hbm>> -> memref<1x32768xf32, #tpu.memory_space<hbm>>
      %dma_wait3A_168 = tpu.memref_squeeze %dma_wait3A : memref<1x32768xf32, #tpu.memory_space<hbm>> -> memref<32768xf32, #tpu.memory_space<hbm>>
      %dma_wait3A_169 = tpu.memref_slice %arg14[%run_scoped3A_161, %mul3A_12] : memref<24x1048576xf32, #tpu.memory_space<hbm>> -> memref<1x32768xf32, #tpu.memory_space<hbm>>
      %dma_wait3A_170 = tpu.memref_squeeze %dma_wait3A_169 : memref<1x32768xf32, #tpu.memory_space<hbm>> -> memref<32768xf32, #tpu.memory_space<hbm>>
      tpu.wait_dma2 semaphore(%run_scoped3A_164 : memref<!tpu.dma_semaphore, #tpu.memory_space<semaphore_mem>>) src(%arg24 : memref<32768xf32, #tpu.memory_space<vmem>>) dst(%dma_wait3A_170 : memref<32768xf32, #tpu.memory_space<hbm>>)
      tpu.yield
    }) : () -> ()
    %run_scoped3A_162 = arith.constant 22 : i32
    "tpu.region"() ({
      %run_scoped3A_164 = tpu.sem_alloc : memref<!tpu.dma_semaphore, #tpu.memory_space<semaphore_mem>>
      %dma_start3A = tpu.memref_slice %arg14[%run_scoped3A_162, %mul3A_12] : memref<24x1048576xf32, #tpu.memory_space<hbm>> -> memref<1x32768xf32, #tpu.memory_space<hbm>>
      %dma_start3A_165 = tpu.memref_squeeze %dma_start3A : memref<1x32768xf32, #tpu.memory_space<hbm>> -> memref<32768xf32, #tpu.memory_space<hbm>>
      %dma_start3A_166 = tpu.memref_slice %arg14[%run_scoped3A_162, %mul3A_12] : memref<24x1048576xf32, #tpu.memory_space<hbm>> -> memref<1x32768xf32, #tpu.memory_space<hbm>>
      %dma_start3A_167 = tpu.memref_squeeze %dma_start3A_166 : memref<1x32768xf32, #tpu.memory_space<hbm>> -> memref<32768xf32, #tpu.memory_space<hbm>>
      tpu.enqueue_dma source(%arg24 : memref<32768xf32, #tpu.memory_space<vmem>>) target(%dma_start3A_167 : memref<32768xf32, #tpu.memory_space<hbm>>) target_semaphore(%run_scoped3A_164 : memref<!tpu.dma_semaphore, #tpu.memory_space<semaphore_mem>>)
      %dma_wait3A = tpu.memref_slice %arg14[%run_scoped3A_162, %mul3A_12] : memref<24x1048576xf32, #tpu.memory_space<hbm>> -> memref<1x32768xf32, #tpu.memory_space<hbm>>
      %dma_wait3A_168 = tpu.memref_squeeze %dma_wait3A : memref<1x32768xf32, #tpu.memory_space<hbm>> -> memref<32768xf32, #tpu.memory_space<hbm>>
      %dma_wait3A_169 = tpu.memref_slice %arg14[%run_scoped3A_162, %mul3A_12] : memref<24x1048576xf32, #tpu.memory_space<hbm>> -> memref<1x32768xf32, #tpu.memory_space<hbm>>
      %dma_wait3A_170 = tpu.memref_squeeze %dma_wait3A_169 : memref<1x32768xf32, #tpu.memory_space<hbm>> -> memref<32768xf32, #tpu.memory_space<hbm>>
      tpu.wait_dma2 semaphore(%run_scoped3A_164 : memref<!tpu.dma_semaphore, #tpu.memory_space<semaphore_mem>>) src(%arg24 : memref<32768xf32, #tpu.memory_space<vmem>>) dst(%dma_wait3A_170 : memref<32768xf32, #tpu.memory_space<hbm>>)
      tpu.yield
    }) : () -> ()
    %run_scoped3A_163 = arith.constant 23 : i32
    "tpu.region"() ({
      %run_scoped3A_164 = tpu.sem_alloc : memref<!tpu.dma_semaphore, #tpu.memory_space<semaphore_mem>>
      %dma_start3A = tpu.memref_slice %arg14[%run_scoped3A_163, %mul3A_12] : memref<24x1048576xf32, #tpu.memory_space<hbm>> -> memref<1x32768xf32, #tpu.memory_space<hbm>>
      %dma_start3A_165 = tpu.memref_squeeze %dma_start3A : memref<1x32768xf32, #tpu.memory_space<hbm>> -> memref<32768xf32, #tpu.memory_space<hbm>>
      %dma_start3A_166 = tpu.memref_slice %arg14[%run_scoped3A_163, %mul3A_12] : memref<24x1048576xf32, #tpu.memory_space<hbm>> -> memref<1x32768xf32, #tpu.memory_space<hbm>>
      %dma_start3A_167 = tpu.memref_squeeze %dma_start3A_166 : memref<1x32768xf32, #tpu.memory_space<hbm>> -> memref<32768xf32, #tpu.memory_space<hbm>>
      tpu.enqueue_dma source(%arg24 : memref<32768xf32, #tpu.memory_space<vmem>>) target(%dma_start3A_167 : memref<32768xf32, #tpu.memory_space<hbm>>) target_semaphore(%run_scoped3A_164 : memref<!tpu.dma_semaphore, #tpu.memory_space<semaphore_mem>>)
      %dma_wait3A = tpu.memref_slice %arg14[%run_scoped3A_163, %mul3A_12] : memref<24x1048576xf32, #tpu.memory_space<hbm>> -> memref<1x32768xf32, #tpu.memory_space<hbm>>
      %dma_wait3A_168 = tpu.memref_squeeze %dma_wait3A : memref<1x32768xf32, #tpu.memory_space<hbm>> -> memref<32768xf32, #tpu.memory_space<hbm>>
      %dma_wait3A_169 = tpu.memref_slice %arg14[%run_scoped3A_163, %mul3A_12] : memref<24x1048576xf32, #tpu.memory_space<hbm>> -> memref<1x32768xf32, #tpu.memory_space<hbm>>
      %dma_wait3A_170 = tpu.memref_squeeze %dma_wait3A_169 : memref<1x32768xf32, #tpu.memory_space<hbm>> -> memref<32768xf32, #tpu.memory_space<hbm>>
      tpu.wait_dma2 semaphore(%run_scoped3A_164 : memref<!tpu.dma_semaphore, #tpu.memory_space<semaphore_mem>>) src(%arg24 : memref<32768xf32, #tpu.memory_space<vmem>>) dst(%dma_wait3A_170 : memref<32768xf32, #tpu.memory_space<hbm>>)
      tpu.yield
    }) : () -> ()
    return
  }
}

module attributes {stable_mosaic.version = 14 : i64} {
  func.func @_sincos_body(%arg0: memref<32x128xf32, #tpu.memory_space<vmem>>, %arg1: memref<32x128xf32, #tpu.memory_space<vmem>>, %arg2: memref<32x128xf32, #tpu.memory_space<vmem>>) attributes {dimension_semantics = [], scalar_prefetch = 0 : i64, scratch_operands = 0 : i64, tpu.core_type = #tpu.core_type<tc>} {
    %get3A = arith.constant 0 : index
    %get3A_0 = arith.constant 0 : index
    %get3A_1 = vector.load %arg0[%get3A, %get3A_0] : memref<32x128xf32, #tpu.memory_space<vmem>>, vector<32x128xf32>
    %sin3A = math.sin %get3A_1 : vector<32x128xf32>
    %swap3A = arith.constant 0 : index
    %swap3A_2 = arith.constant 0 : index
    %swap3A_3 = vector.load %arg1[%swap3A, %swap3A_2] : memref<32x128xf32, #tpu.memory_space<vmem>>, vector<32x128xf32>
    tpu.vector_store %arg1[%swap3A, %swap3A_2], %sin3A {strides = array<i32>} : memref<32x128xf32, #tpu.memory_space<vmem>>, vector<32x128xf32>,
    %cos3A = math.cos %get3A_1 : vector<32x128xf32>
    %swap3A_4 = arith.constant 0 : index
    %swap3A_5 = arith.constant 0 : index
    %swap3A_6 = vector.load %arg2[%swap3A_4, %swap3A_5] : memref<32x128xf32, #tpu.memory_space<vmem>>, vector<32x128xf32>
    tpu.vector_store %arg2[%swap3A_4, %swap3A_5], %cos3A {strides = array<i32>} : memref<32x128xf32, #tpu.memory_space<vmem>>, vector<32x128xf32>,
    return
  }
}

module attributes {stable_mosaic.version = 14 : i64} {
  func.func @_deg_body(%arg0: i32, %arg1: memref<512x1xf32, #tpu.memory_space<vmem>>, %arg2: memref<512x1xf32, #tpu.memory_space<vmem>>, %arg3: memref<1x4096xf32, #tpu.memory_space<vmem>>, %arg4: memref<1x4096xf32, #tpu.memory_space<vmem>>, %arg5: memref<512x1xf32, #tpu.memory_space<vmem>>) attributes {dimension_semantics = [#tpu.dimension_semantics<arbitrary>], iteration_bounds = array<i64: 8>, scalar_prefetch = 0 : i64, scratch_operands = 0 : i64, tpu.core_type = #tpu.core_type<tc>, window_params = [{transform_indices = @transform_0, window_bounds = array<i64: 512, 1>}, {transform_indices = @transform_1, window_bounds = array<i64: 512, 1>}, {pipeline_mode = #tpu.pipeline_mode<synchronous>, transform_indices = @transform_2, window_bounds = array<i64: 1, 4096>}, {pipeline_mode = #tpu.pipeline_mode<synchronous>, transform_indices = @transform_3, window_bounds = array<i64: 1, 4096>}, {transform_indices = @transform_4, window_bounds = array<i64: 512, 1>}]} {
    %get3A = arith.constant 0 : index
    %get3A_0 = arith.constant 0 : index
    %get3A_1 = vector.load %arg1[%get3A, %get3A_0] : memref<512x1xf32, #tpu.memory_space<vmem>>, vector<512x1xf32>
    %get3A_2 = arith.constant 0 : index
    %get3A_3 = arith.constant 0 : index
    %get3A_4 = vector.load %arg2[%get3A_2, %get3A_3] : memref<512x1xf32, #tpu.memory_space<vmem>>, vector<512x1xf32>
    %get3A_5 = arith.constant 0 : index
    %get3A_6 = arith.constant 0 : index
    %get3A_7 = vector.load %arg3[%get3A_5, %get3A_6] : memref<1x4096xf32, #tpu.memory_space<vmem>>, vector<1x4096xf32>
    %get3A_8 = arith.constant 0 : index
    %get3A_9 = arith.constant 0 : index
    %get3A_10 = vector.load %arg4[%get3A_8, %get3A_9] : memref<1x4096xf32, #tpu.memory_space<vmem>>, vector<1x4096xf32>
    %sub3A = vector.broadcast %get3A_1 : vector<512x1xf32> to vector<512x4096xf32>
    %sub3A_11 = vector.broadcast %get3A_7 : vector<1x4096xf32> to vector<512x4096xf32>
    %sub3A_12 = arith.subf %sub3A, %sub3A_11 : vector<512x4096xf32>
    %sub3A_13 = vector.broadcast %get3A_4 : vector<512x1xf32> to vector<512x4096xf32>
    %sub3A_14 = vector.broadcast %get3A_10 : vector<1x4096xf32> to vector<512x4096xf32>
    %sub3A_15 = arith.subf %sub3A_13, %sub3A_14 : vector<512x4096xf32>
    %mul3A = arith.mulf %sub3A_12, %sub3A_12 : vector<512x4096xf32>
    %mul3A_16 = arith.mulf %sub3A_15, %sub3A_15 : vector<512x4096xf32>
    %add3A = arith.addf %mul3A, %mul3A_16 : vector<512x4096xf32>
    %le3A = arith.constant 6.250000e-02 : f32
    %le3A_17 = vector.broadcast %le3A : f32 to vector<512x4096xf32>
    %le3A_18 = arith.cmpf ole, %add3A, %le3A_17 : vector<512x4096xf32>
    %convert_element_type3A = arith.extui %le3A_18 : vector<512x4096xi1> to vector<512x4096xi32>
    %convert_element_type3A_19 = arith.sitofp %convert_element_type3A : vector<512x4096xi32> to vector<512x4096xf32>
    %reduce_sum3A = arith.constant dense<0.000000e+00> : vector<512xf32>
    %reduce_sum3A_20 = vector.multi_reduction <add>, %convert_element_type3A_19, %reduce_sum3A [1] : vector<512x4096xf32> to vector<512xf32>
    %broadcast_in_dim3A = vector.shape_cast %reduce_sum3A_20 : vector<512xf32> to vector<512x1xf32>
    %sub3A_21 = arith.constant 1.000000e+00 : f32
    %sub3A_22 = vector.broadcast %sub3A_21 : f32 to vector<512x1xf32>
    %sub3A_23 = arith.subf %broadcast_in_dim3A, %sub3A_22 : vector<512x1xf32>
    %swap3A = arith.constant 0 : index
    %swap3A_24 = arith.constant 0 : index
    %swap3A_25 = vector.load %arg5[%swap3A, %swap3A_24] : memref<512x1xf32, #tpu.memory_space<vmem>>, vector<512x1xf32>
    tpu.vector_store %arg5[%swap3A, %swap3A_24], %sub3A_23 {strides = array<i32>} : memref<512x1xf32, #tpu.memory_space<vmem>>, vector<512x1xf32>,
    return
  }
  func.func @transform_0(%arg0: i32) -> (i32, i32) {
    %c0_i32 = arith.constant 0 : i32
    %c0_i32_0 = arith.constant 0 : i32
    return %arg0, %c0_i32 : i32, i32
  }
  func.func @transform_1(%arg0: i32) -> (i32, i32) {
    %c0_i32 = arith.constant 0 : i32
    %c0_i32_0 = arith.constant 0 : i32
    return %arg0, %c0_i32 : i32, i32
  }
  func.func @transform_2(%arg0: i32) -> (i32, i32) {
    %c0_i32 = arith.constant 0 : i32
    %c0_i32_0 = arith.constant 0 : i32
    %c0_i32_1 = arith.constant 0 : i32
    return %c0_i32, %c0_i32_0 : i32, i32
  }
  func.func @transform_3(%arg0: i32) -> (i32, i32) {
    %c0_i32 = arith.constant 0 : i32
    %c0_i32_0 = arith.constant 0 : i32
    %c0_i32_1 = arith.constant 0 : i32
    return %c0_i32, %c0_i32_0 : i32, i32
  }
  func.func @transform_4(%arg0: i32) -> (i32, i32) {
    %c0_i32 = arith.constant 0 : i32
    %c0_i32_0 = arith.constant 0 : i32
    return %arg0, %c0_i32 : i32, i32
  }
}

module attributes {stable_mosaic.version = 14 : i64} {
  func.func @_tc_body(%arg0: i32, %arg1: memref<24x8192xf32, #tpu.memory_space<vmem>>, %arg2: memref<32x24xf32, #tpu.memory_space<vmem>>, %arg3: memref<32x1xf32, #tpu.memory_space<vmem>>, %arg4: memref<32x1xf32, #tpu.memory_space<vmem>>, %arg5: memref<32x1xf32, #tpu.memory_space<vmem>>, %arg6: memref<32x256xf32, #tpu.memory_space<vmem>>, %arg7: memref<32x256xf32, #tpu.memory_space<vmem>>, %arg8: memref<32x256xf32, #tpu.memory_space<vmem>>, %arg9: memref<24x64xbf16, #tpu.memory_space<vmem>>, %arg10: memref<24x64xf32, #tpu.memory_space<vmem>>, %arg11: memref<8x64xf32, #tpu.memory_space<vmem>>, %arg12: memref<1x64xf32, #tpu.memory_space<vmem>>, %arg13: memref<64x64xbf16, #tpu.memory_space<vmem>>, %arg14: memref<1x64xf32, #tpu.memory_space<vmem>>, %arg15: memref<64x64xbf16, #tpu.memory_space<vmem>>, %arg16: memref<1x64xf32, #tpu.memory_space<vmem>>, %arg17: memref<24x256xbf16, #tpu.memory_space<vmem>>, %arg18: memref<64x256xbf16, #tpu.memory_space<vmem>>, %arg19: memref<1x256xf32, #tpu.memory_space<vmem>>, %arg20: memref<20x128xf32, #tpu.memory_space<vmem>>, %arg21: memref<20x128xf32, #tpu.memory_space<vmem>>, %arg22: memref<1x128xf32, #tpu.memory_space<vmem>>, %arg23: memref<20x64xf32, #tpu.memory_space<vmem>>, %arg24: memref<1x64xf32, #tpu.memory_space<vmem>>, %arg25: memref<64x64xf32, #tpu.memory_space<vmem>>, %arg26: memref<1x64xf32, #tpu.memory_space<vmem>>, %arg27: memref<64x64xf32, #tpu.memory_space<vmem>>, %arg28: memref<1x64xf32, #tpu.memory_space<vmem>>, %arg29: memref<64x32xf32, #tpu.memory_space<vmem>>, %arg30: memref<1x32xf32, #tpu.memory_space<vmem>>, %arg31: memref<32x32xf32, #tpu.memory_space<vmem>>) attributes {dimension_semantics = [#tpu.dimension_semantics<arbitrary>], iteration_bounds = array<i64: 128>, scalar_prefetch = 0 : i64, scratch_operands = 0 : i64, tpu.core_type = #tpu.core_type<tc>, window_params = [{transform_indices = @transform_0, window_bounds = array<i64: 24, 8192>}, {transform_indices = @transform_1, window_bounds = array<i64: 32, 24>}, {transform_indices = @transform_2, window_bounds = array<i64: 32, 1>}, {transform_indices = @transform_3, window_bounds = array<i64: 32, 1>}, {transform_indices = @transform_4, window_bounds = array<i64: 32, 1>}, {transform_indices = @transform_5, window_bounds = array<i64: 32, 256>}, {transform_indices = @transform_6, window_bounds = array<i64: 32, 256>}, {transform_indices = @transform_7, window_bounds = array<i64: 32, 256>}, {pipeline_mode = #tpu.pipeline_mode<synchronous>, transform_indices = @transform_8, window_bounds = array<i64: 24, 64>}, {pipeline_mode = #tpu.pipeline_mode<synchronous>, transform_indices = @transform_9, window_bounds = array<i64: 24, 64>}, {pipeline_mode = #tpu.pipeline_mode<synchronous>, transform_indices = @transform_10, window_bounds = array<i64: 8, 64>}, {pipeline_mode = #tpu.pipeline_mode<synchronous>, transform_indices = @transform_11, window_bounds = array<i64: 1, 64>}, {pipeline_mode = #tpu.pipeline_mode<synchronous>, transform_indices = @transform_12, window_bounds = array<i64: 64, 64>}, {pipeline_mode = #tpu.pipeline_mode<synchronous>, transform_indices = @transform_13, window_bounds = array<i64: 1, 64>}, {pipeline_mode = #tpu.pipeline_mode<synchronous>, transform_indices = @transform_14, window_bounds = array<i64: 64, 64>}, {pipeline_mode = #tpu.pipeline_mode<synchronous>, transform_indices = @transform_15, window_bounds = array<i64: 1, 64>}, {pipeline_mode = #tpu.pipeline_mode<synchronous>, transform_indices = @transform_16, window_bounds = array<i64: 24, 256>}, {pipeline_mode = #tpu.pipeline_mode<synchronous>, transform_indices = @transform_17, window_bounds = array<i64: 64, 256>}, {pipeline_mode = #tpu.pipeline_mode<synchronous>, transform_indices = @transform_18, window_bounds = array<i64: 1, 256>}, {pipeline_mode = #tpu.pipeline_mode<synchronous>, transform_indices = @transform_19, window_bounds = array<i64: 20, 128>}, {pipeline_mode = #tpu.pipeline_mode<synchronous>, transform_indices = @transform_20, window_bounds = array<i64: 20, 128>}, {pipeline_mode = #tpu.pipeline_mode<synchronous>, transform_indices = @transform_21, window_bounds = array<i64: 1, 128>}, {pipeline_mode = #tpu.pipeline_mode<synchronous>, transform_indices = @transform_22, window_bounds = array<i64: 20, 64>}, {pipeline_mode = #tpu.pipeline_mode<synchronous>, transform_indices = @transform_23, window_bounds = array<i64: 1, 64>}, {pipeline_mode = #tpu.pipeline_mode<synchronous>, transform_indices = @transform_24, window_bounds = array<i64: 64, 64>}, {pipeline_mode = #tpu.pipeline_mode<synchronous>, transform_indices = @transform_25, window_bounds = array<i64: 1, 64>}, {pipeline_mode = #tpu.pipeline_mode<synchronous>, transform_indices = @transform_26, window_bounds = array<i64: 64, 64>}, {pipeline_mode = #tpu.pipeline_mode<synchronous>, transform_indices = @transform_27, window_bounds = array<i64: 1, 64>}, {pipeline_mode = #tpu.pipeline_mode<synchronous>, transform_indices = @transform_28, window_bounds = array<i64: 64, 32>}, {pipeline_mode = #tpu.pipeline_mode<synchronous>, transform_indices = @transform_29, window_bounds = array<i64: 1, 32>}, {transform_indices = @transform_30, window_bounds = array<i64: 32, 32>}]} {
    %get3A = arith.constant 0 : index
    %get3A_0 = arith.constant 0 : index
    %get3A_1 = vector.load %arg1[%get3A, %get3A_0] : memref<24x8192xf32, #tpu.memory_space<vmem>>, vector<24x8192xf32>
    %get3A_2 = arith.constant 0 : index
    %get3A_3 = arith.constant 0 : index
    %get3A_4 = vector.load %arg2[%get3A_2, %get3A_3] : memref<32x24xf32, #tpu.memory_space<vmem>>, vector<32x24xf32>
    %get3A_5 = arith.constant 0 : index
    %get3A_6 = arith.constant 0 : index
    %get3A_7 = vector.load %arg6[%get3A_5, %get3A_6] : memref<32x256xf32, #tpu.memory_space<vmem>>, vector<32x256xf32>
    %get3A_8 = arith.constant 0 : index
    %get3A_9 = arith.constant 0 : index
    %get3A_10 = vector.load %arg7[%get3A_8, %get3A_9] : memref<32x256xf32, #tpu.memory_space<vmem>>, vector<32x256xf32>
    %get3A_11 = arith.constant 0 : index
    %get3A_12 = arith.constant 0 : index
    %get3A_13 = vector.load %arg8[%get3A_11, %get3A_12] : memref<32x256xf32, #tpu.memory_space<vmem>>, vector<32x256xf32>
    %mul3A = arith.mulf %get3A_7, %get3A_7 : vector<32x256xf32>
    %mul3A_14 = arith.mulf %get3A_10, %get3A_10 : vector<32x256xf32>
    %add3A = arith.addf %mul3A, %mul3A_14 : vector<32x256xf32>
    %max3A = arith.constant 9.99999996E-13 : f32
    %max3A_15 = vector.broadcast %max3A : f32 to vector<32x256xf32>
    %max3A_16 = arith.maximumf %add3A, %max3A_15 : vector<32x256xf32>
    %sqrt3A = math.sqrt %max3A_16 : vector<32x256xf32>
    %sin3A = math.sin %get3A_13 : vector<32x256xf32>
    %cos3A = math.cos %get3A_13 : vector<32x256xf32>
    %convert_element_type3A = arith.truncf %get3A_1 : vector<24x8192xf32> to vector<24x8192xbf16>
    %get3A_17 = arith.constant 0 : index
    %get3A_18 = arith.constant 0 : index
    %get3A_19 = vector.load %arg9[%get3A_17, %get3A_18] : memref<24x64xbf16, #tpu.memory_space<vmem>>, vector<24x64xbf16>
    %dot_general3A = arith.constant dense<0.000000e+00> : vector<8192x64xf32>
    %dot_general3A_20 = tpu.matmul %convert_element_type3A, %get3A_19, %dot_general3A {dimension_numbers = #tpu.dot_dimension_numbers<[0], [0], [1], [1], [0, 1, 1, 1], [], []>, transpose_lhs_hint = false} : vector<24x8192xbf16>, vector<24x64xbf16>, vector<8192x64xf32> -> vector<8192x64xf32>
    %reshape3A = vector.shape_cast %dot_general3A_20 : vector<8192x64xf32> to vector<32x256x64xf32>
    %get3A_21 = arith.constant 0 : index
    %get3A_22 = arith.constant 0 : index
    %get3A_23 = vector.load %arg12[%get3A_21, %get3A_22] : memref<1x64xf32, #tpu.memory_space<vmem>>, vector<1x64xf32>
    %get3A_24 = arith.constant 0 : index
    %get3A_25 = arith.constant 0 : index
    %get3A_26 = vector.load %arg10[%get3A_24, %get3A_25] : memref<24x64xf32, #tpu.memory_space<vmem>>, vector<24x64xf32>
    %dot_general3A_27 = arith.constant dense<0.000000e+00> : vector<32x64xf32>
    %dot_general3A_28 = tpu.matmul %get3A_4, %get3A_26, %dot_general3A_27 {dimension_numbers = #tpu.dot_dimension_numbers<[1], [0], [0], [1], [0, 0, 1, 1], [], []>, transpose_lhs_hint = false} : vector<32x24xf32>, vector<24x64xf32>, vector<32x64xf32> -> vector<32x64xf32>
    %sub3A = vector.broadcast %get3A_23 : vector<1x64xf32> to vector<32x64xf32>
    %sub3A_29 = arith.subf %sub3A, %dot_general3A_28 : vector<32x64xf32>
    %broadcast_in_dim3A = vector.shape_cast %sub3A_29 : vector<32x64xf32> to vector<32x1x64xf32>
    %add3A_30 = vector.broadcast %broadcast_in_dim3A : vector<32x1x64xf32> to vector<32x256x64xf32>
    %add3A_31 = arith.addf %reshape3A, %add3A_30 : vector<32x256x64xf32>
    %get3A_32 = arith.constant 0 : index
    %get3A_33 = arith.constant 0 : index
    %get3A_34 = vector.load %arg11[%get3A_32, %get3A_33] : memref<8x64xf32, #tpu.memory_space<vmem>>, vector<1x64xf32>
    %broadcast_in_dim3A_35 = vector.shape_cast %get3A_7 : vector<32x256xf32> to vector<32x256x1xf32>
    %broadcast_in_dim3A_36 = vector.broadcast %broadcast_in_dim3A_35 : vector<32x256x1xf32> to vector<32x256x64xf32>
    %broadcast_in_dim3A_37 = vector.shape_cast %get3A_34 : vector<1x64xf32> to vector<1x1x64xf32>
    %mul3A_38 = vector.broadcast %broadcast_in_dim3A_37 : vector<1x1x64xf32> to vector<32x256x64xf32>
    %mul3A_39 = arith.mulf %broadcast_in_dim3A_36, %mul3A_38 : vector<32x256x64xf32>
    %add3A_40 = arith.addf %add3A_31, %mul3A_39 : vector<32x256x64xf32>
    %get3A_41 = arith.constant 1 : index
    %get3A_42 = arith.constant 0 : index
    %get3A_43 = vector.load %arg11[%get3A_41, %get3A_42] : memref<8x64xf32, #tpu.memory_space<vmem>>, vector<1x64xf32>
    %broadcast_in_dim3A_44 = vector.shape_cast %get3A_10 : vector<32x256xf32> to vector<32x256x1xf32>
    %broadcast_in_dim3A_45 = vector.broadcast %broadcast_in_dim3A_44 : vector<32x256x1xf32> to vector<32x256x64xf32>
    %broadcast_in_dim3A_46 = vector.shape_cast %get3A_43 : vector<1x64xf32> to vector<1x1x64xf32>
    %mul3A_47 = vector.broadcast %broadcast_in_dim3A_46 : vector<1x1x64xf32> to vector<32x256x64xf32>
    %mul3A_48 = arith.mulf %broadcast_in_dim3A_45, %mul3A_47 : vector<32x256x64xf32>
    %add3A_49 = arith.addf %add3A_40, %mul3A_48 : vector<32x256x64xf32>
    %get3A_50 = arith.constant 2 : index
    %get3A_51 = arith.constant 0 : index
    %get3A_52 = vector.load %arg11[%get3A_50, %get3A_51] : memref<8x64xf32, #tpu.memory_space<vmem>>, vector<1x64xf32>
    %broadcast_in_dim3A_53 = vector.shape_cast %sqrt3A : vector<32x256xf32> to vector<32x256x1xf32>
    %broadcast_in_dim3A_54 = vector.broadcast %broadcast_in_dim3A_53 : vector<32x256x1xf32> to vector<32x256x64xf32>
    %broadcast_in_dim3A_55 = vector.shape_cast %get3A_52 : vector<1x64xf32> to vector<1x1x64xf32>
    %mul3A_56 = vector.broadcast %broadcast_in_dim3A_55 : vector<1x1x64xf32> to vector<32x256x64xf32>
    %mul3A_57 = arith.mulf %broadcast_in_dim3A_54, %mul3A_56 : vector<32x256x64xf32>
    %add3A_58 = arith.addf %add3A_49, %mul3A_57 : vector<32x256x64xf32>
    %get3A_59 = arith.constant 3 : index
    %get3A_60 = arith.constant 0 : index
    %get3A_61 = vector.load %arg11[%get3A_59, %get3A_60] : memref<8x64xf32, #tpu.memory_space<vmem>>, vector<1x64xf32>
    %broadcast_in_dim3A_62 = vector.shape_cast %sin3A : vector<32x256xf32> to vector<32x256x1xf32>
    %broadcast_in_dim3A_63 = vector.broadcast %broadcast_in_dim3A_62 : vector<32x256x1xf32> to vector<32x256x64xf32>
    %broadcast_in_dim3A_64 = vector.shape_cast %get3A_61 : vector<1x64xf32> to vector<1x1x64xf32>
    %mul3A_65 = vector.broadcast %broadcast_in_dim3A_64 : vector<1x1x64xf32> to vector<32x256x64xf32>
    %mul3A_66 = arith.mulf %broadcast_in_dim3A_63, %mul3A_65 : vector<32x256x64xf32>
    %add3A_67 = arith.addf %add3A_58, %mul3A_66 : vector<32x256x64xf32>
    %get3A_68 = arith.constant 4 : index
    %get3A_69 = arith.constant 0 : index
    %get3A_70 = vector.load %arg11[%get3A_68, %get3A_69] : memref<8x64xf32, #tpu.memory_space<vmem>>, vector<1x64xf32>
    %broadcast_in_dim3A_71 = vector.shape_cast %cos3A : vector<32x256xf32> to vector<32x256x1xf32>
    %broadcast_in_dim3A_72 = vector.broadcast %broadcast_in_dim3A_71 : vector<32x256x1xf32> to vector<32x256x64xf32>
    %broadcast_in_dim3A_73 = vector.shape_cast %get3A_70 : vector<1x64xf32> to vector<1x1x64xf32>
    %mul3A_74 = vector.broadcast %broadcast_in_dim3A_73 : vector<1x1x64xf32> to vector<32x256x64xf32>
    %mul3A_75 = arith.mulf %broadcast_in_dim3A_72, %mul3A_74 : vector<32x256x64xf32>
    %add3A_76 = arith.addf %add3A_67, %mul3A_75 : vector<32x256x64xf32>
    %max3A_77 = arith.constant 0.000000e+00 : f32
    %max3A_78 = vector.broadcast %max3A_77 : f32 to vector<32x256x64xf32>
    %max3A_79 = arith.maximumf %add3A_76, %max3A_78 : vector<32x256x64xf32>
    %reshape3A_80 = vector.shape_cast %max3A_79 : vector<32x256x64xf32> to vector<8192x64xf32>
    %convert_element_type3A_81 = arith.truncf %reshape3A_80 : vector<8192x64xf32> to vector<8192x64xbf16>
    %get3A_82 = arith.constant 0 : index
    %get3A_83 = arith.constant 0 : index
    %get3A_84 = vector.load %arg13[%get3A_82, %get3A_83] : memref<64x64xbf16, #tpu.memory_space<vmem>>, vector<64x64xbf16>
    %dot_general3A_85 = arith.constant dense<0.000000e+00> : vector<8192x64xf32>
    %dot_general3A_86 = tpu.matmul %convert_element_type3A_81, %get3A_84, %dot_general3A_85 {dimension_numbers = #tpu.dot_dimension_numbers<[1], [0], [0], [1], [0, 0, 1, 1], [], []>, transpose_lhs_hint = false} : vector<8192x64xbf16>, vector<64x64xbf16>, vector<8192x64xf32> -> vector<8192x64xf32>
    %get3A_87 = arith.constant 0 : index
    %get3A_88 = arith.constant 0 : index
    %get3A_89 = vector.load %arg14[%get3A_87, %get3A_88] : memref<1x64xf32, #tpu.memory_space<vmem>>, vector<1x64xf32>
    %add3A_90 = vector.broadcast %get3A_89 : vector<1x64xf32> to vector<8192x64xf32>
    %add3A_91 = arith.addf %dot_general3A_86, %add3A_90 : vector<8192x64xf32>
    %max3A_92 = arith.constant 0.000000e+00 : f32
    %max3A_93 = vector.broadcast %max3A_92 : f32 to vector<8192x64xf32>
    %max3A_94 = arith.maximumf %add3A_91, %max3A_93 : vector<8192x64xf32>
    %convert_element_type3A_95 = arith.truncf %max3A_94 : vector<8192x64xf32> to vector<8192x64xbf16>
    %get3A_96 = arith.constant 0 : index
    %get3A_97 = arith.constant 0 : index
    %get3A_98 = vector.load %arg15[%get3A_96, %get3A_97] : memref<64x64xbf16, #tpu.memory_space<vmem>>, vector<64x64xbf16>
    %dot_general3A_99 = arith.constant dense<0.000000e+00> : vector<8192x64xf32>
    %dot_general3A_100 = tpu.matmul %convert_element_type3A_95, %get3A_98, %dot_general3A_99 {dimension_numbers = #tpu.dot_dimension_numbers<[1], [0], [0], [1], [0, 0, 1, 1], [], []>, transpose_lhs_hint = false} : vector<8192x64xbf16>, vector<64x64xbf16>, vector<8192x64xf32> -> vector<8192x64xf32>
    %get3A_101 = arith.constant 0 : index
    %get3A_102 = arith.constant 0 : index
    %get3A_103 = vector.load %arg16[%get3A_101, %get3A_102] : memref<1x64xf32, #tpu.memory_space<vmem>>, vector<1x64xf32>
    %add3A_104 = vector.broadcast %get3A_103 : vector<1x64xf32> to vector<8192x64xf32>
    %add3A_105 = arith.addf %dot_general3A_100, %add3A_104 : vector<8192x64xf32>
    %max3A_106 = arith.constant 0.000000e+00 : f32
    %max3A_107 = vector.broadcast %max3A_106 : f32 to vector<8192x64xf32>
    %max3A_108 = arith.maximumf %add3A_105, %max3A_107 : vector<8192x64xf32>
    %get3A_109 = arith.constant 0 : index
    %get3A_110 = arith.constant 0 : index
    %get3A_111 = vector.load %arg4[%get3A_109, %get3A_110] : memref<32x1xf32, #tpu.memory_space<vmem>>, vector<32x1xf32>
    %get3A_112 = arith.constant 0 : index
    %get3A_113 = arith.constant 0 : index
    %get3A_114 = vector.load %arg5[%get3A_112, %get3A_113] : memref<32x1xf32, #tpu.memory_space<vmem>>, vector<32x1xf32>
    %slice3A = vector.extract_strided_slice %get3A_4 {offsets = [0, 0], sizes = [32, 16], strides = [1, 1]} : vector<32x24xf32> to vector<32x16xf32>
    %slice3A_115 = vector.extract_strided_slice %get3A_4 {offsets = [0, 16], sizes = [32, 1], strides = [1, 1]} : vector<32x24xf32> to vector<32x1xf32>
    %get3A_116 = arith.constant 0 : index
    %get3A_117 = arith.constant 0 : index
    %get3A_118 = vector.load %arg3[%get3A_116, %get3A_117] : memref<32x1xf32, #tpu.memory_space<vmem>>, vector<32x1xf32>
    %concatenate3A = tpu.concatenate %get3A_111, %get3A_114, %slice3A, %slice3A_115, %get3A_118 in 1 : vector<32x1xf32>, vector<32x1xf32>, vector<32x16xf32>, vector<32x1xf32>, vector<32x1xf32> -> vector<32x20xf32>
    %get3A_119 = arith.constant 0 : index
    %get3A_120 = arith.constant 0 : index
    %get3A_121 = vector.load %arg21[%get3A_119, %get3A_120] : memref<20x128xf32, #tpu.memory_space<vmem>>, vector<20x128xf32>
    %dot_general3A_122 = arith.constant dense<0.000000e+00> : vector<32x128xf32>
    %dot_general3A_123 = tpu.matmul %concatenate3A, %get3A_121, %dot_general3A_122 {dimension_numbers = #tpu.dot_dimension_numbers<[1], [0], [0], [1], [0, 0, 1, 1], [], []>, transpose_lhs_hint = false} : vector<32x20xf32>, vector<20x128xf32>, vector<32x128xf32> -> vector<32x128xf32>
    %get3A_124 = arith.constant 0 : index
    %get3A_125 = arith.constant 0 : index
    %get3A_126 = vector.load %arg22[%get3A_124, %get3A_125] : memref<1x128xf32, #tpu.memory_space<vmem>>, vector<1x128xf32>
    %add3A_127 = vector.broadcast %get3A_126 : vector<1x128xf32> to vector<32x128xf32>
    %add3A_128 = arith.addf %dot_general3A_123, %add3A_127 : vector<32x128xf32>
    %get3A_129 = arith.constant 0 : index
    %get3A_130 = arith.constant 0 : index
    %get3A_131 = vector.load %arg20[%get3A_129, %get3A_130] : memref<20x128xf32, #tpu.memory_space<vmem>>, vector<20x128xf32>
    %dot_general3A_132 = arith.constant dense<0.000000e+00> : vector<32x128xf32>
    %dot_general3A_133 = tpu.matmul %concatenate3A, %get3A_131, %dot_general3A_132 {dimension_numbers = #tpu.dot_dimension_numbers<[1], [0], [0], [1], [0, 0, 1, 1], [], []>, transpose_lhs_hint = false} : vector<32x20xf32>, vector<20x128xf32>, vector<32x128xf32> -> vector<32x128xf32>
    %get3A_134 = arith.constant 0 : index
    %get3A_135 = arith.constant 0 : index
    %get3A_136 = vector.load %arg19[%get3A_134, %get3A_135] : memref<1x256xf32, #tpu.memory_space<vmem>>, vector<1x256xf32>
    %concatenate3A_137 = tpu.concatenate %dot_general3A_133, %dot_general3A_133 in 1 : vector<32x128xf32>, vector<32x128xf32> -> vector<32x256xf32>
    %add3A_138 = vector.broadcast %get3A_136 : vector<1x256xf32> to vector<32x256xf32>
    %add3A_139 = arith.addf %add3A_138, %concatenate3A_137 : vector<32x256xf32>
    %get3A_140 = arith.constant 0 : index
    %get3A_141 = arith.constant 0 : index
    %get3A_142 = vector.load %arg17[%get3A_140, %get3A_141] : memref<24x256xbf16, #tpu.memory_space<vmem>>, vector<24x256xbf16>
    %dot_general3A_143 = arith.constant dense<0.000000e+00> : vector<8192x256xf32>
    %dot_general3A_144 = tpu.matmul %convert_element_type3A, %get3A_142, %dot_general3A_143 {dimension_numbers = #tpu.dot_dimension_numbers<[0], [0], [1], [1], [0, 1, 1, 1], [], []>, transpose_lhs_hint = false} : vector<24x8192xbf16>, vector<24x256xbf16>, vector<8192x256xf32> -> vector<8192x256xf32>
    %convert_element_type3A_145 = arith.truncf %max3A_108 : vector<8192x64xf32> to vector<8192x64xbf16>
    %get3A_146 = arith.constant 0 : index
    %get3A_147 = arith.constant 0 : index
    %get3A_148 = vector.load %arg18[%get3A_146, %get3A_147] : memref<64x256xbf16, #tpu.memory_space<vmem>>, vector<64x256xbf16>
    %dot_general3A_149 = arith.constant dense<0.000000e+00> : vector<8192x256xf32>
    %dot_general3A_150 = tpu.matmul %convert_element_type3A_145, %get3A_148, %dot_general3A_149 {dimension_numbers = #tpu.dot_dimension_numbers<[1], [0], [0], [1], [0, 0, 1, 1], [], []>, transpose_lhs_hint = false} : vector<8192x64xbf16>, vector<64x256xbf16>, vector<8192x256xf32> -> vector<8192x256xf32>
    %add3A_151 = arith.addf %dot_general3A_144, %dot_general3A_150 : vector<8192x256xf32>
    %reshape3A_152 = vector.shape_cast %add3A_151 : vector<8192x256xf32> to vector<32x256x256xf32>
    %broadcast_in_dim3A_153 = vector.shape_cast %add3A_139 : vector<32x256xf32> to vector<32x1x256xf32>
    %add3A_154 = vector.broadcast %broadcast_in_dim3A_153 : vector<32x1x256xf32> to vector<32x256x256xf32>
    %add3A_155 = arith.addf %reshape3A_152, %add3A_154 : vector<32x256x256xf32>
    %slice3A_156 = vector.extract_strided_slice %add3A_155 {offsets = [0, 0, 128], sizes = [32, 256, 128], strides = [1, 1, 1]} : vector<32x256x256xf32> to vector<32x256x128xf32>
    %slice3A_157 = vector.extract_strided_slice %add3A_155 {offsets = [0, 0, 0], sizes = [32, 256, 128], strides = [1, 1, 1]} : vector<32x256x256xf32> to vector<32x256x128xf32>
    %broadcast_in_dim3A_158 = vector.shape_cast %add3A_128 : vector<32x128xf32> to vector<32x1x128xf32>
    %mul3A_159 = vector.broadcast %broadcast_in_dim3A_158 : vector<32x1x128xf32> to vector<32x256x128xf32>
    %mul3A_160 = arith.mulf %slice3A_157, %mul3A_159 : vector<32x256x128xf32>
    %slice3A_161 = vector.extract_strided_slice %mul3A_160 {offsets = [0, 0, 0], sizes = [32, 256, 64], strides = [1, 1, 1]} : vector<32x256x128xf32> to vector<32x256x64xf32>
    %reduce_sum3A = arith.constant dense<0.000000e+00> : vector<32x256xf32>
    %reduce_sum3A_162 = vector.multi_reduction <add>, %slice3A_161, %reduce_sum3A [2] : vector<32x256x64xf32> to vector<32x256xf32>
    %mul3A_163 = arith.constant 1.250000e-01 : f32
    %mul3A_164 = vector.broadcast %mul3A_163 : f32 to vector<32x256xf32>
    %mul3A_165 = arith.mulf %reduce_sum3A_162, %mul3A_164 : vector<32x256xf32>
    %slice3A_166 = vector.extract_strided_slice %mul3A_160 {offsets = [0, 0, 64], sizes = [32, 256, 64], strides = [1, 1, 1]} : vector<32x256x128xf32> to vector<32x256x64xf32>
    %reduce_sum3A_167 = arith.constant dense<0.000000e+00> : vector<32x256xf32>
    %reduce_sum3A_168 = vector.multi_reduction <add>, %slice3A_166, %reduce_sum3A_167 [2] : vector<32x256x64xf32> to vector<32x256xf32>
    %mul3A_169 = arith.constant 1.250000e-01 : f32
    %mul3A_170 = vector.broadcast %mul3A_169 : f32 to vector<32x256xf32>
    %mul3A_171 = arith.mulf %reduce_sum3A_168, %mul3A_170 : vector<32x256xf32>
    %get3A_172 = arith.constant 0 : index
    %get3A_173 = arith.constant 0 : index
    %get3A_174 = vector.load %arg3[%get3A_172, %get3A_173] : memref<32x1xf32, #tpu.memory_space<vmem>>, vector<32x1xf32>
    %iota3A = tpu.iota {dimensions = array<i32: 1>} : vector<32x256xi32>
    %convert_element_type3A_175 = arith.sitofp %iota3A : vector<32x256xi32> to vector<32x256xf32>
    %min3A = arith.constant 2.560000e+02 : f32
    %min3A_176 = vector.broadcast %min3A : f32 to vector<32x1xf32>
    %min3A_177 = arith.minimumf %get3A_174, %min3A_176 : vector<32x1xf32>
    %lt3A = vector.broadcast %min3A_177 : vector<32x1xf32> to vector<32x256xf32>
    %lt3A_178 = arith.cmpf olt, %convert_element_type3A_175, %lt3A : vector<32x256xf32>
    %jit3A = arith.constant -1.000000e+30 : f32
    %broadcast_in_dim3A_179 = vector.broadcast %jit3A : f32 to vector<32x256xf32>
    %select_n3A = arith.select %lt3A_178, %mul3A_165, %broadcast_in_dim3A_179 : vector<32x256xi1>, vector<32x256xf32>
    %reduce_max3A = arith.constant dense<0xFF800000> : vector<32xf32>
    %reduce_max3A_180 = vector.multi_reduction <maximumf>, %select_n3A, %reduce_max3A [1] : vector<32x256xf32> to vector<32xf32>
    %broadcast_in_dim3A_181 = vector.shape_cast %reduce_max3A_180 : vector<32xf32> to vector<32x1xf32>
    %gt3A = arith.constant 0.000000e+00 : f32
    %gt3A_182 = vector.broadcast %gt3A : f32 to vector<32x1xf32>
    %gt3A_183 = arith.cmpf ogt, %get3A_174, %gt3A_182 : vector<32x1xf32>
    %jit3A_184 = arith.constant 0.000000e+00 : f32
    %broadcast_in_dim3A_185 = vector.broadcast %jit3A_184 : f32 to vector<32x1xf32>
    %select_n3A_186 = arith.select %gt3A_183, %broadcast_in_dim3A_181, %broadcast_in_dim3A_185 : vector<32x1xi1>, vector<32x1xf32>
    %sub3A_187 = vector.broadcast %select_n3A_186 : vector<32x1xf32> to vector<32x256xf32>
    %sub3A_188 = arith.subf %select_n3A, %sub3A_187 : vector<32x256xf32>
    %exp3A = math.exp %sub3A_188 : vector<32x256xf32>
    %jit3A_189 = arith.constant 0.000000e+00 : f32
    %broadcast_in_dim3A_190 = vector.broadcast %jit3A_189 : f32 to vector<32x256xf32>
    %select_n3A_191 = arith.select %lt3A_178, %exp3A, %broadcast_in_dim3A_190 : vector<32x256xi1>, vector<32x256xf32>
    %reduce_sum3A_192 = arith.constant dense<0.000000e+00> : vector<32xf32>
    %reduce_sum3A_193 = vector.multi_reduction <add>, %select_n3A_191, %reduce_sum3A_192 [1] : vector<32x256xf32> to vector<32xf32>
    %broadcast_in_dim3A_194 = vector.shape_cast %reduce_sum3A_193 : vector<32xf32> to vector<32x1xf32>
    %add3A_195 = arith.constant 1.000000e-16 : f32
    %add3A_196 = vector.broadcast %add3A_195 : f32 to vector<32x1xf32>
    %add3A_197 = arith.addf %broadcast_in_dim3A_194, %add3A_196 : vector<32x1xf32>
    %div3A = arith.constant 1.000000e+00 : f32
    %div3A_198 = vector.broadcast %div3A : f32 to vector<32x1xf32>
    %div3A_199 = arith.divf %div3A_198, %add3A_197 : vector<32x1xf32>
    %broadcast_in_dim3A_200 = vector.shape_cast %select_n3A_191 : vector<32x256xf32> to vector<32x256x1xf32>
    %broadcast_in_dim3A_201 = vector.broadcast %broadcast_in_dim3A_200 : vector<32x256x1xf32> to vector<32x256x64xf32>
    %slice3A_202 = vector.extract_strided_slice %slice3A_156 {offsets = [0, 0, 0], sizes = [32, 256, 64], strides = [1, 1, 1]} : vector<32x256x128xf32> to vector<32x256x64xf32>
    %mul3A_203 = arith.mulf %slice3A_202, %broadcast_in_dim3A_201 : vector<32x256x64xf32>
    %reduce_sum3A_204 = arith.constant dense<0.000000e+00> : vector<32x64xf32>
    %reduce_sum3A_205 = vector.multi_reduction <add>, %mul3A_203, %reduce_sum3A_204 [1] : vector<32x256x64xf32> to vector<32x64xf32>
    %mul3A_206 = vector.broadcast %div3A_199 : vector<32x1xf32> to vector<32x64xf32>
    %mul3A_207 = arith.mulf %reduce_sum3A_205, %mul3A_206 : vector<32x64xf32>
    %jit3A_208 = arith.constant -1.000000e+30 : f32
    %broadcast_in_dim3A_209 = vector.broadcast %jit3A_208 : f32 to vector<32x256xf32>
    %select_n3A_210 = arith.select %lt3A_178, %mul3A_171, %broadcast_in_dim3A_209 : vector<32x256xi1>, vector<32x256xf32>
    %reduce_max3A_211 = arith.constant dense<0xFF800000> : vector<32xf32>
    %reduce_max3A_212 = vector.multi_reduction <maximumf>, %select_n3A_210, %reduce_max3A_211 [1] : vector<32x256xf32> to vector<32xf32>
    %broadcast_in_dim3A_213 = vector.shape_cast %reduce_max3A_212 : vector<32xf32> to vector<32x1xf32>
    %gt3A_214 = arith.constant 0.000000e+00 : f32
    %gt3A_215 = vector.broadcast %gt3A_214 : f32 to vector<32x1xf32>
    %gt3A_216 = arith.cmpf ogt, %get3A_174, %gt3A_215 : vector<32x1xf32>
    %jit3A_217 = arith.constant 0.000000e+00 : f32
    %broadcast_in_dim3A_218 = vector.broadcast %jit3A_217 : f32 to vector<32x1xf32>
    %select_n3A_219 = arith.select %gt3A_216, %broadcast_in_dim3A_213, %broadcast_in_dim3A_218 : vector<32x1xi1>, vector<32x1xf32>
    %sub3A_220 = vector.broadcast %select_n3A_219 : vector<32x1xf32> to vector<32x256xf32>
    %sub3A_221 = arith.subf %select_n3A_210, %sub3A_220 : vector<32x256xf32>
    %exp3A_222 = math.exp %sub3A_221 : vector<32x256xf32>
    %jit3A_223 = arith.constant 0.000000e+00 : f32
    %broadcast_in_dim3A_224 = vector.broadcast %jit3A_223 : f32 to vector<32x256xf32>
    %select_n3A_225 = arith.select %lt3A_178, %exp3A_222, %broadcast_in_dim3A_224 : vector<32x256xi1>, vector<32x256xf32>
    %reduce_sum3A_226 = arith.constant dense<0.000000e+00> : vector<32xf32>
    %reduce_sum3A_227 = vector.multi_reduction <add>, %select_n3A_225, %reduce_sum3A_226 [1] : vector<32x256xf32> to vector<32xf32>
    %broadcast_in_dim3A_228 = vector.shape_cast %reduce_sum3A_227 : vector<32xf32> to vector<32x1xf32>
    %add3A_229 = arith.constant 1.000000e-16 : f32
    %add3A_230 = vector.broadcast %add3A_229 : f32 to vector<32x1xf32>
    %add3A_231 = arith.addf %broadcast_in_dim3A_228, %add3A_230 : vector<32x1xf32>
    %div3A_232 = arith.constant 1.000000e+00 : f32
    %div3A_233 = vector.broadcast %div3A_232 : f32 to vector<32x1xf32>
    %div3A_234 = arith.divf %div3A_233, %add3A_231 : vector<32x1xf32>
    %broadcast_in_dim3A_235 = vector.shape_cast %select_n3A_225 : vector<32x256xf32> to vector<32x256x1xf32>
    %broadcast_in_dim3A_236 = vector.broadcast %broadcast_in_dim3A_235 : vector<32x256x1xf32> to vector<32x256x64xf32>
    %slice3A_237 = vector.extract_strided_slice %slice3A_156 {offsets = [0, 0, 64], sizes = [32, 256, 64], strides = [1, 1, 1]} : vector<32x256x128xf32> to vector<32x256x64xf32>
    %mul3A_238 = arith.mulf %slice3A_237, %broadcast_in_dim3A_236 : vector<32x256x64xf32>
    %reduce_sum3A_239 = arith.constant dense<0.000000e+00> : vector<32x64xf32>
    %reduce_sum3A_240 = vector.multi_reduction <add>, %mul3A_238, %reduce_sum3A_239 [1] : vector<32x256x64xf32> to vector<32x64xf32>
    %mul3A_241 = vector.broadcast %div3A_234 : vector<32x1xf32> to vector<32x64xf32>
    %mul3A_242 = arith.mulf %reduce_sum3A_240, %mul3A_241 : vector<32x64xf32>
    %add3A_243 = arith.addf %mul3A_207, %mul3A_242 : vector<32x64xf32>
    %mul3A_244 = arith.constant 5.000000e-01 : f32
    %mul3A_245 = vector.broadcast %mul3A_244 : f32 to vector<32x64xf32>
    %mul3A_246 = arith.mulf %add3A_243, %mul3A_245 : vector<32x64xf32>
    %get3A_247 = arith.constant 0 : index
    %get3A_248 = arith.constant 0 : index
    %get3A_249 = vector.load %arg23[%get3A_247, %get3A_248] : memref<20x64xf32, #tpu.memory_space<vmem>>, vector<20x64xf32>
    %dot_general3A_250 = arith.constant dense<0.000000e+00> : vector<32x64xf32>
    %dot_general3A_251 = tpu.matmul %concatenate3A, %get3A_249, %dot_general3A_250 {dimension_numbers = #tpu.dot_dimension_numbers<[1], [0], [0], [1], [0, 0, 1, 1], [], []>, transpose_lhs_hint = false} : vector<32x20xf32>, vector<20x64xf32>, vector<32x64xf32> -> vector<32x64xf32>
    %add3A_252 = arith.addf %mul3A_246, %dot_general3A_251 : vector<32x64xf32>
    %get3A_253 = arith.constant 0 : index
    %get3A_254 = arith.constant 0 : index
    %get3A_255 = vector.load %arg24[%get3A_253, %get3A_254] : memref<1x64xf32, #tpu.memory_space<vmem>>, vector<1x64xf32>
    %add3A_256 = vector.broadcast %get3A_255 : vector<1x64xf32> to vector<32x64xf32>
    %add3A_257 = arith.addf %add3A_252, %add3A_256 : vector<32x64xf32>
    %get3A_258 = arith.constant 0 : index
    %get3A_259 = arith.constant 0 : index
    %get3A_260 = vector.load %arg25[%get3A_258, %get3A_259] : memref<64x64xf32, #tpu.memory_space<vmem>>, vector<64x64xf32>
    %dot_general3A_261 = arith.constant dense<0.000000e+00> : vector<32x64xf32>
    %dot_general3A_262 = tpu.matmul %add3A_257, %get3A_260, %dot_general3A_261 {dimension_numbers = #tpu.dot_dimension_numbers<[1], [0], [0], [1], [0, 0, 1, 1], [], []>, transpose_lhs_hint = false} : vector<32x64xf32>, vector<64x64xf32>, vector<32x64xf32> -> vector<32x64xf32>
    %get3A_263 = arith.constant 0 : index
    %get3A_264 = arith.constant 0 : index
    %get3A_265 = vector.load %arg26[%get3A_263, %get3A_264] : memref<1x64xf32, #tpu.memory_space<vmem>>, vector<1x64xf32>
    %add3A_266 = vector.broadcast %get3A_265 : vector<1x64xf32> to vector<32x64xf32>
    %add3A_267 = arith.addf %dot_general3A_262, %add3A_266 : vector<32x64xf32>
    %max3A_268 = arith.constant 0.000000e+00 : f32
    %max3A_269 = vector.broadcast %max3A_268 : f32 to vector<32x64xf32>
    %max3A_270 = arith.maximumf %add3A_267, %max3A_269 : vector<32x64xf32>
    %get3A_271 = arith.constant 0 : index
    %get3A_272 = arith.constant 0 : index
    %get3A_273 = vector.load %arg27[%get3A_271, %get3A_272] : memref<64x64xf32, #tpu.memory_space<vmem>>, vector<64x64xf32>
    %dot_general3A_274 = arith.constant dense<0.000000e+00> : vector<32x64xf32>
    %dot_general3A_275 = tpu.matmul %max3A_270, %get3A_273, %dot_general3A_274 {dimension_numbers = #tpu.dot_dimension_numbers<[1], [0], [0], [1], [0, 0, 1, 1], [], []>, transpose_lhs_hint = false} : vector<32x64xf32>, vector<64x64xf32>, vector<32x64xf32> -> vector<32x64xf32>
    %get3A_276 = arith.constant 0 : index
    %get3A_277 = arith.constant 0 : index
    %get3A_278 = vector.load %arg28[%get3A_276, %get3A_277] : memref<1x64xf32, #tpu.memory_space<vmem>>, vector<1x64xf32>
    %add3A_279 = vector.broadcast %get3A_278 : vector<1x64xf32> to vector<32x64xf32>
    %add3A_280 = arith.addf %dot_general3A_275, %add3A_279 : vector<32x64xf32>
    %max3A_281 = arith.constant 0.000000e+00 : f32
    %max3A_282 = vector.broadcast %max3A_281 : f32 to vector<32x64xf32>
    %max3A_283 = arith.maximumf %add3A_280, %max3A_282 : vector<32x64xf32>
    %get3A_284 = arith.constant 0 : index
    %get3A_285 = arith.constant 0 : index
    %get3A_286 = vector.load %arg29[%get3A_284, %get3A_285] : memref<64x32xf32, #tpu.memory_space<vmem>>, vector<64x32xf32>
    %dot_general3A_287 = arith.constant dense<0.000000e+00> : vector<32x32xf32>
    %dot_general3A_288 = tpu.matmul %max3A_283, %get3A_286, %dot_general3A_287 {dimension_numbers = #tpu.dot_dimension_numbers<[1], [0], [0], [1], [0, 0, 1, 1], [], []>, transpose_lhs_hint = false} : vector<32x64xf32>, vector<64x32xf32>, vector<32x32xf32> -> vector<32x32xf32>
    %get3A_289 = arith.constant 0 : index
    %get3A_290 = arith.constant 0 : index
    %get3A_291 = vector.load %arg30[%get3A_289, %get3A_290] : memref<1x32xf32, #tpu.memory_space<vmem>>, vector<1x32xf32>
    %add3A_292 = vector.broadcast %get3A_291 : vector<1x32xf32> to vector<32x32xf32>
    %add3A_293 = arith.addf %dot_general3A_288, %add3A_292 : vector<32x32xf32>
    %swap3A = arith.constant 0 : index
    %swap3A_294 = arith.constant 0 : index
    %swap3A_295 = vector.load %arg31[%swap3A, %swap3A_294] : memref<32x32xf32, #tpu.memory_space<vmem>>, vector<32x32xf32>
    tpu.vector_store %arg31[%swap3A, %swap3A_294], %add3A_293 {strides = array<i32>} : memref<32x32xf32, #tpu.memory_space<vmem>>, vector<32x32xf32>,
    return
  }
  func.func @transform_0(%arg0: i32) -> (i32, i32) {
    %c0_i32 = arith.constant 0 : i32
    %c0_i32_0 = arith.constant 0 : i32
    return %c0_i32, %arg0 : i32, i32
  }
  func.func @transform_1(%arg0: i32) -> (i32, i32) {
    %c0_i32 = arith.constant 0 : i32
    %c0_i32_0 = arith.constant 0 : i32
    return %arg0, %c0_i32 : i32, i32
  }
  func.func @transform_2(%arg0: i32) -> (i32, i32) {
    %c0_i32 = arith.constant 0 : i32
    %c0_i32_0 = arith.constant 0 : i32
    return %arg0, %c0_i32 : i32, i32
  }
  func.func @transform_3(%arg0: i32) -> (i32, i32) {
    %c0_i32 = arith.constant 0 : i32
    %c0_i32_0 = arith.constant 0 : i32
    return %arg0, %c0_i32 : i32, i32
  }
  func.func @transform_4(%arg0: i32) -> (i32, i32) {
    %c0_i32 = arith.constant 0 : i32
    %c0_i32_0 = arith.constant 0 : i32
    return %arg0, %c0_i32 : i32, i32
  }
  func.func @transform_5(%arg0: i32) -> (i32, i32) {
    %c0_i32 = arith.constant 0 : i32
    %c0_i32_0 = arith.constant 0 : i32
    return %arg0, %c0_i32 : i32, i32
  }
  func.func @transform_6(%arg0: i32) -> (i32, i32) {
    %c0_i32 = arith.constant 0 : i32
    %c0_i32_0 = arith.constant 0 : i32
    return %arg0, %c0_i32 : i32, i32
  }
  func.func @transform_7(%arg0: i32) -> (i32, i32) {
    %c0_i32 = arith.constant 0 : i32
    %c0_i32_0 = arith.constant 0 : i32
    return %arg0, %c0_i32 : i32, i32
  }
  func.func @transform_8(%arg0: i32) -> (i32, i32) {
    %c0_i32 = arith.constant 0 : i32
    %c0_i32_0 = arith.constant 0 : i32
    %c0_i32_1 = arith.constant 0 : i32
    return %c0_i32, %c0_i32_0 : i32, i32
  }
  func.func @transform_9(%arg0: i32) -> (i32, i32) {
    %c0_i32 = arith.constant 0 : i32
    %c0_i32_0 = arith.constant 0 : i32
    %c0_i32_1 = arith.constant 0 : i32
    return %c0_i32, %c0_i32_0 : i32, i32
  }
  func.func @transform_10(%arg0: i32) -> (i32, i32) {
    %c0_i32 = arith.constant 0 : i32
    %c0_i32_0 = arith.constant 0 : i32
    %c0_i32_1 = arith.constant 0 : i32
    return %c0_i32, %c0_i32_0 : i32, i32
  }
  func.func @transform_11(%arg0: i32) -> (i32, i32) {
    %c0_i32 = arith.constant 0 : i32
    %c0_i32_0 = arith.constant 0 : i32
    %c0_i32_1 = arith.constant 0 : i32
    return %c0_i32, %c0_i32_0 : i32, i32
  }
  func.func @transform_12(%arg0: i32) -> (i32, i32) {
    %c0_i32 = arith.constant 0 : i32
    %c0_i32_0 = arith.constant 0 : i32
    %c0_i32_1 = arith.constant 0 : i32
    return %c0_i32, %c0_i32_0 : i32, i32
  }
  func.func @transform_13(%arg0: i32) -> (i32, i32) {
    %c0_i32 = arith.constant 0 : i32
    %c0_i32_0 = arith.constant 0 : i32
    %c0_i32_1 = arith.constant 0 : i32
    return %c0_i32, %c0_i32_0 : i32, i32
  }
  func.func @transform_14(%arg0: i32) -> (i32, i32) {
    %c0_i32 = arith.constant 0 : i32
    %c0_i32_0 = arith.constant 0 : i32
    %c0_i32_1 = arith.constant 0 : i32
    return %c0_i32, %c0_i32_0 : i32, i32
  }
  func.func @transform_15(%arg0: i32) -> (i32, i32) {
    %c0_i32 = arith.constant 0 : i32
    %c0_i32_0 = arith.constant 0 : i32
    %c0_i32_1 = arith.constant 0 : i32
    return %c0_i32, %c0_i32_0 : i32, i32
  }
  func.func @transform_16(%arg0: i32) -> (i32, i32) {
    %c0_i32 = arith.constant 0 : i32
    %c0_i32_0 = arith.constant 0 : i32
    %c0_i32_1 = arith.constant 0 : i32
    return %c0_i32, %c0_i32_0 : i32, i32
  }
  func.func @transform_17(%arg0: i32) -> (i32, i32) {
    %c0_i32 = arith.constant 0 : i32
    %c0_i32_0 = arith.constant 0 : i32
    %c0_i32_1 = arith.constant 0 : i32
    return %c0_i32, %c0_i32_0 : i32, i32
  }
  func.func @transform_18(%arg0: i32) -> (i32, i32) {
    %c0_i32 = arith.constant 0 : i32
    %c0_i32_0 = arith.constant 0 : i32
    %c0_i32_1 = arith.constant 0 : i32
    return %c0_i32, %c0_i32_0 : i32, i32
  }
  func.func @transform_19(%arg0: i32) -> (i32, i32) {
    %c0_i32 = arith.constant 0 : i32
    %c0_i32_0 = arith.constant 0 : i32
    %c0_i32_1 = arith.constant 0 : i32
    return %c0_i32, %c0_i32_0 : i32, i32
  }
  func.func @transform_20(%arg0: i32) -> (i32, i32) {
    %c0_i32 = arith.constant 0 : i32
    %c0_i32_0 = arith.constant 0 : i32
    %c0_i32_1 = arith.constant 0 : i32
    return %c0_i32, %c0_i32_0 : i32, i32
  }
  func.func @transform_21(%arg0: i32) -> (i32, i32) {
    %c0_i32 = arith.constant 0 : i32
    %c0_i32_0 = arith.constant 0 : i32
    %c0_i32_1 = arith.constant 0 : i32
    return %c0_i32, %c0_i32_0 : i32, i32
  }
  func.func @transform_22(%arg0: i32) -> (i32, i32) {
    %c0_i32 = arith.constant 0 : i32
    %c0_i32_0 = arith.constant 0 : i32
    %c0_i32_1 = arith.constant 0 : i32
    return %c0_i32, %c0_i32_0 : i32, i32
  }
  func.func @transform_23(%arg0: i32) -> (i32, i32) {
    %c0_i32 = arith.constant 0 : i32
    %c0_i32_0 = arith.constant 0 : i32
    %c0_i32_1 = arith.constant 0 : i32
    return %c0_i32, %c0_i32_0 : i32, i32
  }
  func.func @transform_24(%arg0: i32) -> (i32, i32) {
    %c0_i32 = arith.constant 0 : i32
    %c0_i32_0 = arith.constant 0 : i32
    %c0_i32_1 = arith.constant 0 : i32
    return %c0_i32, %c0_i32_0 : i32, i32
  }
  func.func @transform_25(%arg0: i32) -> (i32, i32) {
    %c0_i32 = arith.constant 0 : i32
    %c0_i32_0 = arith.constant 0 : i32
    %c0_i32_1 = arith.constant 0 : i32
    return %c0_i32, %c0_i32_0 : i32, i32
  }
  func.func @transform_26(%arg0: i32) -> (i32, i32) {
    %c0_i32 = arith.constant 0 : i32
    %c0_i32_0 = arith.constant 0 : i32
    %c0_i32_1 = arith.constant 0 : i32
    return %c0_i32, %c0_i32_0 : i32, i32
  }
  func.func @transform_27(%arg0: i32) -> (i32, i32) {
    %c0_i32 = arith.constant 0 : i32
    %c0_i32_0 = arith.constant 0 : i32
    %c0_i32_1 = arith.constant 0 : i32
    return %c0_i32, %c0_i32_0 : i32, i32
  }
  func.func @transform_28(%arg0: i32) -> (i32, i32) {
    %c0_i32 = arith.constant 0 : i32
    %c0_i32_0 = arith.constant 0 : i32
    %c0_i32_1 = arith.constant 0 : i32
    return %c0_i32, %c0_i32_0 : i32, i32
  }
  func.func @transform_29(%arg0: i32) -> (i32, i32) {
    %c0_i32 = arith.constant 0 : i32
    %c0_i32_0 = arith.constant 0 : i32
    %c0_i32_1 = arith.constant 0 : i32
    return %c0_i32, %c0_i32_0 : i32, i32
  }
  func.func @transform_30(%arg0: i32) -> (i32, i32) {
    %c0_i32 = arith.constant 0 : i32
    %c0_i32_0 = arith.constant 0 : i32
    return %arg0, %c0_i32 : i32, i32
  }
}

</mosaic_0001>

<sc_bundles>
// kernel: kernel.6.cloned.1.call-start
scs
__scs_entry_jumppad:
0x0: {  	(pc) =	sbr.rel $0x88, $3  }
0x1: {  	(tag) =	ssettag $0x0;
	lr =	simm.s32 $0x1  }
0x2: {  	[smem:$0x3F88] =	sst lr;
	_ =	strace $0xD0000000  }
0x3: {  	_ = 	snop  }
0x4: {  	_ = 	snop  }
0x5: {  	_ = 	snop  }
0x6: {  	_ = 	snop  }
0x7: {  	_ = 	snop  }
__scs_overlays_trampoline_lowered:
0x8: {  	[smem:$0x3F97] =	sst s0  }
0x9: {  	[smem:$0x3F98] =	sst s1  }
0xa: {  	[smem:$0x3F99] =	sst s2  }
0xb: {  	[smem:$0x3F9A] =	sst s3  }
0xc: {  	[smem:$0x3F9B] =	sst s4  }
0xd: {  	[smem:$0x3F9C] =	sst s5  }
0xe: {  	[smem:$0x3F9D] =	sst s6  }
0xf: {  	[smem:$0x3F9E] =	sst s7  }
0x10: {  	[smem:$0x3F9F] =	sst s8  }
0x11: {  	[smem:$0x3FA0] =	sst s9;
	s0 =	simm.s32 @!p0 $0x0  }
0x12: {  	s1 =	sld [smem:$0x3F86];
	s0 =	simm.s32 @p0 $0x1  }
0x13: {  	[smem:$0x3FA1] =	sst s0;
	s0 =	simm.s32 @!p1 $0x0  }
0x14: {  	s2 =	sld [smem:$0x3F85];
	s0 =	simm.s32 @p1 $0x1  }
0x15: {  	[smem:$0x3FA2] =	sst s0;
	s0 =	simm.s32 @!p2 $0x0  }
0x16: {  	s3 =	sld [smem:$0x3FDB];
	s0 =	simm.s32 @p2 $0x1  }
0x17: {  	s4 =	simm.s32 $0x1BF5;
	[smem:$0x3FA4] =	sst s0  }
0x18: {  	s0 =	sld [smem:$0x3F87];
	_ =	swait.ge [sflag:s4], $0x0  }
0x19: {  	s7 =	sld [smem:$0x3F88]  }
0x1a: {  	s8 =	sadd.s32 $0xFFFFE003, lr  }
0x1b: {  	s9 =	sadd.s32 $0xFFFFFEF7, lr;
	s5 =	simm.s32 $0xFFFFFFFF;
	p2 =	slt.u32 s8, $0xFFFFF086  }
0x1c: {  	p1 =	slt.u32 s9, $0xF7A;
	s5 =	simm.s32 @!p2 $0x0  }
0x1d: {  	s5 =	simm.s32 @p1 $0x1;
	p0 =	seq.s32 s7, s2  }
0x1e: {  	s7 =	smul.u32 @!p0 $0xF7A, s2;
	p2 =	seq.s32 @!p0 s5, $0x0  }
0x1f: {  	s9 =	smul.u32 $0xF7A, s1;
	s8 =	simm.s32 @!p0 $0x1BF5;
	p2 =	por !p2, p0  }
0x20: {  	[sflag:s8] =	ssyncset.s32 @!p0 $0xFFFFF086;
	s6 =	sadd.s32 @!p0 s3, s7;
	s7 =	simm.s32 @!p0 $0x108  }
0x21: {  	s3 =	sadd.s32 s3, s9;
	s6 =	sadd.s32 @!p0 $0x88, s6;
	s7 =	simm.s32 @p2 $0x1082  }
0x22: {  	[simem:s7], [sflag:s8] =	dma.local @!p0 [hbm:s6], $0xF7A  }
0x23: {  	s9 =	sor.u32 $0xD0000000, s2;
	s6 =	simm.s32 $0x108;
	_ =	swait.ge @!p0 [sflag:s8], $0x0  }
0x24: {  	s3 =	sadd.s32 $0x88, s3;
	s6 =	simm.s32 @!p1 $0x1082;
	[sflag:s4] =	ssyncset.s32 $0xFFFFF086  }
0x25: {  	[simem:s6], [sflag:s4] =	dma.local [hbm:s3], $0xF7A  }
0x26: {  	[smem:$0x3F88] =	sst s1;
	(tag) =	ssettag s2;
	_ =	strace s9  }
0x27: {  	s1 =	sld [smem:$0x3F98]  }
0x28: {  	s2 =	sld [smem:$0x3F99]  }
0x29: {  	s4 =	sld [smem:$0x3F9B]  }
0x2a: {  	p0 =	seq.s32 s5, $0x0;
	s5 =	sld [smem:$0x3F9C]  }
0x2b: {  	s6 =	sld [smem:$0x3F9D]  }
0x2c: {  	s7 =	sld [smem:$0x3F9E]  }
0x2d: {  	s3 =	simm.s32 $0x108;
	s8 =	sld [smem:$0x3F9F]  }
0x2e: {  	s3 =	simm.s32 @!p0 $0x1082;
	s9 =	sld [smem:$0x3FA0]  }
0x2f: {  	lr =	sadd.s32 s0, s3;
	s0 =	sld [smem:$0x3F97]  }
0x30: {  	s3 =	sld [smem:$0x3F9A]  }
0x31: {  	[smem:$0x3FA3] =	sst s10  }
0x32: {  	s10 =	sld [smem:$0x3FA1];
	_ =	sdelay $0x3  }
0x33: {  	p0 =	seq.s32 s10, $0x1;
	s10 =	sld [smem:$0x3FA3];
	_ =	sdelay $0x3  }
0x34: {  	[smem:$0x3FA3] =	sst s10  }
0x35: {  	s10 =	sld [smem:$0x3FA2];
	_ =	sdelay $0x3  }
0x36: {  	p1 =	seq.s32 s10, $0x1;
	s10 =	sld [smem:$0x3FA3];
	_ =	sdelay $0x3  }
0x37: {  	[smem:$0x3FA3] =	sst s10  }
0x38: {  	s10 =	sld [smem:$0x3FA4]  }
0x39: {  	_ = 	snop;
	(pc) =	sbr.ind lr, $3  }
0x3a: {  	_ = 	snop  }
0x3b: {  	_ = 	snop  }
0x3c: {  	p2 =	seq.s32 s10, $0x1;
	s10 =	sld [smem:$0x3FA3]  }
0x3d: {  	_ =	shalt  }
0x3e: {  	_ =	shalt  }
0x3f: {  	_ =	shalt  }
0x40: {  	_ =	shalt  }
0x41: {  	_ =	shalt  }
0x42: {  	_ =	shalt  }
0x43: {  	_ =	shalt  }
0x44: {  	_ =	shalt  }
0x45: {  	_ =	shalt  }
0x46: {  	_ =	shalt  }
0x47: {  	_ =	shalt  }
0x48: {  	_ =	shalt  }
0x49: {  	_ =	shalt  }
0x4a: {  	_ =	shalt  }
0x4b: {  	_ =	shalt  }
0x4c: {  	_ =	shalt  }
0x4d: {  	_ =	shalt  }
0x4e: {  	_ =	shalt  }
0x4f: {  	_ =	shalt  }
0x50: {  	_ =	shalt  }
0x51: {  	_ =	shalt  }
0x52: {  	_ =	shalt  }
0x53: {  	_ =	shalt  }
0x54: {  	_ =	shalt  }
0x55: {  	_ =	shalt  }
0x56: {  	_ =	shalt  }
0x57: {  	_ =	shalt  }
0x58: {  	_ =	shalt  }
0x59: {  	_ =	shalt  }
0x5a: {  	_ =	shalt  }
0x5b: {  	_ =	shalt  }
0x5c: {  	_ =	shalt  }
0x5d: {  	_ =	shalt  }
0x5e: {  	_ =	shalt  }
0x5f: {  	_ =	shalt  }
0x60: {  	_ =	shalt  }
0x61: {  	_ =	shalt  }
0x62: {  	_ =	shalt  }
0x63: {  	_ =	shalt  }
0x64: {  	_ =	shalt  }
0x65: {  	_ =	shalt  }
0x66: {  	_ =	shalt  }
0x67: {  	_ =	shalt  }
0x68: {  	_ =	shalt  }
0x69: {  	_ =	shalt  }
0x6a: {  	_ =	shalt  }
0x6b: {  	_ =	shalt  }
0x6c: {  	_ =	shalt  }
0x6d: {  	_ =	shalt  }
0x6e: {  	_ =	shalt  }
0x6f: {  	_ =	shalt  }
0x70: {  	_ =	shalt  }
0x71: {  	_ =	shalt  }
0x72: {  	_ =	shalt  }
0x73: {  	_ =	shalt  }
0x74: {  	_ =	shalt  }
0x75: {  	_ =	shalt  }
0x76: {  	_ =	shalt  }
0x77: {  	_ =	shalt  }
0x78: {  	_ =	shalt  }
0x79: {  	_ =	shalt  }
0x7a: {  	_ =	shalt  }
0x7b: {  	_ =	shalt  }
0x7c: {  	_ =	shalt  }
0x7d: {  	_ =	shalt  }
0x7e: {  	_ =	shalt  }
0x7f: {  	_ =	shalt  }
0x80: {  	_ =	shalt  }
0x81: {  	_ =	shalt  }
0x82: {  	_ =	shalt  }
0x83: {  	_ =	shalt  }
0x84: {  	_ =	shalt  }
0x85: {  	_ =	shalt  }
0x86: {  	_ =	shalt  }
0x87: {  	_ =	shalt  }
.Lfunc_end0:
.L_simem_size_0:
called_computation_lowered:
.L_overlay_start_0:
0x88: {  	s2 =	sld [smem:$0x3FD9]  }
0x89: {  	s3 =	sld [smem:$0x3FFE];
	_ =	sdelay $0x1  }
0x8a: {  	s1 =	srdreg.scid  }
0x8b: {  	s0 =	sand.u32 $0x1, s1  }
0x8c: {  	s14 =	sshll.u32 s0, $0xA;
	s2 =	sadd.s32 s3, s2  }
0x8d: {  	s2 =	sadd.s32 s2, s14  }
0x8e: {  	[smem:$0x3FAF] =	sst s2  }
0x8f: {  	_ = 	snop  }
0x90: {  	s2 =	sld [smem:$0x3FD0];
	_ =	sdelay $0x1  }
0x91: {  	s15 =	sld [smem:$0x3FC8]  }
0x92: {  	s5 =	simm.s32 $0xA;
	s6 =	simm.s32 $0x10;
	s4 =	sld [smem:$0x3FC6]  }
0x93: {  	[smem:s6], [sflag:s5] =	dma.local [hbm:s2], $0x1  }
0x94: {  	_ =	swait.eq [sflag:s5], $0x1  }
0x95: {  	s16 =	sld [smem:$0x10]  }
0x96: {  	s17 =	sld [smem:$0x11];
	[sflag:s5] =	ssyncset.done $0x0  }
0x97: {  	s7 =	sld [smem:$0x12];
	[sflag:s5] =	ssyncadd.s32 $0xFFFFFFFF  }
0x98: {  	s18 =	sld [smem:$0x13];
	(tm) =	ssettm $0x1  }
0x99: {  	s8 =	sld [smem:$0x3FFB];
	_ =	sdelay $0x3  }
0x9a: {  	_ =	strace s8  }
0x9b: {  	s8 =	sld [smem:$0x3FFC];
	_ =	sdelay $0x3  }
0x9c: {  	_ =	strace s8  }
0x9d: {  	s8 =	sld [smem:$0x3FFD];
	_ =	sdelay $0x3  }
0x9e: {  	_ =	strace s8  }
0x9f: {  	_ =	strace $0x8FFFFFFF  }
0xa0: {  	s19 =	sld [smem:$0x3FDB];
	_ =	sdelay $0x1  }
0xa1: {  	s9 =	simm.s32 $_scs_section_size  }
0xa2: {  	s10 =	simm.s32 $_size__tile_overlayer_lowered;
	s11 =	simm.s32 $_tile_overlayer_lowered  }
0xa3: {  	s22 =	simm.s32 $0x1BFF;
	s21 =	sshll.u32 s11, $0x1;
	s8 =	sadd.s32 s9, s19  }
0xa4: {  	s12 =	simm.s32 $0x0;
	s20 =	sshll.u32 s10, $0x1;
	s10 =	sadd.s32 s21, s8  }
0xa5: {  	[timem:s12], [sflag:s22] =	dma.local [hbm:s10], s20  }
0xa6: {  	_ =	swait.ge [sflag:s22], s20  }
0xa7: {  	s9 =	ssub.s32 $0x0, s20;
	[sflag:s22] =	ssyncset.done $0x0  }
0xa8: {  	[sflag:s22] =	ssyncadd.s32 s9;
	_ =	sdelay $0x1  }
0xa9: {  	s23 =	simm.s32 $0x1B8B  }
0xaa: {  	_ =	swait.ge [sflag:s23], $0x1  }
0xab: {  	[sflag:s23] =	ssyncset.done $0x0  }
0xac: {  	s25 =	simm.s32 $0x1B8E;
	s24 =	sld [smem:$0x3FFE];
	[sflag:s23] =	ssyncadd.s32 $0xFFFFFFFF  }
0xad: {  	s26 =	simm.s32 $execute0_lowered;
	[smem:$0x3FD2] =	sst s25  }
0xae: {  	s10 =	sshll.u32 s26, $0x1;
	_ =	strace $0x80000046;
	[dreg:$0x1] =	wrdreg $0xFFFFFFFF  }
0xaf: {  	s28 =	simm.s32 $_size_execute0_lowered;
	s8 =	sadd.s32 s8, s10;
	[dreg:$0x0] =	wrdreg $0x0  }
0xb0: {  	s10 =	sshll.u32 s28, $0x1;
	[dreg:$0x2] =	wrdreg s8  }
0xb1: {  	[dreg:$0x3] =	wrdreg s10  }
0xb2: {  	[dreg:$0x4] =	wrdreg $0xC0  }
0xb3: {  	_ =	task [dreg:s12], $0x5FFFF  }
0xb4: {  	[dreg:$0x1] =	wrdreg $0xFFFFFFFF  }
0xb5: {  	[dreg:$0x0] =	wrdreg $0x60  }
0xb6: {  	[dreg:$0x2] =	wrdreg s18  }
0xb7: {  	[dreg:$0x3] =	wrdreg s17  }
0xb8: {  	[dreg:$0x4] =	wrdreg s15  }
0xb9: {  	[dreg:$0x5] =	wrdreg s7  }
0xba: {  	[dreg:$0x6] =	wrdreg s4  }
0xbb: {  	[dreg:$0x7] =	wrdreg s16  }
0xbc: {  	[dreg:$0x8] =	wrdreg s24  }
0xbd: {  	[dreg:$0x9] =	wrdreg $0x9  }
0xbe: {  	_ =	task.clear_ibuf [dreg:s12], $0xAFFFF;
	_ =	strace $0x90000046  }
0xbf: {  	s29 =	simm.s32 $0x9;
	_ =	strace $0x80000048  }
0xc0: {  	_ =	swait.ge [sflag:s29], $0x1  }
0xc1: {  	[sflag:s29] =	ssyncadd.s32 $0xFFFFFFFF  }
0xc2: {  	_ =	strace $0x90000048  }
0xc3: {  	_ =	sfence  }
0xc4: {  	s30 =	sld [smem:$0x0];
	_ =	sdelay $0x2  }
0xc5: {  	s31 =	sshll.u32 s1, $0xD;
	s1 =	sshrl.u32 s1, $0x2  }
0xc6: {  	s3 =	sand.u32 $0x4000, s31;
	s1 =	sadd.s32 s1, s30  }
0xc7: {  	s0 =	sor.u32 s3, s0;
	s1 =	sshll.u32 s1, $0x11  }
0xc8: {  	s0 =	sor.u32 s1, s0  }
0xc9: {  	s0 =	sadd.s32 $0x8F2B, s0  }
0xca: {  	[sflag:s0] =	ssyncadd.remote.s32 $0x1  }
0xcb: {  	_ =	sfence.sel $0xFFFF  }
0xcc: {  	[dreg:$0x0] =	wrdreg $0xFFFFFFFF;
	(pc) =	sbr.abs _section_cstart, $3  }
0xcd: {  	[dreg:$0x1] =	wrdreg $0xFFFFFFFF  }
0xce: {  	_ =	task.clear_ibuf [dreg:s12], $0x2FFFF;
	_ =	strace $0x9FFFFFFF  }
0xcf: {  	(tm) =	ssettm $0x7FFFFFFF  }
tec
execute0_lowered:
.L_overlay_start_1:
0x0: {  	(tag) =	ssettag $0x1  }
0x1: {  	s6 =	rddreg [dreg:$0x3]  }
0x2: {  	s0 =	rddreg [dreg:$0x6]  }
0x3: {  	s8 =	simm.s32 $0x0;
	s1 =	srdreg.scid;
	s2 =	stileid.u32  }
0x4: {  	[smem:$0x7FF] =	sst s8;
	s1 =	sand.u32 $0x1, s1;
	s2 =	sshll.u32 s2, $0x1  }
0x5: {  	s3 =	sadd.s32 $0x4E00, s0;
	s4 =	sadd.s32 $0x5000, s0;
	_ =	strace $0x80000047  }
0x6: {  	s2 =	sor.u32 s1, s2;
	[dreg:$0x8] =	wrdreg s3;
	s1 =	ssub.s32 $0x2, s1  }
0x7: {  	[dreg:$0x9] =	wrdreg s4;
	s11 =	sshll.u32 s2, $0xC;
	s24 =	sshrl.u32 s1, $0x1  }
0x8: {  	s3 =	sadd.s32 s11, s0;
	s1 =	ssub.s32 s1, s24;
	s24 =	sadd.s32 $0x1000, s6  }
0x9: {  	s4 =	sadd.s32 $0x25200, s3;
	[smem:$0x7F9] =	sst s24  }
0xa: {  	s5 =	sadd.s32 $0x45200, s3;
	[dreg:$0xa] =	wrdreg s4  }
0xb: {  	s7 =	sadd.s32 $0x65200, s3;
	[dreg:$0xb] =	wrdreg s5  }
0xc: {  	s9 =	sadd.s32 $0x85200, s3;
	[dreg:$0xc] =	wrdreg s7  }
0xd: {  	s10 =	sadd.s32 $0xA5200, s3;
	[dreg:$0xd] =	wrdreg s9  }
0xe: {  	s15 =	sadd.s32 $0xC5200, s3;
	[dreg:$0xe] =	wrdreg s10  }
0xf: {  	s16 =	sadd.s32 $0xE5200, s3;
	[dreg:$0xf] =	wrdreg s15  }
0x10: {  	s17 =	sadd.s32 $0x105200, s3;
	[dreg:$0x10] =	wrdreg s16  }
0x11: {  	s18 =	sadd.s32 $0x125200, s3;
	[dreg:$0x11] =	wrdreg s17  }
0x12: {  	s19 =	sadd.s32 $0x145200, s3;
	[dreg:$0x12] =	wrdreg s18  }
0x13: {  	s20 =	sadd.s32 $0x165200, s3;
	[dreg:$0x13] =	wrdreg s19  }
0x14: {  	s21 =	sadd.s32 $0x185200, s3;
	[dreg:$0x14] =	wrdreg s20  }
0x15: {  	s22 =	sadd.s32 $0x1A5200, s3;
	[dreg:$0x15] =	wrdreg s21  }
0x16: {  	s23 =	sadd.s32 $0x1C5200, s3;
	[dreg:$0x16] =	wrdreg s22  }
0x17: {  	s25 =	sadd.s32 $0x205200, s3;
	[dreg:$0x17] =	wrdreg s23  }
0x18: {  	s26 =	sadd.s32 $0x225200, s3;
	[dreg:$0x19] =	wrdreg s25  }
0x19: {  	s28 =	sadd.s32 $0x245200, s3;
	[dreg:$0x1a] =	wrdreg s26  }
0x1a: {  	s29 =	sadd.s32 $0x265200, s3;
	[dreg:$0x1b] =	wrdreg s28  }
0x1b: {  	s1 =	smax.u32 s1, $0x1;
	[dreg:$0x1c] =	wrdreg s29  }
0x1c: {  	s5 =	sadd.s32 $0x1E5200, s3;
	[smem:$0x7F0] =	sst s1  }
0x1d: {  	s12 =	sadd.s32 $0x325200, s0;
	s7 =	sadd.s32 $0x2A5200, s3;
	[dreg:$0x18] =	wrdreg s5  }
0x1e: {  	s13 =	sadd.s32 $0x345200, s0;
	s9 =	sadd.s32 $0x2C5200, s3;
	[dreg:$0x1e] =	wrdreg s7  }
0x1f: {  	s14 =	sadd.s32 $0x365200, s0;
	s10 =	sadd.s32 $0x2E5200, s3;
	[dreg:$0x1f] =	wrdreg s9  }
0x20: {  	s0 =	sadd.s32 $0x5200, s0;
	s15 =	sadd.s32 $0x305200, s3;
	[smem:$0x7EE] =	sst s10  }
0x21: {  	s16 =	sadd.s32 s0, s11;
	[smem:$0x7EF] =	sst s15  }
0x22: {  	s17 =	sadd.s32 $0x200, s6;
	[smem:$0x7F1] =	sst s16  }
0x23: {  	s18 =	sadd.s32 $0x400, s6;
	[smem:$0x7F2] =	sst s17  }
0x24: {  	s19 =	sadd.s32 $0x600, s6;
	[smem:$0x7F3] =	sst s18  }
0x25: {  	s20 =	sadd.s32 $0x800, s6;
	[smem:$0x7F4] =	sst s19  }
0x26: {  	s21 =	sadd.s32 $0xA00, s6;
	[smem:$0x7F5] =	sst s20  }
0x27: {  	s22 =	sadd.s32 $0xC00, s6;
	[smem:$0x7F6] =	sst s21  }
0x28: {  	s30 =	sadd.s32 $0x1A00, s6;
	s23 =	sadd.s32 $0xE00, s6;
	[smem:$0x7F7] =	sst s22  }
0x29: {  	s31 =	sadd.s32 $0x1C00, s6;
	s25 =	sadd.s32 $0x1200, s6;
	[smem:$0x7F8] =	sst s23  }
0x2a: {  	s26 =	sadd.s32 $0x1400, s6;
	s28 =	sadd.s32 $0x1600, s6;
	[smem:$0x7FA] =	sst s25  }
0x2b: {  	s29 =	sadd.s32 $0x1800, s6;
	s1 =	sadd.s32 $0x1E00, s6;
	[smem:$0x7FB] =	sst s26  }
0x2c: {  	s6 =	simm.s32 $0x3000;
	s4 =	simm.s32 $0x5000;
	[smem:$0x7FC] =	sst s28  }
0x2d: {  	s5 =	sadd.s32 $0x285200, s3;
	[smem:$0x7FD] =	sst s29;
	s7 =	simm.s32 $0x1  }
0x2e: {  	s3 =	simm.s32 $0x2000;
	s9 =	simm.s32 $0x7000;
	s10 =	simm.s32 $0x9000  }
0x2f: {  	s15 =	simm.s32 $0x13000;
	s16 =	simm.s32 $0x14000;
	s17 =	simm.s32 $0x0  }
0x30: {  	v0 =	vimm.s32 $0x0;
	v1 =	vimm.f32 $0.0e+00;
	v2 =	vlaneseq.u32;
	[dreg:$0x1d] =	wrdreg s5;
	s5 =	sshll.u32 s2, $0x7;
	s2 =	simm.s32 $0x1000  }
.LBB2_1:
0x31: {  	s18 =	rddreg [dreg:$0x0]  }
0x32: {  	[tilespmem:s8], [sflag:$0x1] =	stream.linear.gather [hbm4b:s18+s8], $0x1000, $0x38;
	[tilespmem:$0x1C000] =	vst v63  }
0x33: {  	_ =	swait.ge [sflag:s7], $0x1000  }
0x34: {  	[sflag:s7] =	ssyncset.done $0x0  }
0x35: {  	[sflag:s7] =	ssyncadd.s32 $0xFFFFF000  }
0x36: {  	s28 =	rddreg [dreg:$0x1]  }
0x37: {  	[tilespmem:s2], [sflag:$0x1] =	stream.linear.gather [hbm4b:s28+s8], $0x1000, $0x38;
	[tilespmem:$0x1C000] =	vst v63  }
0x38: {  	_ =	swait.ge [sflag:s7], $0x1000  }
0x39: {  	[sflag:s7] =	ssyncset.done $0x0  }
0x3a: {  	[sflag:s7] =	ssyncadd.s32 $0xFFFFF000  }
0x3b: {  	s29 =	rddreg [dreg:$0x2]  }
0x3c: {  	[tilespmem:s3], [sflag:$0x1] =	stream.linear.gather [hbm4b:s29+s8], $0x1000, $0x38;
	[tilespmem:$0x1C000] =	vst v63  }
0x3d: {  	_ =	swait.ge [sflag:s7], $0x1000  }
0x3e: {  	[sflag:s7] =	ssyncset.done $0x0  }
0x3f: {  	s18 =	simm.s32 $0x0;
	[sflag:s7] =	ssyncadd.s32 $0xFFFFF000  }
.LBB2_2:
0x40: {  	s20 =	simm.s32 $0x40;
	s19 =	simm.s32 $0x0  }
.LBB2_3:
0x41: {  	p0 =	seq.s32 s20, $0x7FC0;
	[tilespmem:s19+$0x9000] =	vst v1;
	s21 =	smov.u32 s20;
	s20 =	sadd.s32 $0x40, s20  }
.Ltmp0:
0x42: {  	[tilespmem:s19+$0x7000] =	vst v1;
	(pc) =	sbr.rel @!p0 .LBB2_3-.Ltmp0, $3  }
0x43: {  	[tilespmem:s19+$0x3000] =	vst v0  }
0x44: {  	[tilespmem:s19+$0x5000] =	vst v1;
	_ =	sdelay $0x1  }
0x45: {  	s19 =	sshra.s32 s21, $0x2  }
0x46: {  	[tilespmem:s19+$0x9000] =	vst v1  }
0x47: {  	[tilespmem:s19+$0x7000] =	vst v1  }
0x48: {  	[tilespmem:s19+$0x3000] =	vst v0;
	s29 =	sshll.u32 s18, $0x5  }
0x49: {  	[tilespmem:s19+$0x5000] =	vst v1;
	s20 =	simm.s32 $0x0;
	s21 =	simm.s32 $0x0;
	s19 =	sadd.s32 s5, s29  }
.LBB2_5:
0x4a: {  	s22 =	sadd.s32 s19, s21  }
0x4b: {  	v3 =	vmov s22;
	_ =	sdelay $0x4  }
0x4c: {  	s25 =	sshll.u32 s21, $0x8;
	v4 =	vld.idx.msk [tilespmem:v3+s20+$0x0], $0xffff  }
0x4d: {  	s23 =	simm.s32 $0x20;
	s24 =	simm.s32 $0x1020;
	s26 =	simm.s32 $0x0;
	v5 =	vld.idx.msk [tilespmem:v3+s2+$0x0], $0xffff  }
0x4e: {  	s28 =	simm.s32 $0x0;
	s22 =	simm.s32 $0xFFFFFFFC;
	v7 =	vmov s25;
	s25 =	simm.s32 $0x2020;
	v6 =	vld.idx.msk [tilespmem:v3+s3+$0x0], $0xffff  }
.LBB2_6:
0x4f: {  	v8 =	vld [tilespmem:s23+$0xFFFFFFE0]  }
0x50: {  	v9 =	vld [tilespmem:s24+$0xFFFFFFE0];
	_ =	sdelay $0x4  }
0x51: {  	v8 =	vsub.f32 v8, v4;
	v9 =	vsub.f32 v9, v5;
	_ =	sdelay $0x1  }
0x52: {  	v10 =	vmul.f32 v8, v8;
	v11 =	vmul.f32 v9, v9;
	_ =	sdelay $0x1  }
0x53: {  	v10 =	vadd.f32 v11, v10  }
0x54: {  	v41 =	vor.u32 s26, v2  }
0x55: {  	vm1 =	vne.s32 v41, v3;
	vm0 =	vle.f32 v10, $6.250000000e-02  }
0x56: {  	vm0 =	vmand vm1, vm0  }
0x57: {  	v42 =	vsel vm0, $0x1, v0  }
0x58: {  	(xrf0) =	vadd.scan.msk.s32 $0xffff, v42;
	_ =	sdelay $0x2  }
0x59: {  	v43 =	vmov s28  }
0x5a: {  	v10 =	vadd.s32 $0xFFFFFFFF, v43  }
0x5b: {  	v10 =	vbroadcast v10, $0x0  }
0x5c: {  	v12, _, _ =	vpop (xrf0)  }
0x5d: {  	v10 =	vadd.s32 v12, v10  }
0x5e: {  	vm6 =	vlt.s32 v10, $0xFF  }
0x5f: {  	v10 =	vnsel vm6, $0xFF, v10  }
0x60: {  	v10 =	vadd.s32 v7, v10  }
0x61: {  	v13 =	vld [tilespmem:s25+$0xFFFFFFE0];
	_ =	sdelay $0x3  }
0x62: {  	[tilespmem:v10+s6+$0x0] =	vst.idx.msk vm0, v41  }
0x63: {  	[tilespmem:v10+s4+$0x0] =	vst.idx.msk vm0, v8;
	v8 =	vsub.f32 v13, v6  }
0x64: {  	[tilespmem:v10+s9+$0x0] =	vst.idx.msk vm0, v9  }
0x65: {  	[tilespmem:v10+s10+$0x0] =	vst.idx.msk vm0, v8  }
0x66: {  	v8 =	vld [tilespmem:s23+$0xFFFFFFF0]  }
0x67: {  	(v2sf) =	vpush v12, $0xF;
	v9 =	vld [tilespmem:s24+$0xFFFFFFF0];
	_ =	sdelay $0x4  }
0x68: {  	v8 =	vsub.f32 v8, v4;
	v9 =	vsub.f32 v9, v5;
	_ =	sdelay $0x1  }
0x69: {  	v44 =	vmul.f32 v8, v8;
	v45 =	vmul.f32 v9, v9;
	_ =	sdelay $0x1  }
0x6a: {  	s29 =	sadd.s32 $0x10, s26;
	v10 =	vadd.f32 v45, v44  }
0x6b: {  	v46 =	vor.u32 s29, v2  }
0x6c: {  	vm8 =	vne.s32 v46, v3;
	vm7 =	vle.f32 v10, $6.250000000e-02  }
0x6d: {  	vm0 =	vmand vm8, vm7  }
0x6e: {  	v47 =	vsel vm0, $0x1, v0  }
0x6f: {  	(xrf0) =	vadd.scan.msk.s32 $0xffff, v47  }
0x70: {  	s29 =	spop (v2sf)  }
0x71: {  	s28 =	sadd.s32 s28, s29  }
0x72: {  	v48 =	vmov s28  }
0x73: {  	v10 =	vadd.s32 $0xFFFFFFFF, v48  }
0x74: {  	v10 =	vbroadcast v10, $0x0  }
0x75: {  	v49, _, _ =	vpop (xrf0)  }
0x76: {  	v10 =	vadd.s32 v49, v10  }
0x77: {  	vm9 =	vlt.s32 v10, $0xFF  }
0x78: {  	v10 =	vnsel vm9, $0xFF, v10  }
0x79: {  	v10 =	vadd.s32 v7, v10  }
0x7a: {  	v50 =	vld [tilespmem:s25+$0xFFFFFFF0];
	_ =	sdelay $0x3  }
0x7b: {  	[tilespmem:v10+s6+$0x0] =	vst.idx.msk vm0, v46  }
0x7c: {  	[tilespmem:v10+s4+$0x0] =	vst.idx.msk vm0, v8;
	v8 =	vsub.f32 v50, v6  }
0x7d: {  	[tilespmem:v10+s9+$0x0] =	vst.idx.msk vm0, v9  }
0x7e: {  	[tilespmem:v10+s10+$0x0] =	vst.idx.msk vm0, v8  }
0x7f: {  	v8 =	vld [tilespmem:s23+$0x0]  }
0x80: {  	(v2sf) =	vpush v49, $0xF;
	v9 =	vld [tilespmem:s24+$0x0];
	_ =	sdelay $0x4  }
0x81: {  	v8 =	vsub.f32 v8, v4;
	v9 =	vsub.f32 v9, v5;
	_ =	sdelay $0x1  }
0x82: {  	v51 =	vmul.f32 v8, v8;
	v52 =	vmul.f32 v9, v9;
	_ =	sdelay $0x1  }
0x83: {  	s29 =	sadd.s32 $0x20, s26;
	v10 =	vadd.f32 v52, v51  }
0x84: {  	v53 =	vor.u32 s29, v2  }
0x85: {  	vm11 =	vne.s32 v53, v3;
	vm10 =	vle.f32 v10, $6.250000000e-02  }
0x86: {  	vm0 =	vmand vm11, vm10  }
0x87: {  	v54 =	vsel vm0, $0x1, v0  }
0x88: {  	(xrf0) =	vadd.scan.msk.s32 $0xffff, v54  }
0x89: {  	s29 =	spop (v2sf)  }
0x8a: {  	s28 =	sadd.s32 s28, s29  }
0x8b: {  	v55 =	vmov s28  }
0x8c: {  	v10 =	vadd.s32 $0xFFFFFFFF, v55  }
0x8d: {  	v10 =	vbroadcast v10, $0x0  }
0x8e: {  	v56, _, _ =	vpop (xrf0)  }
0x8f: {  	v10 =	vadd.s32 v56, v10  }
0x90: {  	vm12 =	vlt.s32 v10, $0xFF  }
0x91: {  	v10 =	vnsel vm12, $0xFF, v10  }
0x92: {  	v10 =	vadd.s32 v7, v10  }
0x93: {  	v57 =	vld [tilespmem:s25+$0x0];
	_ =	sdelay $0x3  }
0x94: {  	[tilespmem:v10+s6+$0x0] =	vst.idx.msk vm0, v53  }
0x95: {  	[tilespmem:v10+s4+$0x0] =	vst.idx.msk vm0, v8;
	v8 =	vsub.f32 v57, v6  }
0x96: {  	[tilespmem:v10+s9+$0x0] =	vst.idx.msk vm0, v9  }
0x97: {  	[tilespmem:v10+s10+$0x0] =	vst.idx.msk vm0, v8  }
0x98: {  	v8 =	vld [tilespmem:s23+$0x10]  }
0x99: {  	v9 =	vld [tilespmem:s24+$0x10];
	_ =	sdelay $0x3  }
0x9a: {  	(v2sf) =	vpush v56, $0xF  }
0x9b: {  	v8 =	vsub.f32 v8, v4;
	v9 =	vsub.f32 v9, v5;
	_ =	sdelay $0x1  }
0x9c: {  	v58 =	vmul.f32 v8, v8;
	v59 =	vmul.f32 v9, v9;
	_ =	sdelay $0x1  }
0x9d: {  	s29 =	sadd.s32 $0x30, s26;
	v10 =	vadd.f32 v59, v58  }
0x9e: {  	v60 =	vor.u32 s29, v2  }
0x9f: {  	vm14 =	vne.s32 v60, v3;
	vm13 =	vle.f32 v10, $6.250000000e-02  }
0xa0: {  	vm0 =	vmand vm14, vm13  }
0xa1: {  	v61 =	vsel vm0, $0x1, v0  }
0xa2: {  	(xrf0) =	vadd.scan.msk.s32 $0xffff, v61;
	_ =	sdelay $0x5  }
0xa3: {  	s29 =	spop (v2sf);
	v10, _, _ =	vpop (xrf0)  }
0xa4: {  	s28 =	sadd.s32 s28, s29;
	(v2sf) =	vpush v10, $0xF  }
0xa5: {  	v62 =	vmov s28  }
0xa6: {  	v12 =	vadd.s32 $0xFFFFFFFF, v62  }
0xa7: {  	v12 =	vbroadcast v12, $0x0;
	_ =	sdelay $0x1  }
0xa8: {  	v10 =	vadd.s32 v10, v12  }
0xa9: {  	vm15 =	vlt.s32 v10, $0xFF  }
0xaa: {  	v10 =	vnsel vm15, $0xFF, v10  }
0xab: {  	v10 =	vadd.s32 v7, v10  }
0xac: {  	v63 =	vld [tilespmem:s25+$0x10]  }
0xad: {  	s22 =	sadd.s32 $0x4, s22  }
0xae: {  	p0 =	slt.u32 s22, $0xFC  }
.Ltmp1:
0xaf: {  	_ = 	snop;
	(pc) =	sbr.rel @p0 .LBB2_6-.Ltmp1, $4  }
0xb0: {  	[tilespmem:v10+s6+$0x0] =	vst.idx.msk vm0, v60  }
0xb1: {  	[tilespmem:v10+s4+$0x0] =	vst.idx.msk vm0, v8;
	v8 =	vsub.f32 v63, v6  }
0xb2: {  	s26 =	sadd.s32 $0x40, s26;
	s23 =	sadd.s32 $0x40, s23;
	[tilespmem:v10+s9+$0x0] =	vst.idx.msk vm0, v9;
	s29 =	spop (v2sf)  }
0xb3: {  	s24 =	sadd.s32 $0x40, s24;
	s25 =	sadd.s32 $0x40, s25;
	[tilespmem:v10+s10+$0x0] =	vst.idx.msk vm0, v8;
	s28 =	sadd.s32 s28, s29  }
0xb4: {  	s21 =	sadd.s32 $0x1, s21  }
0xb5: {  	p0 =	sne.s32 s21, $0x20  }
.Ltmp2:
0xb6: {  	_ = 	snop;
	(pc) =	sbr.rel @p0 .LBB2_5-.Ltmp2, $1  }
0xb7: {  	_ =	sdelay $0x3  }
0xb8: {  	s19 =	sshll.u32 s18, $0xA  }
0xb9: {  	s19 =	sadd.s32 s11, s19  }
0xba: {  	s20 =	sadd.s32 s0, s19  }
0xbb: {  	[hbm4b:s20+s8] =	stream.linear.scatter [tilespmem:s6], [sflag:$0x1], $0x2000, $0x38;
	[tilespmem:$0x1C000] =	vst v63  }
0xbc: {  	_ =	swait.ge [sflag:s7], $0x2000  }
0xbd: {  	[sflag:s7] =	ssyncset.done $0x0  }
0xbe: {  	s28 =	sadd.s32 s12, s19;
	[sflag:s7] =	ssyncadd.s32 $0xFFFFE000  }
0xbf: {  	[hbm4b:s28+s8] =	stream.linear.scatter [tilespmem:s4], [sflag:$0x1], $0x2000, $0x38;
	[tilespmem:$0x1C000] =	vst v63  }
0xc0: {  	_ =	swait.ge [sflag:s7], $0x2000  }
0xc1: {  	[sflag:s7] =	ssyncset.done $0x0  }
0xc2: {  	s29 =	sadd.s32 s13, s19;
	[sflag:s7] =	ssyncadd.s32 $0xFFFFE000  }
0xc3: {  	[hbm4b:s29+s8] =	stream.linear.scatter [tilespmem:s9], [sflag:$0x1], $0x2000, $0x38;
	[tilespmem:$0x1C000] =	vst v63  }
0xc4: {  	s18 =	sadd.s32 $0x1, s18;
	_ =	swait.ge [sflag:s7], $0x2000  }
0xc5: {  	p0 =	sne.s32 s18, $0x4;
	[sflag:s7] =	ssyncset.done $0x0  }
.Ltmp3:
0xc6: {  	s19 =	sadd.s32 s14, s19;
	[sflag:s7] =	ssyncadd.s32 $0xFFFFE000;
	(pc) =	sbr.rel @p0 .LBB2_2-.Ltmp3, $4  }
0xc7: {  	[hbm4b:s19+s8] =	stream.linear.scatter [tilespmem:s10], [sflag:$0x1], $0x2000, $0x38;
	[tilespmem:$0x1C000] =	vst v63  }
0xc8: {  	_ =	swait.ge [sflag:s7], $0x2000  }
0xc9: {  	[sflag:s7] =	ssyncset.done $0x0  }
0xca: {  	[sflag:s7] =	ssyncadd.s32 $0xFFFFE000  }
0xcb: {  	s19 =	sld [smem:$0x7F1];
	_ =	sdelay $0x1  }
0xcc: {  	s18 =	simm.s32 $0x0;
	s20 =	simm.s32 $0xB000  }
0xcd: {  	[tilespmem:s20], [sflag:$0x1] =	stream.linear.gather [hbm4b:s19+s18], $0x8000, $0x38;
	[tilespmem:$0x1C000] =	vst v63  }
0xce: {  	_ =	swait.ge [sflag:s7], $0x8000  }
0xcf: {  	[sflag:s7] =	ssyncset.done $0x0  }
0xd0: {  	[sflag:s7] =	ssyncadd.s32 $0xFFFF8000  }
0xd1: {  	s29 =	rddreg [dreg:$0x3]  }
0xd2: {  	[tilespmem:s15], [sflag:$0x1] =	stream.linear.gather [hbm4b:s29+s18], $0x1000, $0x38;
	[tilespmem:$0x1C000] =	vst v63  }
0xd3: {  	_ =	swait.ge [sflag:s7], $0x1000  }
0xd4: {  	[sflag:s7] =	ssyncset.done $0x0  }
0xd5: {  	s18 =	simm.s32 $0x0;
	[sflag:s7] =	ssyncadd.s32 $0xFFFFF000  }
0xd6: {  	v3 =	vld [tilespmem:s18+$0xB000];
	_ =	sdelay $0x7  }
0xd7: {  	s19 =	simm.s32 $0x10;
	s20 =	simm.s32 $0x80;
	v3 =	vld.idx.msk [tilespmem:v3+s15+$0x0], $0xffff  }
.LBB2_10:
0xd8: {  	p0 =	sne.s32 s20, $0x1FFC0;
	v4 =	vld [tilespmem:s19+$0xB000];
	_ =	sdelay $0x3  }
.Ltmp4:
0xd9: {  	(pc) =	sbr.rel @p0 .LBB2_10-.Ltmp4, $2  }
0xda: {  	[tilespmem:s18+$0x14000] =	vst v3;
	s18 =	smov.u32 s19;
	_ =	sdelay $0x2  }
0xdb: {  	s19 =	sshra.s32 s20, $0x2;
	s20 =	sadd.s32 $0x40, s20;
	v3 =	vld.idx.msk [tilespmem:v4+s15+$0x0], $0xffff  }
0xdc: {  	v4 =	vld [tilespmem:s19+$0xB000];
	_ =	sdelay $0x6  }
0xdd: {  	[tilespmem:s18+$0x14000] =	vst v3  }
0xde: {  	v3 =	vld.idx.msk [tilespmem:v4+s15+$0x0], $0xffff;
	_ =	sdelay $0x4  }
0xdf: {  	s26 =	simm.s32 $0x0;
	s28 =	rddreg [dreg:$0xa];
	[tilespmem:s19+$0x14000] =	vst v3  }
0xe0: {  	[hbm4b:s28+s26] =	stream.linear.scatter [tilespmem:s16], [sflag:$0x1], $0x8000, $0x38;
	[tilespmem:$0x1C000] =	vst v63  }
0xe1: {  	_ =	swait.ge [sflag:s7], $0x8000  }
0xe2: {  	s29 =	sld [smem:$0x7F2]  }
0xe3: {  	[sflag:s7] =	ssyncset.done $0x0  }
0xe4: {  	[sflag:s7] =	ssyncadd.s32 $0xFFFF8000  }
0xe5: {  	[tilespmem:s15], [sflag:$0x1] =	stream.linear.gather [hbm4b:s29+s26], $0x1000, $0x38;
	[tilespmem:$0x1C000] =	vst v63  }
0xe6: {  	_ =	swait.ge [sflag:s7], $0x1000  }
0xe7: {  	[sflag:s7] =	ssyncset.done $0x0  }
0xe8: {  	s18 =	simm.s32 $0x0;
	[sflag:s7] =	ssyncadd.s32 $0xFFFFF000  }
0xe9: {  	v3 =	vld [tilespmem:s18+$0xB000];
	_ =	sdelay $0x7  }
0xea: {  	s20 =	simm.s32 $0x80;
	s19 =	simm.s32 $0x10;
	v3 =	vld.idx.msk [tilespmem:v3+s15+$0x0], $0xffff  }
.LBB2_12:
0xeb: {  	p0 =	sne.s32 s20, $0x1FFC0;
	v4 =	vld [tilespmem:s19+$0xB000];
	_ =	sdelay $0x3  }
.Ltmp5:
0xec: {  	(pc) =	sbr.rel @p0 .LBB2_12-.Ltmp5, $2  }
0xed: {  	[tilespmem:s18+$0x14000] =	vst v3;
	s18 =	smov.u32 s19;
	_ =	sdelay $0x2  }
0xee: {  	s19 =	sshra.s32 s20, $0x2;
	s20 =	sadd.s32 $0x40, s20;
	v3 =	vld.idx.msk [tilespmem:v4+s15+$0x0], $0xffff  }
0xef: {  	v4 =	vld [tilespmem:s19+$0xB000];
	_ =	sdelay $0x6  }
0xf0: {  	[tilespmem:s18+$0x14000] =	vst v3  }
0xf1: {  	v3 =	vld.idx.msk [tilespmem:v4+s15+$0x0], $0xffff;
	_ =	sdelay $0x4  }
0xf2: {  	s26 =	simm.s32 $0x0;
	s28 =	rddreg [dreg:$0xb];
	[tilespmem:s19+$0x14000] =	vst v3  }
0xf3: {  	[hbm4b:s28+s26] =	stream.linear.scatter [tilespmem:s16], [sflag:$0x1], $0x8000, $0x38;
	[tilespmem:$0x1C000] =	vst v63  }
0xf4: {  	_ =	swait.ge [sflag:s7], $0x8000  }
0xf5: {  	s29 =	sld [smem:$0x7F3]  }
0xf6: {  	[sflag:s7] =	ssyncset.done $0x0  }
0xf7: {  	[sflag:s7] =	ssyncadd.s32 $0xFFFF8000  }
0xf8: {  	[tilespmem:s15], [sflag:$0x1] =	stream.linear.gather [hbm4b:s29+s26], $0x1000, $0x38;
	[tilespmem:$0x1C000] =	vst v63  }
0xf9: {  	_ =	swait.ge [sflag:s7], $0x1000  }
0xfa: {  	[sflag:s7] =	ssyncset.done $0x0  }
0xfb: {  	s18 =	simm.s32 $0x0;
	[sflag:s7] =	ssyncadd.s32 $0xFFFFF000  }
0xfc: {  	v3 =	vld [tilespmem:s18+$0xB000];
	_ =	sdelay $0x7  }
0xfd: {  	s20 =	simm.s32 $0x80;
	s19 =	simm.s32 $0x10;
	v3 =	vld.idx.msk [tilespmem:v3+s15+$0x0], $0xffff  }
.LBB2_14:
0xfe: {  	p0 =	sne.s32 s20, $0x1FFC0;
	v4 =	vld [tilespmem:s19+$0xB000];
	_ =	sdelay $0x3  }
.Ltmp6:
0xff: {  	(pc) =	sbr.rel @p0 .LBB2_14-.Ltmp6, $2  }
0x100: {  	[tilespmem:s18+$0x14000] =	vst v3;
	s18 =	smov.u32 s19;
	_ =	sdelay $0x2  }
0x101: {  	s19 =	sshra.s32 s20, $0x2;
	s20 =	sadd.s32 $0x40, s20;
	v3 =	vld.idx.msk [tilespmem:v4+s15+$0x0], $0xffff  }
0x102: {  	v4 =	vld [tilespmem:s19+$0xB000];
	_ =	sdelay $0x6  }
0x103: {  	[tilespmem:s18+$0x14000] =	vst v3  }
0x104: {  	v3 =	vld.idx.msk [tilespmem:v4+s15+$0x0], $0xffff;
	_ =	sdelay $0x4  }
0x105: {  	s26 =	simm.s32 $0x0;
	s28 =	rddreg [dreg:$0xc];
	[tilespmem:s19+$0x14000] =	vst v3  }
0x106: {  	[hbm4b:s28+s26] =	stream.linear.scatter [tilespmem:s16], [sflag:$0x1], $0x8000, $0x38;
	[tilespmem:$0x1C000] =	vst v63  }
0x107: {  	_ =	swait.ge [sflag:s7], $0x8000  }
0x108: {  	s29 =	sld [smem:$0x7F4]  }
0x109: {  	[sflag:s7] =	ssyncset.done $0x0  }
0x10a: {  	[sflag:s7] =	ssyncadd.s32 $0xFFFF8000  }
0x10b: {  	[tilespmem:s15], [sflag:$0x1] =	stream.linear.gather [hbm4b:s29+s26], $0x1000, $0x38;
	[tilespmem:$0x1C000] =	vst v63  }
0x10c: {  	_ =	swait.ge [sflag:s7], $0x1000  }
0x10d: {  	[sflag:s7] =	ssyncset.done $0x0  }
0x10e: {  	s18 =	simm.s32 $0x0;
	[sflag:s7] =	ssyncadd.s32 $0xFFFFF000  }
0x10f: {  	v3 =	vld [tilespmem:s18+$0xB000];
	_ =	sdelay $0x7  }
0x110: {  	s20 =	simm.s32 $0x80;
	s19 =	simm.s32 $0x10;
	v3 =	vld.idx.msk [tilespmem:v3+s15+$0x0], $0xffff  }
.LBB2_16:
0x111: {  	p0 =	sne.s32 s20, $0x1FFC0;
	v4 =	vld [tilespmem:s19+$0xB000];
	_ =	sdelay $0x3  }
.Ltmp7:
0x112: {  	(pc) =	sbr.rel @p0 .LBB2_16-.Ltmp7, $2  }
0x113: {  	[tilespmem:s18+$0x14000] =	vst v3;
	s18 =	smov.u32 s19;
	_ =	sdelay $0x2  }
0x114: {  	s19 =	sshra.s32 s20, $0x2;
	s20 =	sadd.s32 $0x40, s20;
	v3 =	vld.idx.msk [tilespmem:v4+s15+$0x0], $0xffff  }
0x115: {  	v4 =	vld [tilespmem:s19+$0xB000];
	_ =	sdelay $0x6  }
0x116: {  	[tilespmem:s18+$0x14000] =	vst v3  }
0x117: {  	v3 =	vld.idx.msk [tilespmem:v4+s15+$0x0], $0xffff;
	_ =	sdelay $0x4  }
0x118: {  	s26 =	simm.s32 $0x0;
	s28 =	rddreg [dreg:$0xd];
	[tilespmem:s19+$0x14000] =	vst v3  }
0x119: {  	[hbm4b:s28+s26] =	stream.linear.scatter [tilespmem:s16], [sflag:$0x1], $0x8000, $0x38;
	[tilespmem:$0x1C000] =	vst v63  }
0x11a: {  	_ =	swait.ge [sflag:s7], $0x8000  }
0x11b: {  	s29 =	sld [smem:$0x7F5]  }
0x11c: {  	[sflag:s7] =	ssyncset.done $0x0  }
0x11d: {  	[sflag:s7] =	ssyncadd.s32 $0xFFFF8000  }
0x11e: {  	[tilespmem:s15], [sflag:$0x1] =	stream.linear.gather [hbm4b:s29+s26], $0x1000, $0x38;
	[tilespmem:$0x1C000] =	vst v63  }
0x11f: {  	_ =	swait.ge [sflag:s7], $0x1000  }
0x120: {  	[sflag:s7] =	ssyncset.done $0x0  }
0x121: {  	s18 =	simm.s32 $0x0;
	[sflag:s7] =	ssyncadd.s32 $0xFFFFF000  }
0x122: {  	v3 =	vld [tilespmem:s18+$0xB000];
	_ =	sdelay $0x7  }
0x123: {  	s20 =	simm.s32 $0x80;
	s19 =	simm.s32 $0x10;
	v3 =	vld.idx.msk [tilespmem:v3+s15+$0x0], $0xffff  }
.LBB2_18:
0x124: {  	p0 =	sne.s32 s20, $0x1FFC0;
	v4 =	vld [tilespmem:s19+$0xB000];
	_ =	sdelay $0x3  }
.Ltmp8:
0x125: {  	(pc) =	sbr.rel @p0 .LBB2_18-.Ltmp8, $2  }
0x126: {  	[tilespmem:s18+$0x14000] =	vst v3;
	s18 =	smov.u32 s19;
	_ =	sdelay $0x2  }
0x127: {  	s19 =	sshra.s32 s20, $0x2;
	s20 =	sadd.s32 $0x40, s20;
	v3 =	vld.idx.msk [tilespmem:v4+s15+$0x0], $0xffff  }
0x128: {  	v4 =	vld [tilespmem:s19+$0xB000];
	_ =	sdelay $0x6  }
0x129: {  	[tilespmem:s18+$0x14000] =	vst v3  }
0x12a: {  	v3 =	vld.idx.msk [tilespmem:v4+s15+$0x0], $0xffff;
	_ =	sdelay $0x4  }
0x12b: {  	s26 =	simm.s32 $0x0;
	s28 =	rddreg [dreg:$0xe];
	[tilespmem:s19+$0x14000] =	vst v3  }
0x12c: {  	[hbm4b:s28+s26] =	stream.linear.scatter [tilespmem:s16], [sflag:$0x1], $0x8000, $0x38;
	[tilespmem:$0x1C000] =	vst v63  }
0x12d: {  	_ =	swait.ge [sflag:s7], $0x8000  }
0x12e: {  	s29 =	sld [smem:$0x7F6]  }
0x12f: {  	[sflag:s7] =	ssyncset.done $0x0  }
0x130: {  	[sflag:s7] =	ssyncadd.s32 $0xFFFF8000  }
0x131: {  	[tilespmem:s15], [sflag:$0x1] =	stream.linear.gather [hbm4b:s29+s26], $0x1000, $0x38;
	[tilespmem:$0x1C000] =	vst v63  }
0x132: {  	_ =	swait.ge [sflag:s7], $0x1000  }
0x133: {  	[sflag:s7] =	ssyncset.done $0x0  }
0x134: {  	s18 =	simm.s32 $0x0;
	[sflag:s7] =	ssyncadd.s32 $0xFFFFF000  }
0x135: {  	v3 =	vld [tilespmem:s18+$0xB000];
	_ =	sdelay $0x7  }
0x136: {  	s20 =	simm.s32 $0x80;
	s19 =	simm.s32 $0x10;
	v3 =	vld.idx.msk [tilespmem:v3+s15+$0x0], $0xffff  }
.LBB2_20:
0x137: {  	p0 =	sne.s32 s20, $0x1FFC0;
	v4 =	vld [tilespmem:s19+$0xB000];
	_ =	sdelay $0x3  }
.Ltmp9:
0x138: {  	(pc) =	sbr.rel @p0 .LBB2_20-.Ltmp9, $2  }
0x139: {  	[tilespmem:s18+$0x14000] =	vst v3;
	s18 =	smov.u32 s19;
	_ =	sdelay $0x2  }
0x13a: {  	s19 =	sshra.s32 s20, $0x2;
	s20 =	sadd.s32 $0x40, s20;
	v3 =	vld.idx.msk [tilespmem:v4+s15+$0x0], $0xffff  }
0x13b: {  	v4 =	vld [tilespmem:s19+$0xB000];
	_ =	sdelay $0x6  }
0x13c: {  	[tilespmem:s18+$0x14000] =	vst v3  }
0x13d: {  	v3 =	vld.idx.msk [tilespmem:v4+s15+$0x0], $0xffff;
	_ =	sdelay $0x4  }
0x13e: {  	s26 =	simm.s32 $0x0;
	s28 =	rddreg [dreg:$0xf];
	[tilespmem:s19+$0x14000] =	vst v3  }
0x13f: {  	[hbm4b:s28+s26] =	stream.linear.scatter [tilespmem:s16], [sflag:$0x1], $0x8000, $0x38;
	[tilespmem:$0x1C000] =	vst v63  }
0x140: {  	_ =	swait.ge [sflag:s7], $0x8000  }
0x141: {  	s29 =	sld [smem:$0x7F7]  }
0x142: {  	[sflag:s7] =	ssyncset.done $0x0  }
0x143: {  	[sflag:s7] =	ssyncadd.s32 $0xFFFF8000  }
0x144: {  	[tilespmem:s15], [sflag:$0x1] =	stream.linear.gather [hbm4b:s29+s26], $0x1000, $0x38;
	[tilespmem:$0x1C000] =	vst v63  }
0x145: {  	_ =	swait.ge [sflag:s7], $0x1000  }
0x146: {  	[sflag:s7] =	ssyncset.done $0x0  }
0x147: {  	s18 =	simm.s32 $0x0;
	[sflag:s7] =	ssyncadd.s32 $0xFFFFF000  }
0x148: {  	v3 =	vld [tilespmem:s18+$0xB000];
	_ =	sdelay $0x7  }
0x149: {  	s20 =	simm.s32 $0x80;
	s19 =	simm.s32 $0x10;
	v3 =	vld.idx.msk [tilespmem:v3+s15+$0x0], $0xffff  }
.LBB2_22:
0x14a: {  	p0 =	sne.s32 s20, $0x1FFC0;
	v4 =	vld [tilespmem:s19+$0xB000];
	_ =	sdelay $0x3  }
.Ltmp10:
0x14b: {  	(pc) =	sbr.rel @p0 .LBB2_22-.Ltmp10, $2  }
0x14c: {  	[tilespmem:s18+$0x14000] =	vst v3;
	s18 =	smov.u32 s19;
	_ =	sdelay $0x2  }
0x14d: {  	s19 =	sshra.s32 s20, $0x2;
	s20 =	sadd.s32 $0x40, s20;
	v3 =	vld.idx.msk [tilespmem:v4+s15+$0x0], $0xffff  }
0x14e: {  	v4 =	vld [tilespmem:s19+$0xB000];
	_ =	sdelay $0x6  }
0x14f: {  	[tilespmem:s18+$0x14000] =	vst v3  }
0x150: {  	v3 =	vld.idx.msk [tilespmem:v4+s15+$0x0], $0xffff;
	_ =	sdelay $0x4  }
0x151: {  	s26 =	simm.s32 $0x0;
	s28 =	rddreg [dreg:$0x10];
	[tilespmem:s19+$0x14000] =	vst v3  }
0x152: {  	[hbm4b:s28+s26] =	stream.linear.scatter [tilespmem:s16], [sflag:$0x1], $0x8000, $0x38;
	[tilespmem:$0x1C000] =	vst v63  }
0x153: {  	_ =	swait.ge [sflag:s7], $0x8000  }
0x154: {  	s29 =	sld [smem:$0x7F8]  }
0x155: {  	[sflag:s7] =	ssyncset.done $0x0  }
0x156: {  	[sflag:s7] =	ssyncadd.s32 $0xFFFF8000  }
0x157: {  	[tilespmem:s15], [sflag:$0x1] =	stream.linear.gather [hbm4b:s29+s26], $0x1000, $0x38;
	[tilespmem:$0x1C000] =	vst v63  }
0x158: {  	_ =	swait.ge [sflag:s7], $0x1000  }
0x159: {  	[sflag:s7] =	ssyncset.done $0x0  }
0x15a: {  	s18 =	simm.s32 $0x0;
	[sflag:s7] =	ssyncadd.s32 $0xFFFFF000  }
0x15b: {  	v3 =	vld [tilespmem:s18+$0xB000];
	_ =	sdelay $0x7  }
0x15c: {  	s20 =	simm.s32 $0x80;
	s19 =	simm.s32 $0x10;
	v3 =	vld.idx.msk [tilespmem:v3+s15+$0x0], $0xffff  }
.LBB2_24:
0x15d: {  	p0 =	sne.s32 s20, $0x1FFC0;
	v4 =	vld [tilespmem:s19+$0xB000];
	_ =	sdelay $0x3  }
.Ltmp11:
0x15e: {  	(pc) =	sbr.rel @p0 .LBB2_24-.Ltmp11, $2  }
0x15f: {  	[tilespmem:s18+$0x14000] =	vst v3;
	s18 =	smov.u32 s19;
	_ =	sdelay $0x2  }
0x160: {  	s19 =	sshra.s32 s20, $0x2;
	s20 =	sadd.s32 $0x40, s20;
	v3 =	vld.idx.msk [tilespmem:v4+s15+$0x0], $0xffff  }
0x161: {  	v4 =	vld [tilespmem:s19+$0xB000];
	_ =	sdelay $0x6  }
0x162: {  	[tilespmem:s18+$0x14000] =	vst v3  }
0x163: {  	v3 =	vld.idx.msk [tilespmem:v4+s15+$0x0], $0xffff;
	_ =	sdelay $0x4  }
0x164: {  	s26 =	simm.s32 $0x0;
	s28 =	rddreg [dreg:$0x11];
	[tilespmem:s19+$0x14000] =	vst v3  }
0x165: {  	[hbm4b:s28+s26] =	stream.linear.scatter [tilespmem:s16], [sflag:$0x1], $0x8000, $0x38;
	[tilespmem:$0x1C000] =	vst v63  }
0x166: {  	_ =	swait.ge [sflag:s7], $0x8000  }
0x167: {  	s29 =	sld [smem:$0x7F9]  }
0x168: {  	[sflag:s7] =	ssyncset.done $0x0  }
0x169: {  	[sflag:s7] =	ssyncadd.s32 $0xFFFF8000  }
0x16a: {  	[tilespmem:s15], [sflag:$0x1] =	stream.linear.gather [hbm4b:s29+s26], $0x1000, $0x38;
	[tilespmem:$0x1C000] =	vst v63  }
0x16b: {  	_ =	swait.ge [sflag:s7], $0x1000  }
0x16c: {  	[sflag:s7] =	ssyncset.done $0x0  }
0x16d: {  	s18 =	simm.s32 $0x0;
	[sflag:s7] =	ssyncadd.s32 $0xFFFFF000  }
0x16e: {  	v3 =	vld [tilespmem:s18+$0xB000];
	_ =	sdelay $0x7  }
0x16f: {  	s20 =	simm.s32 $0x80;
	s19 =	simm.s32 $0x10;
	v3 =	vld.idx.msk [tilespmem:v3+s15+$0x0], $0xffff  }
.LBB2_26:
0x170: {  	p0 =	sne.s32 s20, $0x1FFC0;
	v4 =	vld [tilespmem:s19+$0xB000];
	_ =	sdelay $0x3  }
.Ltmp12:
0x171: {  	(pc) =	sbr.rel @p0 .LBB2_26-.Ltmp12, $2  }
0x172: {  	[tilespmem:s18+$0x14000] =	vst v3;
	s18 =	smov.u32 s19;
	_ =	sdelay $0x2  }
0x173: {  	s19 =	sshra.s32 s20, $0x2;
	s20 =	sadd.s32 $0x40, s20;
	v3 =	vld.idx.msk [tilespmem:v4+s15+$0x0], $0xffff  }
0x174: {  	v4 =	vld [tilespmem:s19+$0xB000];
	_ =	sdelay $0x6  }
0x175: {  	[tilespmem:s18+$0x14000] =	vst v3  }
0x176: {  	v3 =	vld.idx.msk [tilespmem:v4+s15+$0x0], $0xffff;
	_ =	sdelay $0x4  }
0x177: {  	s26 =	simm.s32 $0x0;
	s28 =	rddreg [dreg:$0x12];
	[tilespmem:s19+$0x14000] =	vst v3  }
0x178: {  	[hbm4b:s28+s26] =	stream.linear.scatter [tilespmem:s16], [sflag:$0x1], $0x8000, $0x38;
	[tilespmem:$0x1C000] =	vst v63  }
0x179: {  	_ =	swait.ge [sflag:s7], $0x8000  }
0x17a: {  	s29 =	sld [smem:$0x7FA]  }
0x17b: {  	[sflag:s7] =	ssyncset.done $0x0  }
0x17c: {  	[sflag:s7] =	ssyncadd.s32 $0xFFFF8000  }
0x17d: {  	[tilespmem:s15], [sflag:$0x1] =	stream.linear.gather [hbm4b:s29+s26], $0x1000, $0x38;
	[tilespmem:$0x1C000] =	vst v63  }
0x17e: {  	_ =	swait.ge [sflag:s7], $0x1000  }
0x17f: {  	[sflag:s7] =	ssyncset.done $0x0  }
0x180: {  	s18 =	simm.s32 $0x0;
	[sflag:s7] =	ssyncadd.s32 $0xFFFFF000  }
0x181: {  	v3 =	vld [tilespmem:s18+$0xB000];
	_ =	sdelay $0x7  }
0x182: {  	s20 =	simm.s32 $0x80;
	s19 =	simm.s32 $0x10;
	v3 =	vld.idx.msk [tilespmem:v3+s15+$0x0], $0xffff  }
.LBB2_28:
0x183: {  	p0 =	sne.s32 s20, $0x1FFC0;
	v4 =	vld [tilespmem:s19+$0xB000];
	_ =	sdelay $0x3  }
.Ltmp13:
0x184: {  	(pc) =	sbr.rel @p0 .LBB2_28-.Ltmp13, $2  }
0x185: {  	[tilespmem:s18+$0x14000] =	vst v3;
	s18 =	smov.u32 s19;
	_ =	sdelay $0x2  }
0x186: {  	s19 =	sshra.s32 s20, $0x2;
	s20 =	sadd.s32 $0x40, s20;
	v3 =	vld.idx.msk [tilespmem:v4+s15+$0x0], $0xffff  }
0x187: {  	v4 =	vld [tilespmem:s19+$0xB000];
	_ =	sdelay $0x6  }
0x188: {  	[tilespmem:s18+$0x14000] =	vst v3  }
0x189: {  	v3 =	vld.idx.msk [tilespmem:v4+s15+$0x0], $0xffff;
	_ =	sdelay $0x4  }
0x18a: {  	s26 =	simm.s32 $0x0;
	s28 =	rddreg [dreg:$0x13];
	[tilespmem:s19+$0x14000] =	vst v3  }
0x18b: {  	[hbm4b:s28+s26] =	stream.linear.scatter [tilespmem:s16], [sflag:$0x1], $0x8000, $0x38;
	[tilespmem:$0x1C000] =	vst v63  }
0x18c: {  	_ =	swait.ge [sflag:s7], $0x8000  }
0x18d: {  	s29 =	sld [smem:$0x7FB]  }
0x18e: {  	[sflag:s7] =	ssyncset.done $0x0  }
0x18f: {  	[sflag:s7] =	ssyncadd.s32 $0xFFFF8000  }
0x190: {  	[tilespmem:s15], [sflag:$0x1] =	stream.linear.gather [hbm4b:s29+s26], $0x1000, $0x38;
	[tilespmem:$0x1C000] =	vst v63  }
0x191: {  	_ =	swait.ge [sflag:s7], $0x1000  }
0x192: {  	[sflag:s7] =	ssyncset.done $0x0  }
0x193: {  	s18 =	simm.s32 $0x0;
	[sflag:s7] =	ssyncadd.s32 $0xFFFFF000  }
0x194: {  	v3 =	vld [tilespmem:s18+$0xB000];
	_ =	sdelay $0x7  }
0x195: {  	s20 =	simm.s32 $0x80;
	s19 =	simm.s32 $0x10;
	v3 =	vld.idx.msk [tilespmem:v3+s15+$0x0], $0xffff  }
.LBB2_30:
0x196: {  	p0 =	sne.s32 s20, $0x1FFC0;
	v4 =	vld [tilespmem:s19+$0xB000];
	_ =	sdelay $0x3  }
.Ltmp14:
0x197: {  	(pc) =	sbr.rel @p0 .LBB2_30-.Ltmp14, $2  }
0x198: {  	[tilespmem:s18+$0x14000] =	vst v3;
	s18 =	smov.u32 s19;
	_ =	sdelay $0x2  }
0x199: {  	s19 =	sshra.s32 s20, $0x2;
	s20 =	sadd.s32 $0x40, s20;
	v3 =	vld.idx.msk [tilespmem:v4+s15+$0x0], $0xffff  }
0x19a: {  	v4 =	vld [tilespmem:s19+$0xB000];
	_ =	sdelay $0x6  }
0x19b: {  	[tilespmem:s18+$0x14000] =	vst v3  }
0x19c: {  	v3 =	vld.idx.msk [tilespmem:v4+s15+$0x0], $0xffff;
	_ =	sdelay $0x4  }
0x19d: {  	s26 =	simm.s32 $0x0;
	s28 =	rddreg [dreg:$0x14];
	[tilespmem:s19+$0x14000] =	vst v3  }
0x19e: {  	[hbm4b:s28+s26] =	stream.linear.scatter [tilespmem:s16], [sflag:$0x1], $0x8000, $0x38;
	[tilespmem:$0x1C000] =	vst v63  }
0x19f: {  	_ =	swait.ge [sflag:s7], $0x8000  }
0x1a0: {  	s29 =	sld [smem:$0x7FC]  }
0x1a1: {  	[sflag:s7] =	ssyncset.done $0x0  }
0x1a2: {  	[sflag:s7] =	ssyncadd.s32 $0xFFFF8000  }
0x1a3: {  	[tilespmem:s15], [sflag:$0x1] =	stream.linear.gather [hbm4b:s29+s26], $0x1000, $0x38;
	[tilespmem:$0x1C000] =	vst v63  }
0x1a4: {  	_ =	swait.ge [sflag:s7], $0x1000  }
0x1a5: {  	[sflag:s7] =	ssyncset.done $0x0  }
0x1a6: {  	s18 =	simm.s32 $0x0;
	[sflag:s7] =	ssyncadd.s32 $0xFFFFF000  }
0x1a7: {  	v3 =	vld [tilespmem:s18+$0xB000];
	_ =	sdelay $0x7  }
0x1a8: {  	s20 =	simm.s32 $0x80;
	s19 =	simm.s32 $0x10;
	v3 =	vld.idx.msk [tilespmem:v3+s15+$0x0], $0xffff  }
.LBB2_32:
0x1a9: {  	p0 =	sne.s32 s20, $0x1FFC0;
	v4 =	vld [tilespmem:s19+$0xB000];
	_ =	sdelay $0x3  }
.Ltmp15:
0x1aa: {  	(pc) =	sbr.rel @p0 .LBB2_32-.Ltmp15, $2  }
0x1ab: {  	[tilespmem:s18+$0x14000] =	vst v3;
	s18 =	smov.u32 s19;
	_ =	sdelay $0x2  }
0x1ac: {  	s19 =	sshra.s32 s20, $0x2;
	s20 =	sadd.s32 $0x40, s20;
	v3 =	vld.idx.msk [tilespmem:v4+s15+$0x0], $0xffff  }
0x1ad: {  	v4 =	vld [tilespmem:s19+$0xB000];
	_ =	sdelay $0x6  }
0x1ae: {  	[tilespmem:s18+$0x14000] =	vst v3  }
0x1af: {  	v3 =	vld.idx.msk [tilespmem:v4+s15+$0x0], $0xffff;
	_ =	sdelay $0x4  }
0x1b0: {  	s26 =	simm.s32 $0x0;
	s28 =	rddreg [dreg:$0x15];
	[tilespmem:s19+$0x14000] =	vst v3  }
0x1b1: {  	[hbm4b:s28+s26] =	stream.linear.scatter [tilespmem:s16], [sflag:$0x1], $0x8000, $0x38;
	[tilespmem:$0x1C000] =	vst v63  }
0x1b2: {  	_ =	swait.ge [sflag:s7], $0x8000  }
0x1b3: {  	s29 =	sld [smem:$0x7FD]  }
0x1b4: {  	[sflag:s7] =	ssyncset.done $0x0  }
0x1b5: {  	[sflag:s7] =	ssyncadd.s32 $0xFFFF8000  }
0x1b6: {  	[tilespmem:s15], [sflag:$0x1] =	stream.linear.gather [hbm4b:s29+s26], $0x1000, $0x38;
	[tilespmem:$0x1C000] =	vst v63  }
0x1b7: {  	_ =	swait.ge [sflag:s7], $0x1000  }
0x1b8: {  	[sflag:s7] =	ssyncset.done $0x0  }
0x1b9: {  	s18 =	simm.s32 $0x0;
	[sflag:s7] =	ssyncadd.s32 $0xFFFFF000  }
0x1ba: {  	v3 =	vld [tilespmem:s18+$0xB000];
	_ =	sdelay $0x7  }
0x1bb: {  	s20 =	simm.s32 $0x80;
	s19 =	simm.s32 $0x10;
	v3 =	vld.idx.msk [tilespmem:v3+s15+$0x0], $0xffff  }
.LBB2_34:
0x1bc: {  	p0 =	sne.s32 s20, $0x1FFC0;
	v4 =	vld [tilespmem:s19+$0xB000];
	_ =	sdelay $0x3  }
.Ltmp16:
0x1bd: {  	(pc) =	sbr.rel @p0 .LBB2_34-.Ltmp16, $2  }
0x1be: {  	[tilespmem:s18+$0x14000] =	vst v3;
	s18 =	smov.u32 s19;
	_ =	sdelay $0x2  }
0x1bf: {  	s19 =	sshra.s32 s20, $0x2;
	s20 =	sadd.s32 $0x40, s20;
	v3 =	vld.idx.msk [tilespmem:v4+s15+$0x0], $0xffff  }
0x1c0: {  	v4 =	vld [tilespmem:s19+$0xB000];
	_ =	sdelay $0x6  }
0x1c1: {  	[tilespmem:s18+$0x14000] =	vst v3  }
0x1c2: {  	v3 =	vld.idx.msk [tilespmem:v4+s15+$0x0], $0xffff;
	_ =	sdelay $0x4  }
0x1c3: {  	s28 =	simm.s32 $0x0;
	s29 =	rddreg [dreg:$0x16];
	[tilespmem:s19+$0x14000] =	vst v3  }
0x1c4: {  	[hbm4b:s29+s28] =	stream.linear.scatter [tilespmem:s16], [sflag:$0x1], $0x8000, $0x38;
	[tilespmem:$0x1C000] =	vst v63  }
0x1c5: {  	_ =	swait.ge [sflag:s7], $0x8000  }
0x1c6: {  	[sflag:s7] =	ssyncset.done $0x0  }
0x1c7: {  	[sflag:s7] =	ssyncadd.s32 $0xFFFF8000  }
0x1c8: {  	[tilespmem:s15], [sflag:$0x1] =	stream.linear.gather [hbm4b:s30+s28], $0x1000, $0x38;
	[tilespmem:$0x1C000] =	vst v63  }
0x1c9: {  	_ =	swait.ge [sflag:s7], $0x1000  }
0x1ca: {  	[sflag:s7] =	ssyncset.done $0x0  }
0x1cb: {  	s18 =	simm.s32 $0x0;
	[sflag:s7] =	ssyncadd.s32 $0xFFFFF000  }
0x1cc: {  	v3 =	vld [tilespmem:s18+$0xB000];
	_ =	sdelay $0x7  }
0x1cd: {  	s20 =	simm.s32 $0x80;
	s19 =	simm.s32 $0x10;
	v3 =	vld.idx.msk [tilespmem:v3+s15+$0x0], $0xffff  }
.LBB2_36:
0x1ce: {  	p0 =	sne.s32 s20, $0x1FFC0;
	v4 =	vld [tilespmem:s19+$0xB000];
	_ =	sdelay $0x3  }
.Ltmp17:
0x1cf: {  	(pc) =	sbr.rel @p0 .LBB2_36-.Ltmp17, $2  }
0x1d0: {  	[tilespmem:s18+$0x14000] =	vst v3;
	s18 =	smov.u32 s19;
	_ =	sdelay $0x2  }
0x1d1: {  	s19 =	sshra.s32 s20, $0x2;
	s20 =	sadd.s32 $0x40, s20;
	v3 =	vld.idx.msk [tilespmem:v4+s15+$0x0], $0xffff  }
0x1d2: {  	v4 =	vld [tilespmem:s19+$0xB000];
	_ =	sdelay $0x6  }
0x1d3: {  	[tilespmem:s18+$0x14000] =	vst v3  }
0x1d4: {  	v3 =	vld.idx.msk [tilespmem:v4+s15+$0x0], $0xffff;
	_ =	sdelay $0x4  }
0x1d5: {  	s28 =	simm.s32 $0x0;
	s29 =	rddreg [dreg:$0x17];
	[tilespmem:s19+$0x14000] =	vst v3  }
0x1d6: {  	[hbm4b:s29+s28] =	stream.linear.scatter [tilespmem:s16], [sflag:$0x1], $0x8000, $0x38;
	[tilespmem:$0x1C000] =	vst v63  }
0x1d7: {  	_ =	swait.ge [sflag:s7], $0x8000  }
0x1d8: {  	[sflag:s7] =	ssyncset.done $0x0  }
0x1d9: {  	[sflag:s7] =	ssyncadd.s32 $0xFFFF8000  }
0x1da: {  	[tilespmem:s15], [sflag:$0x1] =	stream.linear.gather [hbm4b:s31+s28], $0x1000, $0x38;
	[tilespmem:$0x1C000] =	vst v63  }
0x1db: {  	_ =	swait.ge [sflag:s7], $0x1000  }
0x1dc: {  	[sflag:s7] =	ssyncset.done $0x0  }
0x1dd: {  	s18 =	simm.s32 $0x0;
	[sflag:s7] =	ssyncadd.s32 $0xFFFFF000  }
0x1de: {  	v3 =	vld [tilespmem:s18+$0xB000];
	_ =	sdelay $0x7  }
0x1df: {  	s20 =	simm.s32 $0x80;
	s19 =	simm.s32 $0x10;
	v3 =	vld.idx.msk [tilespmem:v3+s15+$0x0], $0xffff  }
.LBB2_38:
0x1e0: {  	p0 =	sne.s32 s20, $0x1FFC0;
	v4 =	vld [tilespmem:s19+$0xB000];
	_ =	sdelay $0x3  }
.Ltmp18:
0x1e1: {  	(pc) =	sbr.rel @p0 .LBB2_38-.Ltmp18, $2  }
0x1e2: {  	[tilespmem:s18+$0x14000] =	vst v3;
	s18 =	smov.u32 s19;
	_ =	sdelay $0x2  }
0x1e3: {  	s19 =	sshra.s32 s20, $0x2;
	s20 =	sadd.s32 $0x40, s20;
	v3 =	vld.idx.msk [tilespmem:v4+s15+$0x0], $0xffff  }
0x1e4: {  	v4 =	vld [tilespmem:s19+$0xB000];
	_ =	sdelay $0x6  }
0x1e5: {  	[tilespmem:s18+$0x14000] =	vst v3  }
0x1e6: {  	v3 =	vld.idx.msk [tilespmem:v4+s15+$0x0], $0xffff;
	_ =	sdelay $0x4  }
0x1e7: {  	s28 =	simm.s32 $0x0;
	s29 =	rddreg [dreg:$0x18];
	[tilespmem:s19+$0x14000] =	vst v3  }
0x1e8: {  	[hbm4b:s29+s28] =	stream.linear.scatter [tilespmem:s16], [sflag:$0x1], $0x8000, $0x38;
	[tilespmem:$0x1C000] =	vst v63  }
0x1e9: {  	_ =	swait.ge [sflag:s7], $0x8000  }
0x1ea: {  	[sflag:s7] =	ssyncset.done $0x0  }
0x1eb: {  	[sflag:s7] =	ssyncadd.s32 $0xFFFF8000  }
0x1ec: {  	[tilespmem:s15], [sflag:$0x1] =	stream.linear.gather [hbm4b:s1+s28], $0x1000, $0x38;
	[tilespmem:$0x1C000] =	vst v63  }
0x1ed: {  	_ =	swait.ge [sflag:s7], $0x1000  }
0x1ee: {  	[sflag:s7] =	ssyncset.done $0x0  }
0x1ef: {  	s18 =	simm.s32 $0x0;
	[sflag:s7] =	ssyncadd.s32 $0xFFFFF000  }
0x1f0: {  	v3 =	vld [tilespmem:s18+$0xB000];
	_ =	sdelay $0x7  }
0x1f1: {  	s20 =	simm.s32 $0x80;
	s19 =	simm.s32 $0x10;
	v3 =	vld.idx.msk [tilespmem:v3+s15+$0x0], $0xffff  }
.LBB2_40:
0x1f2: {  	p0 =	sne.s32 s20, $0x1FFC0;
	v4 =	vld [tilespmem:s19+$0xB000];
	_ =	sdelay $0x3  }
.Ltmp19:
0x1f3: {  	(pc) =	sbr.rel @p0 .LBB2_40-.Ltmp19, $2  }
0x1f4: {  	[tilespmem:s18+$0x14000] =	vst v3;
	s18 =	smov.u32 s19;
	_ =	sdelay $0x2  }
0x1f5: {  	s19 =	sshra.s32 s20, $0x2;
	s20 =	sadd.s32 $0x40, s20;
	v3 =	vld.idx.msk [tilespmem:v4+s15+$0x0], $0xffff  }
0x1f6: {  	v4 =	vld [tilespmem:s19+$0xB000];
	_ =	sdelay $0x6  }
0x1f7: {  	[tilespmem:s18+$0x14000] =	vst v3  }
0x1f8: {  	v3 =	vld.idx.msk [tilespmem:v4+s15+$0x0], $0xffff;
	_ =	sdelay $0x4  }
0x1f9: {  	s26 =	simm.s32 $0x0;
	s28 =	rddreg [dreg:$0x19];
	[tilespmem:s19+$0x14000] =	vst v3  }
0x1fa: {  	[hbm4b:s28+s26] =	stream.linear.scatter [tilespmem:s16], [sflag:$0x1], $0x8000, $0x38;
	[tilespmem:$0x1C000] =	vst v63  }
0x1fb: {  	_ =	swait.ge [sflag:s7], $0x8000  }
0x1fc: {  	[sflag:s7] =	ssyncset.done $0x0  }
0x1fd: {  	[sflag:s7] =	ssyncadd.s32 $0xFFFF8000  }
0x1fe: {  	s29 =	rddreg [dreg:$0x4]  }
0x1ff: {  	[tilespmem:s15], [sflag:$0x1] =	stream.linear.gather [hbm4b:s29+s26], $0x1000, $0x38;
	[tilespmem:$0x1C000] =	vst v63  }
0x200: {  	_ =	swait.ge [sflag:s7], $0x1000  }
0x201: {  	[sflag:s7] =	ssyncset.done $0x0  }
0x202: {  	s18 =	simm.s32 $0x0;
	[sflag:s7] =	ssyncadd.s32 $0xFFFFF000  }
0x203: {  	v3 =	vld [tilespmem:s18+$0xB000];
	_ =	sdelay $0x7  }
0x204: {  	s20 =	simm.s32 $0x80;
	s19 =	simm.s32 $0x10;
	v3 =	vld.idx.msk [tilespmem:v3+s15+$0x0], $0xffff  }
.LBB2_42:
0x205: {  	p0 =	sne.s32 s20, $0x1FFC0;
	v4 =	vld [tilespmem:s19+$0xB000];
	_ =	sdelay $0x3  }
.Ltmp20:
0x206: {  	(pc) =	sbr.rel @p0 .LBB2_42-.Ltmp20, $2  }
0x207: {  	[tilespmem:s18+$0x14000] =	vst v3;
	s18 =	smov.u32 s19;
	_ =	sdelay $0x2  }
0x208: {  	s19 =	sshra.s32 s20, $0x2;
	s20 =	sadd.s32 $0x40, s20;
	v3 =	vld.idx.msk [tilespmem:v4+s15+$0x0], $0xffff  }
0x209: {  	v4 =	vld [tilespmem:s19+$0xB000];
	_ =	sdelay $0x6  }
0x20a: {  	[tilespmem:s18+$0x14000] =	vst v3  }
0x20b: {  	v3 =	vld.idx.msk [tilespmem:v4+s15+$0x0], $0xffff;
	_ =	sdelay $0x4  }
0x20c: {  	s26 =	simm.s32 $0x0;
	s28 =	rddreg [dreg:$0x1a];
	[tilespmem:s19+$0x14000] =	vst v3  }
0x20d: {  	[hbm4b:s28+s26] =	stream.linear.scatter [tilespmem:s16], [sflag:$0x1], $0x8000, $0x38;
	[tilespmem:$0x1C000] =	vst v63  }
0x20e: {  	_ =	swait.ge [sflag:s7], $0x8000  }
0x20f: {  	[sflag:s7] =	ssyncset.done $0x0  }
0x210: {  	[sflag:s7] =	ssyncadd.s32 $0xFFFF8000  }
0x211: {  	s29 =	rddreg [dreg:$0x5]  }
0x212: {  	[tilespmem:s15], [sflag:$0x1] =	stream.linear.gather [hbm4b:s29+s26], $0x1000, $0x38;
	[tilespmem:$0x1C000] =	vst v63  }
0x213: {  	_ =	swait.ge [sflag:s7], $0x1000  }
0x214: {  	[sflag:s7] =	ssyncset.done $0x0  }
0x215: {  	s18 =	simm.s32 $0x0;
	[sflag:s7] =	ssyncadd.s32 $0xFFFFF000  }
0x216: {  	v3 =	vld [tilespmem:s18+$0xB000];
	_ =	sdelay $0x7  }
0x217: {  	s20 =	simm.s32 $0x80;
	s19 =	simm.s32 $0x10;
	v3 =	vld.idx.msk [tilespmem:v3+s15+$0x0], $0xffff  }
.LBB2_44:
0x218: {  	p0 =	sne.s32 s20, $0x1FFC0;
	v4 =	vld [tilespmem:s19+$0xB000];
	_ =	sdelay $0x3  }
.Ltmp21:
0x219: {  	(pc) =	sbr.rel @p0 .LBB2_44-.Ltmp21, $2  }
0x21a: {  	[tilespmem:s18+$0x14000] =	vst v3;
	s18 =	smov.u32 s19;
	_ =	sdelay $0x2  }
0x21b: {  	s19 =	sshra.s32 s20, $0x2;
	s20 =	sadd.s32 $0x40, s20;
	v3 =	vld.idx.msk [tilespmem:v4+s15+$0x0], $0xffff  }
0x21c: {  	v4 =	vld [tilespmem:s19+$0xB000];
	_ =	sdelay $0x6  }
0x21d: {  	[tilespmem:s18+$0x14000] =	vst v3  }
0x21e: {  	v3 =	vld.idx.msk [tilespmem:v4+s15+$0x0], $0xffff;
	_ =	sdelay $0x4  }
0x21f: {  	s26 =	simm.s32 $0x0;
	s28 =	rddreg [dreg:$0x1b];
	[tilespmem:s19+$0x14000] =	vst v3  }
0x220: {  	[hbm4b:s28+s26] =	stream.linear.scatter [tilespmem:s16], [sflag:$0x1], $0x8000, $0x38;
	[tilespmem:$0x1C000] =	vst v63  }
0x221: {  	_ =	swait.ge [sflag:s7], $0x8000  }
0x222: {  	[sflag:s7] =	ssyncset.done $0x0  }
0x223: {  	s29 =	rddreg [dreg:$0x8];
	[sflag:s7] =	ssyncadd.s32 $0xFFFF8000  }
0x224: {  	[tilespmem:s15], [sflag:$0x1] =	stream.linear.gather [hbm4b:s29+s26], $0x1000, $0x38;
	[tilespmem:$0x1C000] =	vst v63  }
0x225: {  	_ =	swait.ge [sflag:s7], $0x1000  }
0x226: {  	[sflag:s7] =	ssyncset.done $0x0  }
0x227: {  	s18 =	simm.s32 $0x0;
	[sflag:s7] =	ssyncadd.s32 $0xFFFFF000  }
0x228: {  	v3 =	vld [tilespmem:s18+$0xB000];
	_ =	sdelay $0x7  }
0x229: {  	s20 =	simm.s32 $0x80;
	s19 =	simm.s32 $0x10;
	v3 =	vld.idx.msk [tilespmem:v3+s15+$0x0], $0xffff  }
.LBB2_46:
0x22a: {  	p0 =	sne.s32 s20, $0x1FFC0;
	v4 =	vld [tilespmem:s19+$0xB000];
	_ =	sdelay $0x3  }
.Ltmp22:
0x22b: {  	(pc) =	sbr.rel @p0 .LBB2_46-.Ltmp22, $2  }
0x22c: {  	[tilespmem:s18+$0x14000] =	vst v3;
	s18 =	smov.u32 s19;
	_ =	sdelay $0x2  }
0x22d: {  	s19 =	sshra.s32 s20, $0x2;
	s20 =	sadd.s32 $0x40, s20;
	v3 =	vld.idx.msk [tilespmem:v4+s15+$0x0], $0xffff  }
0x22e: {  	v4 =	vld [tilespmem:s19+$0xB000];
	_ =	sdelay $0x6  }
0x22f: {  	[tilespmem:s18+$0x14000] =	vst v3  }
0x230: {  	v3 =	vld.idx.msk [tilespmem:v4+s15+$0x0], $0xffff;
	_ =	sdelay $0x4  }
0x231: {  	s26 =	simm.s32 $0x0;
	s28 =	rddreg [dreg:$0x1c];
	[tilespmem:s19+$0x14000] =	vst v3  }
0x232: {  	[hbm4b:s28+s26] =	stream.linear.scatter [tilespmem:s16], [sflag:$0x1], $0x8000, $0x38;
	[tilespmem:$0x1C000] =	vst v63  }
0x233: {  	_ =	swait.ge [sflag:s7], $0x8000  }
0x234: {  	[sflag:s7] =	ssyncset.done $0x0  }
0x235: {  	s29 =	rddreg [dreg:$0x9];
	[sflag:s7] =	ssyncadd.s32 $0xFFFF8000  }
0x236: {  	[tilespmem:s15], [sflag:$0x1] =	stream.linear.gather [hbm4b:s29+s26], $0x1000, $0x38;
	[tilespmem:$0x1C000] =	vst v63  }
0x237: {  	_ =	swait.ge [sflag:s7], $0x1000  }
0x238: {  	[sflag:s7] =	ssyncset.done $0x0  }
0x239: {  	s18 =	simm.s32 $0x0;
	[sflag:s7] =	ssyncadd.s32 $0xFFFFF000  }
0x23a: {  	v3 =	vld [tilespmem:s18+$0xB000];
	_ =	sdelay $0x7  }
0x23b: {  	s20 =	simm.s32 $0x80;
	s19 =	simm.s32 $0x10;
	v3 =	vld.idx.msk [tilespmem:v3+s15+$0x0], $0xffff  }
.LBB2_48:
0x23c: {  	p0 =	sne.s32 s20, $0x1FFC0;
	v4 =	vld [tilespmem:s19+$0xB000];
	_ =	sdelay $0x3  }
.Ltmp23:
0x23d: {  	(pc) =	sbr.rel @p0 .LBB2_48-.Ltmp23, $2  }
0x23e: {  	[tilespmem:s18+$0x14000] =	vst v3;
	s18 =	smov.u32 s19;
	_ =	sdelay $0x2  }
0x23f: {  	s19 =	sshra.s32 s20, $0x2;
	s20 =	sadd.s32 $0x40, s20;
	v3 =	vld.idx.msk [tilespmem:v4+s15+$0x0], $0xffff  }
0x240: {  	v4 =	vld [tilespmem:s19+$0xB000];
	_ =	sdelay $0x6  }
0x241: {  	[tilespmem:s18+$0x14000] =	vst v3  }
0x242: {  	v3 =	vld.idx.msk [tilespmem:v4+s15+$0x0], $0xffff;
	_ =	sdelay $0x4  }
0x243: {  	s28 =	simm.s32 $0x0;
	s29 =	rddreg [dreg:$0x1d];
	[tilespmem:s19+$0x14000] =	vst v3  }
0x244: {  	[hbm4b:s29+s28] =	stream.linear.scatter [tilespmem:s16], [sflag:$0x1], $0x8000, $0x38;
	[tilespmem:$0x1C000] =	vst v63  }
0x245: {  	_ =	swait.ge [sflag:s7], $0x8000  }
0x246: {  	[sflag:s7] =	ssyncset.done $0x0  }
0x247: {  	s18 =	simm.s32 $0x40;
	s19 =	simm.s32 $0x0;
	[sflag:s7] =	ssyncadd.s32 $0xFFFF8000  }
.LBB2_50:
0x248: {  	p0 =	sne.s32 s18, $0x1FFC0;
	[tilespmem:s19+$0x14000] =	vst v1;
	s19 =	smov.u32 s18;
	s18 =	sadd.s32 $0x40, s18  }
.Ltmp24:
0x249: {  	(pc) =	sbr.rel @p0 .LBB2_50-.Ltmp24, $2  }
0x24a: {  	_ =	sdelay $0x2  }
0x24b: {  	s19 =	sshra.s32 s19, $0x2  }
0x24c: {  	[tilespmem:s19+$0x14000] =	vst v1;
	s18 =	rddreg [dreg:$0x1e]  }
0x24d: {  	[hbm4b:s18+s8] =	stream.linear.scatter [tilespmem:s16], [sflag:$0x1], $0x8000, $0x38;
	[tilespmem:$0x1C000] =	vst v63  }
0x24e: {  	_ =	swait.ge [sflag:s7], $0x8000  }
0x24f: {  	[sflag:s7] =	ssyncset.done $0x0  }
0x250: {  	s25 =	rddreg [dreg:$0x1f];
	[sflag:s7] =	ssyncadd.s32 $0xFFFF8000  }
0x251: {  	[hbm4b:s25+s8] =	stream.linear.scatter [tilespmem:s16], [sflag:$0x1], $0x8000, $0x38;
	[tilespmem:$0x1C000] =	vst v63  }
0x252: {  	_ =	swait.ge [sflag:s7], $0x8000  }
0x253: {  	s26 =	sld [smem:$0x7EE]  }
0x254: {  	[sflag:s7] =	ssyncset.done $0x0  }
0x255: {  	[sflag:s7] =	ssyncadd.s32 $0xFFFF8000  }
0x256: {  	[hbm4b:s26+s8] =	stream.linear.scatter [tilespmem:s16], [sflag:$0x1], $0x8000, $0x38;
	[tilespmem:$0x1C000] =	vst v63  }
0x257: {  	_ =	swait.ge [sflag:s7], $0x8000  }
0x258: {  	s28 =	sld [smem:$0x7EF]  }
0x259: {  	[sflag:s7] =	ssyncset.done $0x0  }
0x25a: {  	[sflag:s7] =	ssyncadd.s32 $0xFFFF8000  }
0x25b: {  	[hbm4b:s28+s8] =	stream.linear.scatter [tilespmem:s16], [sflag:$0x1], $0x8000, $0x38;
	[tilespmem:$0x1C000] =	vst v63  }
0x25c: {  	_ =	swait.ge [sflag:s7], $0x8000  }
0x25d: {  	s29 =	sld [smem:$0x7F0];
	_ =	sdelay $0x1  }
0x25e: {  	s17 =	sadd.s32 $0x1, s17  }
0x25f: {  	p0 =	sne.s32 s17, s29  }
.Ltmp25:
0x260: {  	_ = 	snop;
	(pc) =	sbr.rel @p0 .LBB2_1-.Ltmp25, $3  }
0x261: {  	_ =	sdelay $0x1  }
0x262: {  	[sflag:s7] =	ssyncset.done $0x0  }
0x263: {  	[sflag:s7] =	ssyncadd.s32 $0xFFFF8000  }
0x264: {  	_ =	sfence.sel $0x180000  }
0x265: {  	[bflag:$0x0] =	sbarrier.arrive $0xFFFF  }
0x266: {  	_ =	strace $0x90000047  }
0x267: {  	s0 =	stileid.u32;
	[bflag:$0x2] =	sbarrier.arrive $0xFFFF  }
0x268: {  	p0 =	sne.s32 s0, $0x0;
	s0 =	rddreg [dreg:$0x7]  }
0x269: {  	s0 =	sadd.s32 @!p0 $0x100000, s0  }
0x26a: {  	[sflag:s0] =	ssyncadd.tile.s32 @!p0 $0x1;
	_ =	shalt  }
.Lfunc_end2:
_tile_overlayer_lowered:
.L_overlay_start_2:
0x26b: {  	(tag) =	ssettag $0x2  }
0x26c: {  	s0 =	rddreg [dreg:$0x0];
	s2 =	stileid.u32  }
0x26d: {  	s1 =	rddreg [dreg:$0x1];
	p0 =	sne.s32 s2, $0x0  }
0x26e: {  	s3 =	rddreg [dreg:$0x2];
	[bflag:$0x3] =	sbarrier.arrive $0xFFFF;
	s2 =	simm.s32 @!p0 $0x1C01  }
0x26f: {  	[timem:s3], [sflag:s2] =	dma.local @!p0 [hbm:s0], s1  }
0x270: {  	s0 =	simm.s32 @!p0 $0x1  }
0x271: {  	_ =	swait.ge @!p0 [sflag:s0], s1  }
0x272: {  	s1 =	ssub.s32 @!p0 $0x0, s1;
	[sflag:s0] =	ssyncset.done @!p0 $0x0  }
0x273: {  	[sflag:s0] =	ssyncadd.s32 @!p0 s1  }
0x274: {  	[bflag:$0x3] =	sbarrier.arrive $0xFFFF  }
0x275: {  	_ =	shalt  }

</sc_bundles>
